<compile_context>
chip_gen: v7x
topology: tpu7x:2x2x1
jax: 0.10.2.dev20260603
libtpu: 0.0.44.dev20260713+nightly
codegen_flags: <defaults>
</compile_context>

<pallas_src>
import functools

import jax
import jax.numpy as jnp
from jax import lax
from jax.experimental import pallas as pl
from jax.experimental.pallas import tpu as pltpu
from jax.experimental.pallas import tpu_sc as plsc

F32 = jnp.float32

NNET = 10000
PADN = 10048
NP = 2 * PADN
EDGES = 320000
EALL = 2 * EDGES
EPAD = EALL + 256
C = 128
NSUB = 16
HID = 32
DIN = 128
NG = 512
RB = 1256
GRID = NP // RB
NPB = GRID // 2
RMAX = 640


def _mid_body(x_ref, a_ref, w1_ref, b1_ref, w2_ref, b2_ref, o_ref, *, last):
    h = x_ref[...] + a_ref[...]
    t = jnp.maximum(jnp.dot(h, w1_ref[0], preferred_element_type=F32) + b1_ref[0], 0.0)
    u = jnp.dot(t, w2_ref[0], preferred_element_type=F32) + b2_ref[0]
    if not last:
        u = jnp.maximum(u, 0.0)
    o_ref[...] = u


def _mid(x, agg, w1, b1, w2, b2, last):
    din = x.shape[1]
    return pl.pallas_call(
        functools.partial(_mid_body, last=last),
        grid=(GRID,),
        in_specs=[
            pl.BlockSpec((RB, din), lambda i: (i, 0)),
            pl.BlockSpec((RB, din), lambda i: (i, 0)),
            pl.BlockSpec((1, din, HID), lambda i: (i // NPB, 0, 0)),
            pl.BlockSpec((1, 1, HID), lambda i: (i // NPB, 0, 0)),
            pl.BlockSpec((1, HID, HID), lambda i: (i // NPB, 0, 0)),
            pl.BlockSpec((1, 1, HID), lambda i: (i // NPB, 0, 0)),
        ],
        out_specs=pl.BlockSpec((RB, HID), lambda i: (i, 0)),
        out_shape=jax.ShapeDtypeStruct((NP, HID), F32),
    )(x, agg, w1, b1, w2, b2)


def _pool_body(x_ref, bat_ref, lw1_ref, lb1_ref, lw2_ref, lb2_ref,
               lw3_ref, lb3_ref, fw_ref, fb_ref, o_ref, s_ref, c_ref):
    i = pl.program_id(0)

    @pl.when(i == 0)
    def _init():
        s_ref[...] = jnp.zeros_like(s_ref)
        c_ref[...] = jnp.zeros_like(c_ref)

    x4 = x_ref[...]
    ids = bat_ref[0]
    gid = lax.broadcasted_iota(jnp.int32, (NG, RB), 0)
    oh = (gid == ids).astype(F32)
    s_ref[...] += jnp.dot(oh, x4, preferred_element_type=F32,
                          precision=lax.Precision.HIGHEST)
    c_ref[...] += jnp.sum(oh, axis=1, keepdims=True)

    @pl.when(i == GRID - 1)
    def _head():
        means = s_ref[...] / jnp.maximum(c_ref[...], 1.0)
        hp = means[:256]
        hd = means[256:]
        h = jnp.maximum(
            jnp.dot(hp, lw1_ref[:HID], preferred_element_type=F32)
            + jnp.dot(hd, lw1_ref[HID:], preferred_element_type=F32)
            + lb1_ref[...], 0.0)
        h = jnp.maximum(jnp.dot(h, lw2_ref[...], preferred_element_type=F32)
                        + lb2_ref[...], 0.0)
        h = jnp.maximum(jnp.dot(h, lw3_ref[...], preferred_element_type=F32)
                        + lb3_ref[...], 0.0)
        o_ref[...] = jnp.dot(h, fw_ref[...], preferred_element_type=F32) + fb_ref[...]


def _pool_head(x4, bat, lw1, lb1, lw2, lb2, lw3, lb3, fw, fb):
    full = lambda shape: pl.BlockSpec(shape, lambda i: tuple(0 for _ in shape))
    return pl.pallas_call(
        _pool_body,
        grid=(GRID,),
        in_specs=[
            pl.BlockSpec((RB, HID), lambda i: (i, 0)),
            pl.BlockSpec((1, 1, RB), lambda i: (i, 0, 0)),
            full((2 * HID, HID)),
            full((1, HID)),
            full((HID, HID)),
            full((1, HID)),
            full((HID, HID)),
            full((1, HID)),
            full((HID, 1)),
            full((1, 1)),
        ],
        out_specs=pl.BlockSpec((256, 1), lambda i: (0, 0)),
        out_shape=jax.ShapeDtypeStruct((256, 1), F32),
        scratch_shapes=[
            pltpu.VMEM((NG, HID), F32),
            pltpu.VMEM((NG, 1), F32),
        ],
    )(x4, bat, lw1, lb1, lw2, lb2, lw3, lb3, fw, fb)


def _mk_agg_body(F):
    NV = F // 16

    def body(y_hbm, src_hbm, dst_hbm, bnd_hbm, out_hbm, sidx, didx, bvm, rows, accv):
        c = lax.axis_index("c")
        s = lax.axis_index("s")
        wid = c * NSUB + s
        net = wid // NSUB
        tt = wid % NSUB
        dlo = net * PADN + tt * RMAX
        dhi = jnp.minimum(net * PADN + (tt + 1) * RMAX, net * PADN + PADN)
        nrows = dhi - dlo

        pltpu.sync_copy(bnd_hbm, bvm)
        z = jnp.zeros((16,), F32)

        def zloop(r, carry):
            accv[pl.ds(r * 16, 16)] = z
            return carry

        lax.fori_loop(0, RMAX * NV, zloop, 0)

        bv = bvm[pl.ds(wid, 16)]
        s_edge = bv[0]
        e_edge = bv[1]
        base0 = (s_edge // 8) * 8
        nchunks = (e_edge - base0 + C - 1) // C

        def chunk_body(k, carry):
            base = base0 + k * C
            pltpu.sync_copy(src_hbm.at[pl.ds(base, C)], sidx)
            pltpu.sync_copy(dst_hbm.at[pl.ds(base, C)], didx.at[pl.ds(0, C)])
            pltpu.sync_copy(y_hbm.at[sidx], rows)

            def edge_body(i, carry2):
                d_prev = carry2[0]
                acc = carry2[1:]
                d_i = didx[pl.ds(i, 16)][0]
                take = jnp.logical_and(d_i >= dlo, d_i < dhi)
                newseg = jnp.logical_and(take, d_i != d_prev)
                flush = jnp.logical_and(newseg, d_prev >= 0)

                @pl.when(flush)
                def _fl():
                    for j in range(NV):
                        accv[pl.ds((d_prev - dlo) * F + 16 * j, 16)] = acc[j]

                newacc = []
                for j in range(NV):
                    r = rows[i, pl.ds(16 * j, 16)]
                    a = jnp.where(newseg, r,
                                  jnp.where(take, acc[j] + r, acc[j]))
                    newacc.append(a)
                d_new = jnp.where(take, d_i, d_prev)
                return (d_new, *newacc)

            return lax.fori_loop(0, C, edge_body, carry)

        init = (jnp.int32(-1),) + tuple(jnp.zeros((16,), F32) for _ in range(NV))
        fin = lax.fori_loop(0, nchunks, chunk_body, init)
        d_last = fin[0]

        @pl.when(d_last >= 0)
        def _final_flush():
            for j in range(NV):
                accv[pl.ds((d_last - dlo) * F + 16 * j, 16)] = fin[1 + j]

        TR = PADN - 15 * RMAX

        @pl.when(nrows == RMAX)
        def _out_full():
            pltpu.sync_copy(accv, out_hbm.at[pl.ds(dlo * F, RMAX * F)])

        @pl.when(nrows != RMAX)
        def _out_tail():
            pltpu.sync_copy(accv.at[pl.ds(0, TR * F)],
                            out_hbm.at[pl.ds(dlo * F, TR * F)])

    return body


def _agg(y, src, dst, bnd):
    F = y.shape[1]
    mesh = plsc.VectorSubcoreMesh(core_axis_name="c", subcore_axis_name="s",
                                  num_cores=2, num_subcores=NSUB)
    f = pl.kernel(
        _mk_agg_body(F),
        out_type=jax.ShapeDtypeStruct((NP * F,), F32),
        mesh=mesh,
        compiler_params=pltpu.CompilerParams(use_tc_tiling_on_sc=False),
        scratch_types=[
            pltpu.VMEM((C,), jnp.int32),
            pltpu.VMEM((C + 16,), jnp.int32),
            pltpu.VMEM((48,), jnp.int32),
            pltpu.VMEM((C, F), F32),
            pltpu.VMEM((RMAX * F,), F32),
        ],
    )
    return f(y, src, dst, bnd).reshape(NP, F)


def kernel(x_p, x_d, edge_attr_p, edge_attr_d, edge_index_p, edge_index_d,
           x_p_batch, x_d_batch, params):
    gp, gd = params["gin_p"], params["gin_d"]
    w1 = [jnp.stack([gp[l]["W1"], gd[l]["W1"]]) for l in range(4)]
    b1 = [jnp.stack([gp[l]["b1"], gd[l]["b1"]])[:, None, :] for l in range(4)]
    w2 = [jnp.stack([gp[l]["W2"], gd[l]["W2"]]) for l in range(4)]
    b2 = [jnp.stack([gp[l]["b2"], gd[l]["b2"]])[:, None, :] for l in range(4)]

    x = jnp.concatenate([
        jnp.pad(x_p, ((0, PADN - NNET), (0, 0))),
        jnp.pad(x_d, ((0, PADN - NNET), (0, 0))),
    ], axis=0)

    dp, sp = lax.sort([edge_index_p[1], edge_index_p[0]], num_keys=1, is_stable=True)
    dd, sd = lax.sort([edge_index_d[1], edge_index_d[0]], num_keys=1, is_stable=True)
    fill_d = jnp.full((EPAD - EALL,), NP, jnp.int32)
    fill_s = jnp.zeros((EPAD - EALL,), jnp.int32)
    src = jnp.concatenate([sp, sd + PADN, fill_s])
    dst = jnp.concatenate([dp, dd + PADN, fill_d])


    dlos = (jnp.arange(32, dtype=jnp.int32) // NSUB) * PADN \
        + (jnp.arange(32, dtype=jnp.int32) % NSUB) * RMAX
    bnd = jnp.concatenate([
        jnp.searchsorted(dst[:EALL], dlos).astype(jnp.int32),
        jnp.array([EALL], jnp.int32),
        jnp.zeros((15,), jnp.int32),
    ])

    pad_ids = jnp.full((PADN - NNET,), NG, jnp.int32)
    bat = jnp.concatenate([x_p_batch, pad_ids, x_d_batch + 256, pad_ids])
    bat = bat.reshape(GRID, 1, RB)

    for l in range(4):
        agg = _agg(x, src, dst, bnd)
        x = _mid(x, agg, w1[l], b1[l], w2[l], b2[l], last=(l == 3))

    lins = params["lins"]
    fin = params["final"]
    return _pool_head(x, bat,
                      lins[0]["W"], lins[0]["b"][None, :],
                      lins[1]["W"], lins[1]["b"][None, :],
                      lins[2]["W"], lins[2]["b"][None, :],
                      fin["W"], fin["b"][None, :])

# --- scband reference (transcript-rebuilt; emitter-appended) ---
"""Pipeline reference for scband-ginpair-v1-10024453669558 (READ-ONLY COPY).

The authoritative reference and input builder live on the scoring server;
editing this copy changes nothing except your own understanding.
"""

import jax, jax.numpy as jnp
import numpy as np

N = 10000
E = 320000
D_IN = 128
HID = 32
OUT = 32
NUM_LAYERS = 4
NUM_GRAPHS = 256
D_EDGE = 4


def _lin_init(key, fan_in, fan_out):
    k1, k2 = jax.random.split(key)
    lim = 1.0 / np.sqrt(fan_in)
    W = jax.random.uniform(k1, (fan_in, fan_out), minval=-lim, maxval=lim, dtype=jnp.float32)
    b = jax.random.uniform(k2, (fan_out,), minval=-lim, maxval=lim, dtype=jnp.float32)
    return W, b


def _gin_params(key):
    layers = []
    ins = [D_IN] + [HID] * (NUM_LAYERS - 1)
    outs = [HID] * (NUM_LAYERS - 1) + [OUT]
    for i in range(NUM_LAYERS):
        key, k1, k2 = jax.random.split(key, 3)
        W1, b1 = _lin_init(k1, ins[i], outs[i])
        W2, b2 = _lin_init(k2, outs[i], outs[i])
        layers.append({"W1": W1, "b1": b1, "W2": W2, "b2": b2})
    return layers


def _make_params(key):
    kp, kd, k1, k2, k3, kf = jax.random.split(key, 6)
    lW1, lb1 = _lin_init(k1, 2 * OUT, HID)
    lW2, lb2 = _lin_init(k2, HID, HID)
    lW3, lb3 = _lin_init(k3, HID, HID)
    fW, fb = _lin_init(kf, HID, 1)
    return {
        "gin_p": _gin_params(kp),
        "gin_d": _gin_params(kd),
        "lins": [{"W": lW1, "b": lb1}, {"W": lW2, "b": lb2}, {"W": lW3, "b": lb3}],
        "final": {"W": fW, "b": fb},
    }


def setup_inputs(seed: int = 0):
    key = jax.random.key(seed)
    ks = jax.random.split(key, 10)
    inp = {}
    inp["x_p"] = jax.random.normal(ks[0], (N, D_IN), dtype=jnp.float32)
    inp["x_d"] = jax.random.normal(ks[1], (N, D_IN), dtype=jnp.float32)
    inp["edge_attr_p"] = jax.random.normal(ks[2], (E, D_EDGE), dtype=jnp.float32)
    inp["edge_attr_d"] = jax.random.normal(ks[3], (E, D_EDGE), dtype=jnp.float32)
    inp["edge_index_p"] = jax.random.randint(ks[4], (2, E), 0, N, dtype=jnp.int32)
    inp["edge_index_d"] = jax.random.randint(ks[5], (2, E), 0, N, dtype=jnp.int32)
    inp["x_p_batch"] = jnp.sort(jax.random.randint(ks[6], (N,), 0, NUM_GRAPHS, dtype=jnp.int32))
    inp["x_d_batch"] = jnp.sort(jax.random.randint(ks[7], (N,), 0, NUM_GRAPHS, dtype=jnp.int32))
    inp["params"] = _make_params(ks[8])
    return inp


def _gin_forward(x, edge_index, layers):
    src = edge_index[0]
    dst = edge_index[1]
    for i in range(len(layers)):
        p = layers[i]
        agg = jnp.zeros(x.shape, x.dtype).at[dst].add(x[src])
        h = x + agg  # (1 + eps) * x + sum_neighbors, eps = 0 (train_eps=False)
        h = jnp.maximum(h @ p["W1"] + p["b1"], 0.0)
        x = h @ p["W2"] + p["b2"]
        if i < len(layers) - 1:
            x = jax.nn.relu(x)
    return x


def _mean_pool(x, batch):
    s = jax.ops.segment_sum(x, batch, num_segments=NUM_GRAPHS)
    cnt = jax.ops.segment_sum(jnp.ones((x.shape[0],), x.dtype), batch, num_segments=NUM_GRAPHS)
    return s / jnp.maximum(cnt, 1.0)[:, None]


def reference(x_p, x_d, edge_attr_p, edge_attr_d, edge_index_p, edge_index_d, x_p_batch, x_d_batch, params):
    hp = _mean_pool(_gin_forward(x_p, edge_index_p, params["gin_p"]), x_p_batch)
    hd = _mean_pool(_gin_forward(x_d, edge_index_d, params["gin_d"]), x_d_batch)
    h = jnp.concatenate([hp, hd], axis=1)
    lins = params["lins"]
    for i in range(len(lins)):
        h = h @ lins[i]["W"] + lins[i]["b"]
        if i < len(lins) - 1:
            h = jax.nn.relu(h)
    h = jax.nn.relu(h)
    return h @ params["final"]["W"] + params["final"]["b"]

if __name__ == "__main__":
    import jax
    _d = setup_inputs()
    print(jax.jit(kernel)(*tuple(_d.values())))

</pallas_src>

<mosaic_0001>
#map = affine_map<(d0, d1) -> (0, 0)>
#map1 = affine_map<(d0, d1) -> (0)>
module attributes {stable_mosaic.version = 14 : i64} {
  func.func @body(%arg0: i32, %arg1: i32, %arg2: memref<20096x128xf32, #tpu.memory_space<hbm>>, %arg3: memref<640256xi32, #tpu.memory_space<hbm>>, %arg4: memref<640256xi32, #tpu.memory_space<hbm>>, %arg5: memref<48xi32, #tpu.memory_space<hbm>>, %arg6: memref<2572288xf32, #tpu.memory_space<hbm>>, %arg7: memref<128xi32, #tpu.memory_space<vmem>>, %arg8: memref<144xi32, #tpu.memory_space<vmem>>, %arg9: memref<48xi32, #tpu.memory_space<vmem>>, %arg10: memref<128x128xf32, #tpu.memory_space<vmem>>, %arg11: memref<81920xf32, #tpu.memory_space<vmem>>) attributes {dimension_semantics = [#tpu.dimension_semantics<core_parallel>, #tpu.dimension_semantics<subcore_parallel>], iteration_bounds = array<i64: 2, 16>, scalar_prefetch = 0 : i64, scratch_operands = 5 : i64, tpu.core_type = #tpu.core_type<sc_vector_subcore>, window_params = [{transform_indices = #map}, {transform_indices = #map1}, {transform_indices = #map1}, {transform_indices = #map1}, {transform_indices = #map1}]} {
    %mul3A = arith.constant 16 : i32
    %mul3A_0 = arith.muli %arg0, %mul3A : i32
    %add3A = arith.addi %mul3A_0, %arg1 : i32
    %jit3A = arith.constant 16 : i32
    %div3A = arith.divsi %add3A, %jit3A : i32
    %sign3A = arith.constant 0 : i32
    %sign3A_1 = arith.cmpi sgt, %add3A, %sign3A : i32
    %sign3A_2 = arith.extui %sign3A_1 : i1 to i32
    %sign3A_3 = arith.constant 0 : i32
    %sign3A_4 = arith.cmpi slt, %add3A, %sign3A_3 : i32
    %sign3A_5 = arith.extui %sign3A_4 : i1 to i32
    %sign3A_6 = arith.subi %sign3A_2, %sign3A_5 : i32
    %sign3A_7 = arith.constant 0 : i32
    %sign3A_8 = arith.cmpi sgt, %jit3A, %sign3A_7 : i32
    %sign3A_9 = arith.extui %sign3A_8 : i1 to i32
    %sign3A_10 = arith.constant 0 : i32
    %sign3A_11 = arith.cmpi slt, %jit3A, %sign3A_10 : i32
    %sign3A_12 = arith.extui %sign3A_11 : i1 to i32
    %sign3A_13 = arith.subi %sign3A_9, %sign3A_12 : i32
    %ne3A = arith.cmpi ne, %sign3A_6, %sign3A_13 : i32
    %rem3A = arith.remsi %add3A, %jit3A : i32
    %ne3A_14 = arith.constant 0 : i32
    %ne3A_15 = arith.cmpi ne, %rem3A, %ne3A_14 : i32
    %and3A = arith.andi %ne3A, %ne3A_15 : i1
    %sub3A = arith.constant 1 : i32
    %sub3A_16 = arith.subi %div3A, %sub3A : i32
    %select_n3A = arith.select %and3A, %sub3A_16, %div3A : i32
    %jit3A_17 = arith.constant 16 : i32
    %eq3A = arith.constant 0 : i32
    %eq3A_18 = arith.cmpi eq, %jit3A_17, %eq3A : i32
    %jit3A_19 = arith.constant 1 : i32
    %select_n3A_20 = arith.select %eq3A_18, %jit3A_19, %jit3A_17 : i32
    %rem3A_21 = arith.remsi %add3A, %select_n3A_20 : i32
    %ne3A_22 = arith.constant 0 : i32
    %ne3A_23 = arith.cmpi ne, %rem3A_21, %ne3A_22 : i32
    %lt3A = arith.constant 0 : i32
    %lt3A_24 = arith.cmpi slt, %rem3A_21, %lt3A : i32
    %lt3A_25 = arith.constant 0 : i32
    %lt3A_26 = arith.cmpi slt, %select_n3A_20, %lt3A_25 : i32
    %ne3A_27 = arith.xori %lt3A_24, %lt3A_26 : i1
    %and3A_28 = arith.andi %ne3A_27, %ne3A_23 : i1
    %add3A_29 = arith.addi %rem3A_21, %select_n3A_20 : i32
    %select_n3A_30 = arith.select %and3A_28, %add3A_29, %rem3A_21 : i32
    %mul3A_31 = arith.constant 10048 : i32
    %mul3A_32 = arith.muli %select_n3A, %mul3A_31 : i32
    %mul3A_33 = arith.constant 640 : i32
    %mul3A_34 = arith.muli %select_n3A_30, %mul3A_33 : i32
    %add3A_35 = arith.addi %mul3A_32, %mul3A_34 : i32
    %mul3A_36 = arith.constant 10048 : i32
    %mul3A_37 = arith.muli %select_n3A, %mul3A_36 : i32
    %add3A_38 = arith.constant 1 : i32
    %add3A_39 = arith.addi %select_n3A_30, %add3A_38 : i32
    %mul3A_40 = arith.constant 640 : i32
    %mul3A_41 = arith.muli %add3A_39, %mul3A_40 : i32
    %add3A_42 = arith.addi %mul3A_37, %mul3A_41 : i32
    %mul3A_43 = arith.constant 10048 : i32
    %mul3A_44 = arith.muli %select_n3A, %mul3A_43 : i32
    %add3A_45 = arith.constant 10048 : i32
    %add3A_46 = arith.addi %mul3A_44, %add3A_45 : i32
    %min3A = arith.minsi %add3A_42, %add3A_46 : i32
    %sub3A_47 = arith.subi %min3A, %add3A_35 : i32
    "tpu.region"() ({
      %run_scoped3A = tpu.sem_alloc : memref<!tpu.dma_semaphore, #tpu.memory_space<semaphore_mem>>
      tpu.enqueue_dma source(%arg5 : memref<48xi32, #tpu.memory_space<hbm>>) target(%arg9 : memref<48xi32, #tpu.memory_space<vmem>>) target_semaphore(%run_scoped3A : memref<!tpu.dma_semaphore, #tpu.memory_space<semaphore_mem>>)
      tpu.wait_dma2 semaphore(%run_scoped3A : memref<!tpu.dma_semaphore, #tpu.memory_space<semaphore_mem>>) src(%arg5 : memref<48xi32, #tpu.memory_space<hbm>>) dst(%arg9 : memref<48xi32, #tpu.memory_space<vmem>>)
      tpu.yield
    }) : () -> ()
    %broadcast_in_dim3A = arith.constant 0.000000e+00 : f32
    %broadcast_in_dim3A_48 = vector.broadcast %broadcast_in_dim3A : f32 to vector<16xf32>
    %scan3A = arith.constant 0 : i32
    %scan3A_49 = arith.constant 0 : i32
    %scan3A_50 = arith.constant 5120 : i32
    %scan3A_51 = arith.addi %scan3A_49, %scan3A_50 : i32
    %scan3A_52 = arith.constant 1 : i32
    scf.for %scan3A_152 = %scan3A_49 to %scan3A_51 step %scan3A_52  : i32 {
      %mul3A_153 = arith.constant 16 : i32
      %mul3A_154 = arith.muli %scan3A_152, %mul3A_153 : i32
      %swap3A = arith.index_cast %mul3A_154 : i32 to index
      %swap3A_155 = tpu.vector_load %arg11[%swap3A] {strides = array<i32>} : memref<81920xf32, #tpu.memory_space<vmem>>, vector<16xf32>,
      %swap3A_156 = vector.shape_cast %swap3A_155 : vector<16xf32> to vector<16xf32>
      %swap3A_157 = vector.shape_cast %broadcast_in_dim3A_48 : vector<16xf32> to vector<16xf32>
      tpu.vector_store %arg11[%swap3A], %swap3A_157 {strides = array<i32>} : memref<81920xf32, #tpu.memory_space<vmem>>, vector<16xf32>,
    }
    %scan3A_53 = arith.constant 5120 : i32
    %get3A = arith.index_cast %add3A : i32 to index
    %get3A_54 = tpu.vector_load %arg9[%get3A] {strides = array<i32>} : memref<48xi32, #tpu.memory_space<vmem>>, vector<16xi32>,
    %get3A_55 = vector.shape_cast %get3A_54 : vector<16xi32> to vector<16xi32>
    %slice3A = vector.extract_strided_slice %get3A_55 {offsets = [0], sizes = [1], strides = [1]} : vector<16xi32> to vector<1xi32>
    %squeeze3A = vector.extract %slice3A[0] : i32 from vector<1xi32>
    %slice3A_56 = vector.extract_strided_slice %get3A_55 {offsets = [1], sizes = [1], strides = [1]} : vector<16xi32> to vector<1xi32>
    %squeeze3A_57 = vector.extract %slice3A_56[0] : i32 from vector<1xi32>
    %jit3A_58 = arith.constant 8 : i32
    %div3A_59 = arith.divsi %squeeze3A, %jit3A_58 : i32
    %sign3A_60 = arith.constant 0 : i32
    %sign3A_61 = arith.cmpi sgt, %squeeze3A, %sign3A_60 : i32
    %sign3A_62 = arith.extui %sign3A_61 : i1 to i32
    %sign3A_63 = arith.constant 0 : i32
    %sign3A_64 = arith.cmpi slt, %squeeze3A, %sign3A_63 : i32
    %sign3A_65 = arith.extui %sign3A_64 : i1 to i32
    %sign3A_66 = arith.subi %sign3A_62, %sign3A_65 : i32
    %sign3A_67 = arith.constant 0 : i32
    %sign3A_68 = arith.cmpi sgt, %jit3A_58, %sign3A_67 : i32
    %sign3A_69 = arith.extui %sign3A_68 : i1 to i32
    %sign3A_70 = arith.constant 0 : i32
    %sign3A_71 = arith.cmpi slt, %jit3A_58, %sign3A_70 : i32
    %sign3A_72 = arith.extui %sign3A_71 : i1 to i32
    %sign3A_73 = arith.subi %sign3A_69, %sign3A_72 : i32
    %ne3A_74 = arith.cmpi ne, %sign3A_66, %sign3A_73 : i32
    %rem3A_75 = arith.remsi %squeeze3A, %jit3A_58 : i32
    %ne3A_76 = arith.constant 0 : i32
    %ne3A_77 = arith.cmpi ne, %rem3A_75, %ne3A_76 : i32
    %and3A_78 = arith.andi %ne3A_74, %ne3A_77 : i1
    %sub3A_79 = arith.constant 1 : i32
    %sub3A_80 = arith.subi %div3A_59, %sub3A_79 : i32
    %select_n3A_81 = arith.select %and3A_78, %sub3A_80, %div3A_59 : i32
    %mul3A_82 = arith.constant 8 : i32
    %mul3A_83 = arith.muli %select_n3A_81, %mul3A_82 : i32
    %sub3A_84 = arith.subi %squeeze3A_57, %mul3A_83 : i32
    %add3A_85 = arith.constant 128 : i32
    %add3A_86 = arith.addi %sub3A_84, %add3A_85 : i32
    %sub3A_87 = arith.constant 1 : i32
    %sub3A_88 = arith.subi %add3A_86, %sub3A_87 : i32
    %jit3A_89 = arith.constant 128 : i32
    %div3A_90 = arith.divsi %sub3A_88, %jit3A_89 : i32
    %sign3A_91 = arith.constant 0 : i32
    %sign3A_92 = arith.cmpi sgt, %sub3A_88, %sign3A_91 : i32
    %sign3A_93 = arith.extui %sign3A_92 : i1 to i32
    %sign3A_94 = arith.constant 0 : i32
    %sign3A_95 = arith.cmpi slt, %sub3A_88, %sign3A_94 : i32
    %sign3A_96 = arith.extui %sign3A_95 : i1 to i32
    %sign3A_97 = arith.subi %sign3A_93, %sign3A_96 : i32
    %sign3A_98 = arith.constant 0 : i32
    %sign3A_99 = arith.cmpi sgt, %jit3A_89, %sign3A_98 : i32
    %sign3A_100 = arith.extui %sign3A_99 : i1 to i32
    %sign3A_101 = arith.constant 0 : i32
    %sign3A_102 = arith.cmpi slt, %jit3A_89, %sign3A_101 : i32
    %sign3A_103 = arith.extui %sign3A_102 : i1 to i32
    %sign3A_104 = arith.subi %sign3A_100, %sign3A_103 : i32
    %ne3A_105 = arith.cmpi ne, %sign3A_97, %sign3A_104 : i32
    %rem3A_106 = arith.remsi %sub3A_88, %jit3A_89 : i32
    %ne3A_107 = arith.constant 0 : i32
    %ne3A_108 = arith.cmpi ne, %rem3A_106, %ne3A_107 : i32
    %and3A_109 = arith.andi %ne3A_105, %ne3A_108 : i1
    %sub3A_110 = arith.constant 1 : i32
    %sub3A_111 = arith.subi %div3A_90, %sub3A_110 : i32
    %select_n3A_112 = arith.select %and3A_109, %sub3A_111, %div3A_90 : i32
    %broadcast_in_dim3A_113 = arith.constant 0.000000e+00 : f32
    %broadcast_in_dim3A_114 = vector.broadcast %broadcast_in_dim3A_113 : f32 to vector<16xf32>
    %broadcast_in_dim3A_115 = arith.constant 0.000000e+00 : f32
    %broadcast_in_dim3A_116 = vector.broadcast %broadcast_in_dim3A_115 : f32 to vector<16xf32>
    %broadcast_in_dim3A_117 = arith.constant 0.000000e+00 : f32
    %broadcast_in_dim3A_118 = vector.broadcast %broadcast_in_dim3A_117 : f32 to vector<16xf32>
    %broadcast_in_dim3A_119 = arith.constant 0.000000e+00 : f32
    %broadcast_in_dim3A_120 = vector.broadcast %broadcast_in_dim3A_119 : f32 to vector<16xf32>
    %broadcast_in_dim3A_121 = arith.constant 0.000000e+00 : f32
    %broadcast_in_dim3A_122 = vector.broadcast %broadcast_in_dim3A_121 : f32 to vector<16xf32>
    %broadcast_in_dim3A_123 = arith.constant 0.000000e+00 : f32
    %broadcast_in_dim3A_124 = vector.broadcast %broadcast_in_dim3A_123 : f32 to vector<16xf32>
    %broadcast_in_dim3A_125 = arith.constant 0.000000e+00 : f32
    %broadcast_in_dim3A_126 = vector.broadcast %broadcast_in_dim3A_125 : f32 to vector<16xf32>
    %broadcast_in_dim3A_127 = arith.constant 0.000000e+00 : f32
    %broadcast_in_dim3A_128 = vector.broadcast %broadcast_in_dim3A_127 : f32 to vector<16xf32>
    %while3A = arith.constant 0 : i32
    %while3A_129 = arith.constant -1 : i32
    %while3A_130 = arith.subi %select_n3A_112, %while3A : i32
    %while3A_131 = arith.addi %while3A, %while3A_130 : i32
    %while3A_132 = arith.constant 1 : i32
    %while3A_133 = arith.divsi %while3A_130, %while3A_132 : i32
    %while3A_134 = arith.muli %while3A_133, %while3A_132 : i32
    %while3A_135 = arith.addi %while3A, %while3A_134 : i32
    %while3A_136 = arith.constant 1 : i32
    %while3A_137:9 = scf.for %while3A_152 = %while3A to %while3A_135 step %while3A_136 iter_args(%while3A_153 = %while3A_129, %while3A_154 = %broadcast_in_dim3A_114, %while3A_155 = %broadcast_in_dim3A_116, %while3A_156 = %broadcast_in_dim3A_118, %while3A_157 = %broadcast_in_dim3A_120, %while3A_158 = %broadcast_in_dim3A_122, %while3A_159 = %broadcast_in_dim3A_124, %while3A_160 = %broadcast_in_dim3A_126, %while3A_161 = %broadcast_in_dim3A_128) -> (i32, vector<16xf32>, vector<16xf32>, vector<16xf32>, vector<16xf32>, vector<16xf32>, vector<16xf32>, vector<16xf32>, vector<16xf32>)  : i32 {
      %mul3A_162 = arith.constant 128 : i32
      %mul3A_163 = arith.muli %while3A_152, %mul3A_162 : i32
      %add3A_164 = arith.addi %mul3A_83, %mul3A_163 : i32
      "tpu.region"() ({
        %run_scoped3A = tpu.sem_alloc : memref<!tpu.dma_semaphore, #tpu.memory_space<semaphore_mem>>
        %dma_start3A = tpu.memref_slice %arg3[%add3A_164] : memref<640256xi32, #tpu.memory_space<hbm>> -> memref<128xi32, #tpu.memory_space<hbm>>
        %dma_start3A_171 = tpu.memref_slice %arg3[%add3A_164] : memref<640256xi32, #tpu.memory_space<hbm>> -> memref<128xi32, #tpu.memory_space<hbm>>
        tpu.enqueue_dma source(%dma_start3A_171 : memref<128xi32, #tpu.memory_space<hbm>>) target(%arg7 : memref<128xi32, #tpu.memory_space<vmem>>) target_semaphore(%run_scoped3A : memref<!tpu.dma_semaphore, #tpu.memory_space<semaphore_mem>>)
        %dma_wait3A = tpu.memref_slice %arg3[%add3A_164] : memref<640256xi32, #tpu.memory_space<hbm>> -> memref<128xi32, #tpu.memory_space<hbm>>
        %dma_wait3A_172 = tpu.memref_slice %arg3[%add3A_164] : memref<640256xi32, #tpu.memory_space<hbm>> -> memref<128xi32, #tpu.memory_space<hbm>>
        tpu.wait_dma2 semaphore(%run_scoped3A : memref<!tpu.dma_semaphore, #tpu.memory_space<semaphore_mem>>) src(%dma_wait3A_172 : memref<128xi32, #tpu.memory_space<hbm>>) dst(%arg7 : memref<128xi32, #tpu.memory_space<vmem>>)
        tpu.yield
      }) : () -> ()
      "tpu.region"() ({
        %run_scoped3A = tpu.sem_alloc : memref<!tpu.dma_semaphore, #tpu.memory_space<semaphore_mem>>
        %dma_start3A = arith.constant 0 : i32
        %dma_start3A_171 = tpu.memref_slice %arg8[%dma_start3A] : memref<144xi32, #tpu.memory_space<vmem>> -> memref<128xi32, #tpu.memory_space<vmem>>
        %dma_start3A_172 = tpu.memref_slice %arg4[%add3A_164] : memref<640256xi32, #tpu.memory_space<hbm>> -> memref<128xi32, #tpu.memory_space<hbm>>
        %dma_start3A_173 = arith.constant 0 : i32
        %dma_start3A_174 = tpu.memref_slice %arg8[%dma_start3A_173] : memref<144xi32, #tpu.memory_space<vmem>> -> memref<128xi32, #tpu.memory_space<vmem>>
        %dma_start3A_175 = tpu.memref_slice %arg4[%add3A_164] : memref<640256xi32, #tpu.memory_space<hbm>> -> memref<128xi32, #tpu.memory_space<hbm>>
        tpu.enqueue_dma source(%dma_start3A_175 : memref<128xi32, #tpu.memory_space<hbm>>) target(%dma_start3A_174 : memref<128xi32, #tpu.memory_space<vmem>>) target_semaphore(%run_scoped3A : memref<!tpu.dma_semaphore, #tpu.memory_space<semaphore_mem>>)
        %dma_wait3A = arith.constant 0 : i32
        %dma_wait3A_176 = tpu.memref_slice %arg8[%dma_wait3A] : memref<144xi32, #tpu.memory_space<vmem>> -> memref<128xi32, #tpu.memory_space<vmem>>
        %dma_wait3A_177 = tpu.memref_slice %arg4[%add3A_164] : memref<640256xi32, #tpu.memory_space<hbm>> -> memref<128xi32, #tpu.memory_space<hbm>>
        %dma_wait3A_178 = arith.constant 0 : i32
        %dma_wait3A_179 = tpu.memref_slice %arg8[%dma_wait3A_178] : memref<144xi32, #tpu.memory_space<vmem>> -> memref<128xi32, #tpu.memory_space<vmem>>
        %dma_wait3A_180 = tpu.memref_slice %arg4[%add3A_164] : memref<640256xi32, #tpu.memory_space<hbm>> -> memref<128xi32, #tpu.memory_space<hbm>>
        tpu.wait_dma2 semaphore(%run_scoped3A : memref<!tpu.dma_semaphore, #tpu.memory_space<semaphore_mem>>) src(%dma_wait3A_180 : memref<128xi32, #tpu.memory_space<hbm>>) dst(%dma_wait3A_179 : memref<128xi32, #tpu.memory_space<vmem>>)
        tpu.yield
      }) : () -> ()
      "tpu.region"() ({
        %run_scoped3A = tpu.sem_alloc : memref<!tpu.dma_semaphore, #tpu.memory_space<semaphore_mem>>
        %dma_start3A = arith.constant 0 : i32
        %dma_start3A_171 = arith.constant 0 : i32
        %dma_start3A_172 = tpu.memref_slice %arg2[%dma_start3A, %dma_start3A_171] : memref<20096x128xf32, #tpu.memory_space<hbm>> -> memref<20096x128xf32, #tpu.memory_space<hbm>>
        tpu.enqueue_indirect_dma source(%dma_start3A_172 : memref<20096x128xf32, #tpu.memory_space<hbm>>) target(%arg10 : memref<128x128xf32, #tpu.memory_space<vmem>>) offsets(%arg7 : memref<128xi32, #tpu.memory_space<vmem>>) semaphore(%run_scoped3A : memref<!tpu.dma_semaphore, #tpu.memory_space<semaphore_mem>>)
        %dma_wait3A = arith.constant 0 : i32
        %dma_wait3A_173 = arith.constant 0 : i32
        %dma_wait3A_174 = tpu.memref_slice %arg2[%dma_wait3A, %dma_wait3A_173] : memref<20096x128xf32, #tpu.memory_space<hbm>> -> memref<20096x128xf32, #tpu.memory_space<hbm>>
        tpu.wait_indirect_dma semaphore(%run_scoped3A : memref<!tpu.dma_semaphore, #tpu.memory_space<semaphore_mem>>) src(%dma_wait3A_174 : memref<20096x128xf32, #tpu.memory_space<hbm>>) dst(%arg10 : memref<128x128xf32, #tpu.memory_space<vmem>>)
        tpu.yield
      }) : () -> ()
      %scan3A_165 = arith.constant 0 : i32
      %scan3A_166 = arith.constant 128 : i32
      %scan3A_167 = arith.addi %scan3A_165, %scan3A_166 : i32
      %scan3A_168 = arith.constant 1 : i32
      %scan3A_169:9 = scf.for %scan3A_171 = %scan3A_165 to %scan3A_167 step %scan3A_168 iter_args(%scan3A_172 = %while3A_153, %scan3A_173 = %while3A_154, %scan3A_174 = %while3A_155, %scan3A_175 = %while3A_156, %scan3A_176 = %while3A_157, %scan3A_177 = %while3A_158, %scan3A_178 = %while3A_159, %scan3A_179 = %while3A_160, %scan3A_180 = %while3A_161) -> (i32, vector<16xf32>, vector<16xf32>, vector<16xf32>, vector<16xf32>, vector<16xf32>, vector<16xf32>, vector<16xf32>, vector<16xf32>)  : i32 {
        %get3A_181 = arith.index_cast %scan3A_171 : i32 to index
        %get3A_182 = tpu.vector_load %arg8[%get3A_181] {strides = array<i32>} : memref<144xi32, #tpu.memory_space<vmem>>, vector<16xi32>,
        %get3A_183 = vector.shape_cast %get3A_182 : vector<16xi32> to vector<16xi32>
        %slice3A_184 = vector.extract_strided_slice %get3A_183 {offsets = [0], sizes = [1], strides = [1]} : vector<16xi32> to vector<1xi32>
        %squeeze3A_185 = vector.extract %slice3A_184[0] : i32 from vector<1xi32>
        %ge3A_186 = arith.cmpi sge, %squeeze3A_185, %add3A_35 : i32
        %lt3A_187 = arith.cmpi slt, %squeeze3A_185, %min3A : i32
        %and3A_188 = arith.andi %ge3A_186, %lt3A_187 : i1
        %ne3A_189 = arith.cmpi ne, %squeeze3A_185, %scan3A_172 : i32
        %and3A_190 = arith.andi %and3A_188, %ne3A_189 : i1
        %ge3A_191 = arith.constant 0 : i32
        %ge3A_192 = arith.cmpi sge, %scan3A_172, %ge3A_191 : i32
        %and3A_193 = arith.andi %and3A_190, %ge3A_192 : i1
        %convert_element_type3A_194 = arith.extui %and3A_193 : i1 to i32
        %cond3A_195 = arith.constant 0 : i32
        %cond3A_196 = arith.cmpi ne, %convert_element_type3A_194, %cond3A_195 : i32
        scf.if %cond3A_196 {
          %sub3A_254 = arith.subi %scan3A_172, %add3A_35 : i32
          %mul3A_255 = arith.constant 128 : i32
          %mul3A_256 = arith.muli %sub3A_254, %mul3A_255 : i32
          %add3A_257 = arith.constant 0 : i32
          %add3A_258 = arith.addi %mul3A_256, %add3A_257 : i32
          %swap3A = arith.index_cast %add3A_258 : i32 to index
          %swap3A_259 = tpu.vector_load %arg11[%swap3A] {strides = array<i32>} : memref<81920xf32, #tpu.memory_space<vmem>>, vector<16xf32>,
          %swap3A_260 = vector.shape_cast %swap3A_259 : vector<16xf32> to vector<16xf32>
          %swap3A_261 = vector.shape_cast %scan3A_173 : vector<16xf32> to vector<16xf32>
          tpu.vector_store %arg11[%swap3A], %swap3A_261 {strides = array<i32>} : memref<81920xf32, #tpu.memory_space<vmem>>, vector<16xf32>,
          %sub3A_262 = arith.subi %scan3A_172, %add3A_35 : i32
          %mul3A_263 = arith.constant 128 : i32
          %mul3A_264 = arith.muli %sub3A_262, %mul3A_263 : i32
          %add3A_265 = arith.constant 16 : i32
          %add3A_266 = arith.addi %mul3A_264, %add3A_265 : i32
          %swap3A_267 = arith.index_cast %add3A_266 : i32 to index
          %swap3A_268 = tpu.vector_load %arg11[%swap3A_267] {strides = array<i32>} : memref<81920xf32, #tpu.memory_space<vmem>>, vector<16xf32>,
          %swap3A_269 = vector.shape_cast %swap3A_268 : vector<16xf32> to vector<16xf32>
          %swap3A_270 = vector.shape_cast %scan3A_174 : vector<16xf32> to vector<16xf32>
          tpu.vector_store %arg11[%swap3A_267], %swap3A_270 {strides = array<i32>} : memref<81920xf32, #tpu.memory_space<vmem>>, vector<16xf32>,
          %sub3A_271 = arith.subi %scan3A_172, %add3A_35 : i32
          %mul3A_272 = arith.constant 128 : i32
          %mul3A_273 = arith.muli %sub3A_271, %mul3A_272 : i32
          %add3A_274 = arith.constant 32 : i32
          %add3A_275 = arith.addi %mul3A_273, %add3A_274 : i32
          %swap3A_276 = arith.index_cast %add3A_275 : i32 to index
          %swap3A_277 = tpu.vector_load %arg11[%swap3A_276] {strides = array<i32>} : memref<81920xf32, #tpu.memory_space<vmem>>, vector<16xf32>,
          %swap3A_278 = vector.shape_cast %swap3A_277 : vector<16xf32> to vector<16xf32>
          %swap3A_279 = vector.shape_cast %scan3A_175 : vector<16xf32> to vector<16xf32>
          tpu.vector_store %arg11[%swap3A_276], %swap3A_279 {strides = array<i32>} : memref<81920xf32, #tpu.memory_space<vmem>>, vector<16xf32>,
          %sub3A_280 = arith.subi %scan3A_172, %add3A_35 : i32
          %mul3A_281 = arith.constant 128 : i32
          %mul3A_282 = arith.muli %sub3A_280, %mul3A_281 : i32
          %add3A_283 = arith.constant 48 : i32
          %add3A_284 = arith.addi %mul3A_282, %add3A_283 : i32
          %swap3A_285 = arith.index_cast %add3A_284 : i32 to index
          %swap3A_286 = tpu.vector_load %arg11[%swap3A_285] {strides = array<i32>} : memref<81920xf32, #tpu.memory_space<vmem>>, vector<16xf32>,
          %swap3A_287 = vector.shape_cast %swap3A_286 : vector<16xf32> to vector<16xf32>
          %swap3A_288 = vector.shape_cast %scan3A_176 : vector<16xf32> to vector<16xf32>
          tpu.vector_store %arg11[%swap3A_285], %swap3A_288 {strides = array<i32>} : memref<81920xf32, #tpu.memory_space<vmem>>, vector<16xf32>,
          %sub3A_289 = arith.subi %scan3A_172, %add3A_35 : i32
          %mul3A_290 = arith.constant 128 : i32
          %mul3A_291 = arith.muli %sub3A_289, %mul3A_290 : i32
          %add3A_292 = arith.constant 64 : i32
          %add3A_293 = arith.addi %mul3A_291, %add3A_292 : i32
          %swap3A_294 = arith.index_cast %add3A_293 : i32 to index
          %swap3A_295 = tpu.vector_load %arg11[%swap3A_294] {strides = array<i32>} : memref<81920xf32, #tpu.memory_space<vmem>>, vector<16xf32>,
          %swap3A_296 = vector.shape_cast %swap3A_295 : vector<16xf32> to vector<16xf32>
          %swap3A_297 = vector.shape_cast %scan3A_177 : vector<16xf32> to vector<16xf32>
          tpu.vector_store %arg11[%swap3A_294], %swap3A_297 {strides = array<i32>} : memref<81920xf32, #tpu.memory_space<vmem>>, vector<16xf32>,
          %sub3A_298 = arith.subi %scan3A_172, %add3A_35 : i32
          %mul3A_299 = arith.constant 128 : i32
          %mul3A_300 = arith.muli %sub3A_298, %mul3A_299 : i32
          %add3A_301 = arith.constant 80 : i32
          %add3A_302 = arith.addi %mul3A_300, %add3A_301 : i32
          %swap3A_303 = arith.index_cast %add3A_302 : i32 to index
          %swap3A_304 = tpu.vector_load %arg11[%swap3A_303] {strides = array<i32>} : memref<81920xf32, #tpu.memory_space<vmem>>, vector<16xf32>,
          %swap3A_305 = vector.shape_cast %swap3A_304 : vector<16xf32> to vector<16xf32>
          %swap3A_306 = vector.shape_cast %scan3A_178 : vector<16xf32> to vector<16xf32>
          tpu.vector_store %arg11[%swap3A_303], %swap3A_306 {strides = array<i32>} : memref<81920xf32, #tpu.memory_space<vmem>>, vector<16xf32>,
          %sub3A_307 = arith.subi %scan3A_172, %add3A_35 : i32
          %mul3A_308 = arith.constant 128 : i32
          %mul3A_309 = arith.muli %sub3A_307, %mul3A_308 : i32
          %add3A_310 = arith.constant 96 : i32
          %add3A_311 = arith.addi %mul3A_309, %add3A_310 : i32
          %swap3A_312 = arith.index_cast %add3A_311 : i32 to index
          %swap3A_313 = tpu.vector_load %arg11[%swap3A_312] {strides = array<i32>} : memref<81920xf32, #tpu.memory_space<vmem>>, vector<16xf32>,
          %swap3A_314 = vector.shape_cast %swap3A_313 : vector<16xf32> to vector<16xf32>
          %swap3A_315 = vector.shape_cast %scan3A_179 : vector<16xf32> to vector<16xf32>
          tpu.vector_store %arg11[%swap3A_312], %swap3A_315 {strides = array<i32>} : memref<81920xf32, #tpu.memory_space<vmem>>, vector<16xf32>,
          %sub3A_316 = arith.subi %scan3A_172, %add3A_35 : i32
          %mul3A_317 = arith.constant 128 : i32
          %mul3A_318 = arith.muli %sub3A_316, %mul3A_317 : i32
          %add3A_319 = arith.constant 112 : i32
          %add3A_320 = arith.addi %mul3A_318, %add3A_319 : i32
          %swap3A_321 = arith.index_cast %add3A_320 : i32 to index
          %swap3A_322 = tpu.vector_load %arg11[%swap3A_321] {strides = array<i32>} : memref<81920xf32, #tpu.memory_space<vmem>>, vector<16xf32>,
          %swap3A_323 = vector.shape_cast %swap3A_322 : vector<16xf32> to vector<16xf32>
          %swap3A_324 = vector.shape_cast %scan3A_180 : vector<16xf32> to vector<16xf32>
          tpu.vector_store %arg11[%swap3A_321], %swap3A_324 {strides = array<i32>} : memref<81920xf32, #tpu.memory_space<vmem>>, vector<16xf32>,
        } else {
        }
        %get3A_197 = arith.index_cast %scan3A_171 : i32 to index
        %get3A_198 = arith.constant 0 : index
        %get3A_199 = tpu.vector_load %arg10[%get3A_197, %get3A_198] {strides = array<i32>} : memref<128x128xf32, #tpu.memory_space<vmem>>, vector<1x16xf32>,
        %get3A_200 = vector.shape_cast %get3A_199 : vector<1x16xf32> to vector<16xf32>
        %add3A_201 = arith.addf %scan3A_173, %get3A_200 : vector<16xf32>
        %select_n3A_202 = arith.select %and3A_188, %add3A_201, %scan3A_173 : vector<16xf32>
        %select_n3A_203 = arith.select %and3A_190, %get3A_200, %select_n3A_202 : vector<16xf32>
        %get3A_204 = arith.index_cast %scan3A_171 : i32 to index
        %get3A_205 = arith.constant 16 : index
        %get3A_206 = tpu.vector_load %arg10[%get3A_204, %get3A_205] {strides = array<i32>} : memref<128x128xf32, #tpu.memory_space<vmem>>, vector<1x16xf32>,
        %get3A_207 = vector.shape_cast %get3A_206 : vector<1x16xf32> to vector<16xf32>
        %add3A_208 = arith.addf %scan3A_174, %get3A_207 : vector<16xf32>
        %select_n3A_209 = arith.select %and3A_188, %add3A_208, %scan3A_174 : vector<16xf32>
        %select_n3A_210 = arith.select %and3A_190, %get3A_207, %select_n3A_209 : vector<16xf32>
        %get3A_211 = arith.index_cast %scan3A_171 : i32 to index
        %get3A_212 = arith.constant 32 : index
        %get3A_213 = tpu.vector_load %arg10[%get3A_211, %get3A_212] {strides = array<i32>} : memref<128x128xf32, #tpu.memory_space<vmem>>, vector<1x16xf32>,
        %get3A_214 = vector.shape_cast %get3A_213 : vector<1x16xf32> to vector<16xf32>
        %add3A_215 = arith.addf %scan3A_175, %get3A_214 : vector<16xf32>
        %select_n3A_216 = arith.select %and3A_188, %add3A_215, %scan3A_175 : vector<16xf32>
        %select_n3A_217 = arith.select %and3A_190, %get3A_214, %select_n3A_216 : vector<16xf32>
        %get3A_218 = arith.index_cast %scan3A_171 : i32 to index
        %get3A_219 = arith.constant 48 : index
        %get3A_220 = tpu.vector_load %arg10[%get3A_218, %get3A_219] {strides = array<i32>} : memref<128x128xf32, #tpu.memory_space<vmem>>, vector<1x16xf32>,
        %get3A_221 = vector.shape_cast %get3A_220 : vector<1x16xf32> to vector<16xf32>
        %add3A_222 = arith.addf %scan3A_176, %get3A_221 : vector<16xf32>
        %select_n3A_223 = arith.select %and3A_188, %add3A_222, %scan3A_176 : vector<16xf32>
        %select_n3A_224 = arith.select %and3A_190, %get3A_221, %select_n3A_223 : vector<16xf32>
        %get3A_225 = arith.index_cast %scan3A_171 : i32 to index
        %get3A_226 = arith.constant 64 : index
        %get3A_227 = tpu.vector_load %arg10[%get3A_225, %get3A_226] {strides = array<i32>} : memref<128x128xf32, #tpu.memory_space<vmem>>, vector<1x16xf32>,
        %get3A_228 = vector.shape_cast %get3A_227 : vector<1x16xf32> to vector<16xf32>
        %add3A_229 = arith.addf %scan3A_177, %get3A_228 : vector<16xf32>
        %select_n3A_230 = arith.select %and3A_188, %add3A_229, %scan3A_177 : vector<16xf32>
        %select_n3A_231 = arith.select %and3A_190, %get3A_228, %select_n3A_230 : vector<16xf32>
        %get3A_232 = arith.index_cast %scan3A_171 : i32 to index
        %get3A_233 = arith.constant 80 : index
        %get3A_234 = tpu.vector_load %arg10[%get3A_232, %get3A_233] {strides = array<i32>} : memref<128x128xf32, #tpu.memory_space<vmem>>, vector<1x16xf32>,
        %get3A_235 = vector.shape_cast %get3A_234 : vector<1x16xf32> to vector<16xf32>
        %add3A_236 = arith.addf %scan3A_178, %get3A_235 : vector<16xf32>
        %select_n3A_237 = arith.select %and3A_188, %add3A_236, %scan3A_178 : vector<16xf32>
        %select_n3A_238 = arith.select %and3A_190, %get3A_235, %select_n3A_237 : vector<16xf32>
        %get3A_239 = arith.index_cast %scan3A_171 : i32 to index
        %get3A_240 = arith.constant 96 : index
        %get3A_241 = tpu.vector_load %arg10[%get3A_239, %get3A_240] {strides = array<i32>} : memref<128x128xf32, #tpu.memory_space<vmem>>, vector<1x16xf32>,
        %get3A_242 = vector.shape_cast %get3A_241 : vector<1x16xf32> to vector<16xf32>
        %add3A_243 = arith.addf %scan3A_179, %get3A_242 : vector<16xf32>
        %select_n3A_244 = arith.select %and3A_188, %add3A_243, %scan3A_179 : vector<16xf32>
        %select_n3A_245 = arith.select %and3A_190, %get3A_242, %select_n3A_244 : vector<16xf32>
        %get3A_246 = arith.index_cast %scan3A_171 : i32 to index
        %get3A_247 = arith.constant 112 : index
        %get3A_248 = tpu.vector_load %arg10[%get3A_246, %get3A_247] {strides = array<i32>} : memref<128x128xf32, #tpu.memory_space<vmem>>, vector<1x16xf32>,
        %get3A_249 = vector.shape_cast %get3A_248 : vector<1x16xf32> to vector<16xf32>
        %add3A_250 = arith.addf %scan3A_180, %get3A_249 : vector<16xf32>
        %select_n3A_251 = arith.select %and3A_188, %add3A_250, %scan3A_180 : vector<16xf32>
        %select_n3A_252 = arith.select %and3A_190, %get3A_249, %select_n3A_251 : vector<16xf32>
        %select_n3A_253 = arith.select %and3A_188, %squeeze3A_185, %scan3A_172 : i32
        scf.yield %select_n3A_253, %select_n3A_203, %select_n3A_210, %select_n3A_217, %select_n3A_224, %select_n3A_231, %select_n3A_238, %select_n3A_245, %select_n3A_252 : i32, vector<16xf32>, vector<16xf32>, vector<16xf32>, vector<16xf32>, vector<16xf32>, vector<16xf32>, vector<16xf32>, vector<16xf32>
      }
      %scan3A_170 = arith.constant 128 : i32
      scf.yield %scan3A_169#0, %scan3A_169#1, %scan3A_169#2, %scan3A_169#3, %scan3A_169#4, %scan3A_169#5, %scan3A_169#6, %scan3A_169#7, %scan3A_169#8 : i32, vector<16xf32>, vector<16xf32>, vector<16xf32>, vector<16xf32>, vector<16xf32>, vector<16xf32>, vector<16xf32>, vector<16xf32>
    }
    %while3A_138 = arith.constant 1 : i32
    %while3A_139:9 = scf.for %while3A_152 = %while3A_135 to %while3A_131 step %while3A_138 iter_args(%while3A_153 = %while3A_137#0, %while3A_154 = %while3A_137#1, %while3A_155 = %while3A_137#2, %while3A_156 = %while3A_137#3, %while3A_157 = %while3A_137#4, %while3A_158 = %while3A_137#5, %while3A_159 = %while3A_137#6, %while3A_160 = %while3A_137#7, %while3A_161 = %while3A_137#8) -> (i32, vector<16xf32>, vector<16xf32>, vector<16xf32>, vector<16xf32>, vector<16xf32>, vector<16xf32>, vector<16xf32>, vector<16xf32>)  : i32 {
      %mul3A_162 = arith.constant 128 : i32
      %mul3A_163 = arith.muli %while3A_152, %mul3A_162 : i32
      %add3A_164 = arith.addi %mul3A_83, %mul3A_163 : i32
      "tpu.region"() ({
        %run_scoped3A = tpu.sem_alloc : memref<!tpu.dma_semaphore, #tpu.memory_space<semaphore_mem>>
        %dma_start3A = tpu.memref_slice %arg3[%add3A_164] : memref<640256xi32, #tpu.memory_space<hbm>> -> memref<128xi32, #tpu.memory_space<hbm>>
        %dma_start3A_171 = tpu.memref_slice %arg3[%add3A_164] : memref<640256xi32, #tpu.memory_space<hbm>> -> memref<128xi32, #tpu.memory_space<hbm>>
        tpu.enqueue_dma source(%dma_start3A_171 : memref<128xi32, #tpu.memory_space<hbm>>) target(%arg7 : memref<128xi32, #tpu.memory_space<vmem>>) target_semaphore(%run_scoped3A : memref<!tpu.dma_semaphore, #tpu.memory_space<semaphore_mem>>)
        %dma_wait3A = tpu.memref_slice %arg3[%add3A_164] : memref<640256xi32, #tpu.memory_space<hbm>> -> memref<128xi32, #tpu.memory_space<hbm>>
        %dma_wait3A_172 = tpu.memref_slice %arg3[%add3A_164] : memref<640256xi32, #tpu.memory_space<hbm>> -> memref<128xi32, #tpu.memory_space<hbm>>
        tpu.wait_dma2 semaphore(%run_scoped3A : memref<!tpu.dma_semaphore, #tpu.memory_space<semaphore_mem>>) src(%dma_wait3A_172 : memref<128xi32, #tpu.memory_space<hbm>>) dst(%arg7 : memref<128xi32, #tpu.memory_space<vmem>>)
        tpu.yield
      }) : () -> ()
      "tpu.region"() ({
        %run_scoped3A = tpu.sem_alloc : memref<!tpu.dma_semaphore, #tpu.memory_space<semaphore_mem>>
        %dma_start3A = arith.constant 0 : i32
        %dma_start3A_171 = tpu.memref_slice %arg8[%dma_start3A] : memref<144xi32, #tpu.memory_space<vmem>> -> memref<128xi32, #tpu.memory_space<vmem>>
        %dma_start3A_172 = tpu.memref_slice %arg4[%add3A_164] : memref<640256xi32, #tpu.memory_space<hbm>> -> memref<128xi32, #tpu.memory_space<hbm>>
        %dma_start3A_173 = arith.constant 0 : i32
        %dma_start3A_174 = tpu.memref_slice %arg8[%dma_start3A_173] : memref<144xi32, #tpu.memory_space<vmem>> -> memref<128xi32, #tpu.memory_space<vmem>>
        %dma_start3A_175 = tpu.memref_slice %arg4[%add3A_164] : memref<640256xi32, #tpu.memory_space<hbm>> -> memref<128xi32, #tpu.memory_space<hbm>>
        tpu.enqueue_dma source(%dma_start3A_175 : memref<128xi32, #tpu.memory_space<hbm>>) target(%dma_start3A_174 : memref<128xi32, #tpu.memory_space<vmem>>) target_semaphore(%run_scoped3A : memref<!tpu.dma_semaphore, #tpu.memory_space<semaphore_mem>>)
        %dma_wait3A = arith.constant 0 : i32
        %dma_wait3A_176 = tpu.memref_slice %arg8[%dma_wait3A] : memref<144xi32, #tpu.memory_space<vmem>> -> memref<128xi32, #tpu.memory_space<vmem>>
        %dma_wait3A_177 = tpu.memref_slice %arg4[%add3A_164] : memref<640256xi32, #tpu.memory_space<hbm>> -> memref<128xi32, #tpu.memory_space<hbm>>
        %dma_wait3A_178 = arith.constant 0 : i32
        %dma_wait3A_179 = tpu.memref_slice %arg8[%dma_wait3A_178] : memref<144xi32, #tpu.memory_space<vmem>> -> memref<128xi32, #tpu.memory_space<vmem>>
        %dma_wait3A_180 = tpu.memref_slice %arg4[%add3A_164] : memref<640256xi32, #tpu.memory_space<hbm>> -> memref<128xi32, #tpu.memory_space<hbm>>
        tpu.wait_dma2 semaphore(%run_scoped3A : memref<!tpu.dma_semaphore, #tpu.memory_space<semaphore_mem>>) src(%dma_wait3A_180 : memref<128xi32, #tpu.memory_space<hbm>>) dst(%dma_wait3A_179 : memref<128xi32, #tpu.memory_space<vmem>>)
        tpu.yield
      }) : () -> ()
      "tpu.region"() ({
        %run_scoped3A = tpu.sem_alloc : memref<!tpu.dma_semaphore, #tpu.memory_space<semaphore_mem>>
        %dma_start3A = arith.constant 0 : i32
        %dma_start3A_171 = arith.constant 0 : i32
        %dma_start3A_172 = tpu.memref_slice %arg2[%dma_start3A, %dma_start3A_171] : memref<20096x128xf32, #tpu.memory_space<hbm>> -> memref<20096x128xf32, #tpu.memory_space<hbm>>
        tpu.enqueue_indirect_dma source(%dma_start3A_172 : memref<20096x128xf32, #tpu.memory_space<hbm>>) target(%arg10 : memref<128x128xf32, #tpu.memory_space<vmem>>) offsets(%arg7 : memref<128xi32, #tpu.memory_space<vmem>>) semaphore(%run_scoped3A : memref<!tpu.dma_semaphore, #tpu.memory_space<semaphore_mem>>)
        %dma_wait3A = arith.constant 0 : i32
        %dma_wait3A_173 = arith.constant 0 : i32
        %dma_wait3A_174 = tpu.memref_slice %arg2[%dma_wait3A, %dma_wait3A_173] : memref<20096x128xf32, #tpu.memory_space<hbm>> -> memref<20096x128xf32, #tpu.memory_space<hbm>>
        tpu.wait_indirect_dma semaphore(%run_scoped3A : memref<!tpu.dma_semaphore, #tpu.memory_space<semaphore_mem>>) src(%dma_wait3A_174 : memref<20096x128xf32, #tpu.memory_space<hbm>>) dst(%arg10 : memref<128x128xf32, #tpu.memory_space<vmem>>)
        tpu.yield
      }) : () -> ()
      %scan3A_165 = arith.constant 0 : i32
      %scan3A_166 = arith.constant 128 : i32
      %scan3A_167 = arith.addi %scan3A_165, %scan3A_166 : i32
      %scan3A_168 = arith.constant 1 : i32
      %scan3A_169:9 = scf.for %scan3A_171 = %scan3A_165 to %scan3A_167 step %scan3A_168 iter_args(%scan3A_172 = %while3A_153, %scan3A_173 = %while3A_154, %scan3A_174 = %while3A_155, %scan3A_175 = %while3A_156, %scan3A_176 = %while3A_157, %scan3A_177 = %while3A_158, %scan3A_178 = %while3A_159, %scan3A_179 = %while3A_160, %scan3A_180 = %while3A_161) -> (i32, vector<16xf32>, vector<16xf32>, vector<16xf32>, vector<16xf32>, vector<16xf32>, vector<16xf32>, vector<16xf32>, vector<16xf32>)  : i32 {
        %get3A_181 = arith.index_cast %scan3A_171 : i32 to index
        %get3A_182 = tpu.vector_load %arg8[%get3A_181] {strides = array<i32>} : memref<144xi32, #tpu.memory_space<vmem>>, vector<16xi32>,
        %get3A_183 = vector.shape_cast %get3A_182 : vector<16xi32> to vector<16xi32>
        %slice3A_184 = vector.extract_strided_slice %get3A_183 {offsets = [0], sizes = [1], strides = [1]} : vector<16xi32> to vector<1xi32>
        %squeeze3A_185 = vector.extract %slice3A_184[0] : i32 from vector<1xi32>
        %ge3A_186 = arith.cmpi sge, %squeeze3A_185, %add3A_35 : i32
        %lt3A_187 = arith.cmpi slt, %squeeze3A_185, %min3A : i32
        %and3A_188 = arith.andi %ge3A_186, %lt3A_187 : i1
        %ne3A_189 = arith.cmpi ne, %squeeze3A_185, %scan3A_172 : i32
        %and3A_190 = arith.andi %and3A_188, %ne3A_189 : i1
        %ge3A_191 = arith.constant 0 : i32
        %ge3A_192 = arith.cmpi sge, %scan3A_172, %ge3A_191 : i32
        %and3A_193 = arith.andi %and3A_190, %ge3A_192 : i1
        %convert_element_type3A_194 = arith.extui %and3A_193 : i1 to i32
        %cond3A_195 = arith.constant 0 : i32
        %cond3A_196 = arith.cmpi ne, %convert_element_type3A_194, %cond3A_195 : i32
        scf.if %cond3A_196 {
          %sub3A_254 = arith.subi %scan3A_172, %add3A_35 : i32
          %mul3A_255 = arith.constant 128 : i32
          %mul3A_256 = arith.muli %sub3A_254, %mul3A_255 : i32
          %add3A_257 = arith.constant 0 : i32
          %add3A_258 = arith.addi %mul3A_256, %add3A_257 : i32
          %swap3A = arith.index_cast %add3A_258 : i32 to index
          %swap3A_259 = tpu.vector_load %arg11[%swap3A] {strides = array<i32>} : memref<81920xf32, #tpu.memory_space<vmem>>, vector<16xf32>,
          %swap3A_260 = vector.shape_cast %swap3A_259 : vector<16xf32> to vector<16xf32>
          %swap3A_261 = vector.shape_cast %scan3A_173 : vector<16xf32> to vector<16xf32>
          tpu.vector_store %arg11[%swap3A], %swap3A_261 {strides = array<i32>} : memref<81920xf32, #tpu.memory_space<vmem>>, vector<16xf32>,
          %sub3A_262 = arith.subi %scan3A_172, %add3A_35 : i32
          %mul3A_263 = arith.constant 128 : i32
          %mul3A_264 = arith.muli %sub3A_262, %mul3A_263 : i32
          %add3A_265 = arith.constant 16 : i32
          %add3A_266 = arith.addi %mul3A_264, %add3A_265 : i32
          %swap3A_267 = arith.index_cast %add3A_266 : i32 to index
          %swap3A_268 = tpu.vector_load %arg11[%swap3A_267] {strides = array<i32>} : memref<81920xf32, #tpu.memory_space<vmem>>, vector<16xf32>,
          %swap3A_269 = vector.shape_cast %swap3A_268 : vector<16xf32> to vector<16xf32>
          %swap3A_270 = vector.shape_cast %scan3A_174 : vector<16xf32> to vector<16xf32>
          tpu.vector_store %arg11[%swap3A_267], %swap3A_270 {strides = array<i32>} : memref<81920xf32, #tpu.memory_space<vmem>>, vector<16xf32>,
          %sub3A_271 = arith.subi %scan3A_172, %add3A_35 : i32
          %mul3A_272 = arith.constant 128 : i32
          %mul3A_273 = arith.muli %sub3A_271, %mul3A_272 : i32
          %add3A_274 = arith.constant 32 : i32
          %add3A_275 = arith.addi %mul3A_273, %add3A_274 : i32
          %swap3A_276 = arith.index_cast %add3A_275 : i32 to index
          %swap3A_277 = tpu.vector_load %arg11[%swap3A_276] {strides = array<i32>} : memref<81920xf32, #tpu.memory_space<vmem>>, vector<16xf32>,
          %swap3A_278 = vector.shape_cast %swap3A_277 : vector<16xf32> to vector<16xf32>
          %swap3A_279 = vector.shape_cast %scan3A_175 : vector<16xf32> to vector<16xf32>
          tpu.vector_store %arg11[%swap3A_276], %swap3A_279 {strides = array<i32>} : memref<81920xf32, #tpu.memory_space<vmem>>, vector<16xf32>,
          %sub3A_280 = arith.subi %scan3A_172, %add3A_35 : i32
          %mul3A_281 = arith.constant 128 : i32
          %mul3A_282 = arith.muli %sub3A_280, %mul3A_281 : i32
          %add3A_283 = arith.constant 48 : i32
          %add3A_284 = arith.addi %mul3A_282, %add3A_283 : i32
          %swap3A_285 = arith.index_cast %add3A_284 : i32 to index
          %swap3A_286 = tpu.vector_load %arg11[%swap3A_285] {strides = array<i32>} : memref<81920xf32, #tpu.memory_space<vmem>>, vector<16xf32>,
          %swap3A_287 = vector.shape_cast %swap3A_286 : vector<16xf32> to vector<16xf32>
          %swap3A_288 = vector.shape_cast %scan3A_176 : vector<16xf32> to vector<16xf32>
          tpu.vector_store %arg11[%swap3A_285], %swap3A_288 {strides = array<i32>} : memref<81920xf32, #tpu.memory_space<vmem>>, vector<16xf32>,
          %sub3A_289 = arith.subi %scan3A_172, %add3A_35 : i32
          %mul3A_290 = arith.constant 128 : i32
          %mul3A_291 = arith.muli %sub3A_289, %mul3A_290 : i32
          %add3A_292 = arith.constant 64 : i32
          %add3A_293 = arith.addi %mul3A_291, %add3A_292 : i32
          %swap3A_294 = arith.index_cast %add3A_293 : i32 to index
          %swap3A_295 = tpu.vector_load %arg11[%swap3A_294] {strides = array<i32>} : memref<81920xf32, #tpu.memory_space<vmem>>, vector<16xf32>,
          %swap3A_296 = vector.shape_cast %swap3A_295 : vector<16xf32> to vector<16xf32>
          %swap3A_297 = vector.shape_cast %scan3A_177 : vector<16xf32> to vector<16xf32>
          tpu.vector_store %arg11[%swap3A_294], %swap3A_297 {strides = array<i32>} : memref<81920xf32, #tpu.memory_space<vmem>>, vector<16xf32>,
          %sub3A_298 = arith.subi %scan3A_172, %add3A_35 : i32
          %mul3A_299 = arith.constant 128 : i32
          %mul3A_300 = arith.muli %sub3A_298, %mul3A_299 : i32
          %add3A_301 = arith.constant 80 : i32
          %add3A_302 = arith.addi %mul3A_300, %add3A_301 : i32
          %swap3A_303 = arith.index_cast %add3A_302 : i32 to index
          %swap3A_304 = tpu.vector_load %arg11[%swap3A_303] {strides = array<i32>} : memref<81920xf32, #tpu.memory_space<vmem>>, vector<16xf32>,
          %swap3A_305 = vector.shape_cast %swap3A_304 : vector<16xf32> to vector<16xf32>
          %swap3A_306 = vector.shape_cast %scan3A_178 : vector<16xf32> to vector<16xf32>
          tpu.vector_store %arg11[%swap3A_303], %swap3A_306 {strides = array<i32>} : memref<81920xf32, #tpu.memory_space<vmem>>, vector<16xf32>,
          %sub3A_307 = arith.subi %scan3A_172, %add3A_35 : i32
          %mul3A_308 = arith.constant 128 : i32
          %mul3A_309 = arith.muli %sub3A_307, %mul3A_308 : i32
          %add3A_310 = arith.constant 96 : i32
          %add3A_311 = arith.addi %mul3A_309, %add3A_310 : i32
          %swap3A_312 = arith.index_cast %add3A_311 : i32 to index
          %swap3A_313 = tpu.vector_load %arg11[%swap3A_312] {strides = array<i32>} : memref<81920xf32, #tpu.memory_space<vmem>>, vector<16xf32>,
          %swap3A_314 = vector.shape_cast %swap3A_313 : vector<16xf32> to vector<16xf32>
          %swap3A_315 = vector.shape_cast %scan3A_179 : vector<16xf32> to vector<16xf32>
          tpu.vector_store %arg11[%swap3A_312], %swap3A_315 {strides = array<i32>} : memref<81920xf32, #tpu.memory_space<vmem>>, vector<16xf32>,
          %sub3A_316 = arith.subi %scan3A_172, %add3A_35 : i32
          %mul3A_317 = arith.constant 128 : i32
          %mul3A_318 = arith.muli %sub3A_316, %mul3A_317 : i32
          %add3A_319 = arith.constant 112 : i32
          %add3A_320 = arith.addi %mul3A_318, %add3A_319 : i32
          %swap3A_321 = arith.index_cast %add3A_320 : i32 to index
          %swap3A_322 = tpu.vector_load %arg11[%swap3A_321] {strides = array<i32>} : memref<81920xf32, #tpu.memory_space<vmem>>, vector<16xf32>,
          %swap3A_323 = vector.shape_cast %swap3A_322 : vector<16xf32> to vector<16xf32>
          %swap3A_324 = vector.shape_cast %scan3A_180 : vector<16xf32> to vector<16xf32>
          tpu.vector_store %arg11[%swap3A_321], %swap3A_324 {strides = array<i32>} : memref<81920xf32, #tpu.memory_space<vmem>>, vector<16xf32>,
        } else {
        }
        %get3A_197 = arith.index_cast %scan3A_171 : i32 to index
        %get3A_198 = arith.constant 0 : index
        %get3A_199 = tpu.vector_load %arg10[%get3A_197, %get3A_198] {strides = array<i32>} : memref<128x128xf32, #tpu.memory_space<vmem>>, vector<1x16xf32>,
        %get3A_200 = vector.shape_cast %get3A_199 : vector<1x16xf32> to vector<16xf32>
        %add3A_201 = arith.addf %scan3A_173, %get3A_200 : vector<16xf32>
        %select_n3A_202 = arith.select %and3A_188, %add3A_201, %scan3A_173 : vector<16xf32>
        %select_n3A_203 = arith.select %and3A_190, %get3A_200, %select_n3A_202 : vector<16xf32>
        %get3A_204 = arith.index_cast %scan3A_171 : i32 to index
        %get3A_205 = arith.constant 16 : index
        %get3A_206 = tpu.vector_load %arg10[%get3A_204, %get3A_205] {strides = array<i32>} : memref<128x128xf32, #tpu.memory_space<vmem>>, vector<1x16xf32>,
        %get3A_207 = vector.shape_cast %get3A_206 : vector<1x16xf32> to vector<16xf32>
        %add3A_208 = arith.addf %scan3A_174, %get3A_207 : vector<16xf32>
        %select_n3A_209 = arith.select %and3A_188, %add3A_208, %scan3A_174 : vector<16xf32>
        %select_n3A_210 = arith.select %and3A_190, %get3A_207, %select_n3A_209 : vector<16xf32>
        %get3A_211 = arith.index_cast %scan3A_171 : i32 to index
        %get3A_212 = arith.constant 32 : index
        %get3A_213 = tpu.vector_load %arg10[%get3A_211, %get3A_212] {strides = array<i32>} : memref<128x128xf32, #tpu.memory_space<vmem>>, vector<1x16xf32>,
        %get3A_214 = vector.shape_cast %get3A_213 : vector<1x16xf32> to vector<16xf32>
        %add3A_215 = arith.addf %scan3A_175, %get3A_214 : vector<16xf32>
        %select_n3A_216 = arith.select %and3A_188, %add3A_215, %scan3A_175 : vector<16xf32>
        %select_n3A_217 = arith.select %and3A_190, %get3A_214, %select_n3A_216 : vector<16xf32>
        %get3A_218 = arith.index_cast %scan3A_171 : i32 to index
        %get3A_219 = arith.constant 48 : index
        %get3A_220 = tpu.vector_load %arg10[%get3A_218, %get3A_219] {strides = array<i32>} : memref<128x128xf32, #tpu.memory_space<vmem>>, vector<1x16xf32>,
        %get3A_221 = vector.shape_cast %get3A_220 : vector<1x16xf32> to vector<16xf32>
        %add3A_222 = arith.addf %scan3A_176, %get3A_221 : vector<16xf32>
        %select_n3A_223 = arith.select %and3A_188, %add3A_222, %scan3A_176 : vector<16xf32>
        %select_n3A_224 = arith.select %and3A_190, %get3A_221, %select_n3A_223 : vector<16xf32>
        %get3A_225 = arith.index_cast %scan3A_171 : i32 to index
        %get3A_226 = arith.constant 64 : index
        %get3A_227 = tpu.vector_load %arg10[%get3A_225, %get3A_226] {strides = array<i32>} : memref<128x128xf32, #tpu.memory_space<vmem>>, vector<1x16xf32>,
        %get3A_228 = vector.shape_cast %get3A_227 : vector<1x16xf32> to vector<16xf32>
        %add3A_229 = arith.addf %scan3A_177, %get3A_228 : vector<16xf32>
        %select_n3A_230 = arith.select %and3A_188, %add3A_229, %scan3A_177 : vector<16xf32>
        %select_n3A_231 = arith.select %and3A_190, %get3A_228, %select_n3A_230 : vector<16xf32>
        %get3A_232 = arith.index_cast %scan3A_171 : i32 to index
        %get3A_233 = arith.constant 80 : index
        %get3A_234 = tpu.vector_load %arg10[%get3A_232, %get3A_233] {strides = array<i32>} : memref<128x128xf32, #tpu.memory_space<vmem>>, vector<1x16xf32>,
        %get3A_235 = vector.shape_cast %get3A_234 : vector<1x16xf32> to vector<16xf32>
        %add3A_236 = arith.addf %scan3A_178, %get3A_235 : vector<16xf32>
        %select_n3A_237 = arith.select %and3A_188, %add3A_236, %scan3A_178 : vector<16xf32>
        %select_n3A_238 = arith.select %and3A_190, %get3A_235, %select_n3A_237 : vector<16xf32>
        %get3A_239 = arith.index_cast %scan3A_171 : i32 to index
        %get3A_240 = arith.constant 96 : index
        %get3A_241 = tpu.vector_load %arg10[%get3A_239, %get3A_240] {strides = array<i32>} : memref<128x128xf32, #tpu.memory_space<vmem>>, vector<1x16xf32>,
        %get3A_242 = vector.shape_cast %get3A_241 : vector<1x16xf32> to vector<16xf32>
        %add3A_243 = arith.addf %scan3A_179, %get3A_242 : vector<16xf32>
        %select_n3A_244 = arith.select %and3A_188, %add3A_243, %scan3A_179 : vector<16xf32>
        %select_n3A_245 = arith.select %and3A_190, %get3A_242, %select_n3A_244 : vector<16xf32>
        %get3A_246 = arith.index_cast %scan3A_171 : i32 to index
        %get3A_247 = arith.constant 112 : index
        %get3A_248 = tpu.vector_load %arg10[%get3A_246, %get3A_247] {strides = array<i32>} : memref<128x128xf32, #tpu.memory_space<vmem>>, vector<1x16xf32>,
        %get3A_249 = vector.shape_cast %get3A_248 : vector<1x16xf32> to vector<16xf32>
        %add3A_250 = arith.addf %scan3A_180, %get3A_249 : vector<16xf32>
        %select_n3A_251 = arith.select %and3A_188, %add3A_250, %scan3A_180 : vector<16xf32>
        %select_n3A_252 = arith.select %and3A_190, %get3A_249, %select_n3A_251 : vector<16xf32>
        %select_n3A_253 = arith.select %and3A_188, %squeeze3A_185, %scan3A_172 : i32
        scf.yield %select_n3A_253, %select_n3A_203, %select_n3A_210, %select_n3A_217, %select_n3A_224, %select_n3A_231, %select_n3A_238, %select_n3A_245, %select_n3A_252 : i32, vector<16xf32>, vector<16xf32>, vector<16xf32>, vector<16xf32>, vector<16xf32>, vector<16xf32>, vector<16xf32>, vector<16xf32>
      }
      %scan3A_170 = arith.constant 128 : i32
      scf.yield %scan3A_169#0, %scan3A_169#1, %scan3A_169#2, %scan3A_169#3, %scan3A_169#4, %scan3A_169#5, %scan3A_169#6, %scan3A_169#7, %scan3A_169#8 : i32, vector<16xf32>, vector<16xf32>, vector<16xf32>, vector<16xf32>, vector<16xf32>, vector<16xf32>, vector<16xf32>, vector<16xf32>
    }
    %ge3A = arith.constant 0 : i32
    %ge3A_140 = arith.cmpi sge, %while3A_139#0, %ge3A : i32
    %convert_element_type3A = arith.extui %ge3A_140 : i1 to i32
    %cond3A = arith.constant 0 : i32
    %cond3A_141 = arith.cmpi ne, %convert_element_type3A, %cond3A : i32
    scf.if %cond3A_141 {
      %sub3A_152 = arith.subi %while3A_139#0, %add3A_35 : i32
      %mul3A_153 = arith.constant 128 : i32
      %mul3A_154 = arith.muli %sub3A_152, %mul3A_153 : i32
      %add3A_155 = arith.constant 0 : i32
      %add3A_156 = arith.addi %mul3A_154, %add3A_155 : i32
      %swap3A = arith.index_cast %add3A_156 : i32 to index
      %swap3A_157 = tpu.vector_load %arg11[%swap3A] {strides = array<i32>} : memref<81920xf32, #tpu.memory_space<vmem>>, vector<16xf32>,
      %swap3A_158 = vector.shape_cast %swap3A_157 : vector<16xf32> to vector<16xf32>
      %swap3A_159 = vector.shape_cast %while3A_139#1 : vector<16xf32> to vector<16xf32>
      tpu.vector_store %arg11[%swap3A], %swap3A_159 {strides = array<i32>} : memref<81920xf32, #tpu.memory_space<vmem>>, vector<16xf32>,
      %sub3A_160 = arith.subi %while3A_139#0, %add3A_35 : i32
      %mul3A_161 = arith.constant 128 : i32
      %mul3A_162 = arith.muli %sub3A_160, %mul3A_161 : i32
      %add3A_163 = arith.constant 16 : i32
      %add3A_164 = arith.addi %mul3A_162, %add3A_163 : i32
      %swap3A_165 = arith.index_cast %add3A_164 : i32 to index
      %swap3A_166 = tpu.vector_load %arg11[%swap3A_165] {strides = array<i32>} : memref<81920xf32, #tpu.memory_space<vmem>>, vector<16xf32>,
      %swap3A_167 = vector.shape_cast %swap3A_166 : vector<16xf32> to vector<16xf32>
      %swap3A_168 = vector.shape_cast %while3A_139#2 : vector<16xf32> to vector<16xf32>
      tpu.vector_store %arg11[%swap3A_165], %swap3A_168 {strides = array<i32>} : memref<81920xf32, #tpu.memory_space<vmem>>, vector<16xf32>,
      %sub3A_169 = arith.subi %while3A_139#0, %add3A_35 : i32
      %mul3A_170 = arith.constant 128 : i32
      %mul3A_171 = arith.muli %sub3A_169, %mul3A_170 : i32
      %add3A_172 = arith.constant 32 : i32
      %add3A_173 = arith.addi %mul3A_171, %add3A_172 : i32
      %swap3A_174 = arith.index_cast %add3A_173 : i32 to index
      %swap3A_175 = tpu.vector_load %arg11[%swap3A_174] {strides = array<i32>} : memref<81920xf32, #tpu.memory_space<vmem>>, vector<16xf32>,
      %swap3A_176 = vector.shape_cast %swap3A_175 : vector<16xf32> to vector<16xf32>
      %swap3A_177 = vector.shape_cast %while3A_139#3 : vector<16xf32> to vector<16xf32>
      tpu.vector_store %arg11[%swap3A_174], %swap3A_177 {strides = array<i32>} : memref<81920xf32, #tpu.memory_space<vmem>>, vector<16xf32>,
      %sub3A_178 = arith.subi %while3A_139#0, %add3A_35 : i32
      %mul3A_179 = arith.constant 128 : i32
      %mul3A_180 = arith.muli %sub3A_178, %mul3A_179 : i32
      %add3A_181 = arith.constant 48 : i32
      %add3A_182 = arith.addi %mul3A_180, %add3A_181 : i32
      %swap3A_183 = arith.index_cast %add3A_182 : i32 to index
      %swap3A_184 = tpu.vector_load %arg11[%swap3A_183] {strides = array<i32>} : memref<81920xf32, #tpu.memory_space<vmem>>, vector<16xf32>,
      %swap3A_185 = vector.shape_cast %swap3A_184 : vector<16xf32> to vector<16xf32>
      %swap3A_186 = vector.shape_cast %while3A_139#4 : vector<16xf32> to vector<16xf32>
      tpu.vector_store %arg11[%swap3A_183], %swap3A_186 {strides = array<i32>} : memref<81920xf32, #tpu.memory_space<vmem>>, vector<16xf32>,
      %sub3A_187 = arith.subi %while3A_139#0, %add3A_35 : i32
      %mul3A_188 = arith.constant 128 : i32
      %mul3A_189 = arith.muli %sub3A_187, %mul3A_188 : i32
      %add3A_190 = arith.constant 64 : i32
      %add3A_191 = arith.addi %mul3A_189, %add3A_190 : i32
      %swap3A_192 = arith.index_cast %add3A_191 : i32 to index
      %swap3A_193 = tpu.vector_load %arg11[%swap3A_192] {strides = array<i32>} : memref<81920xf32, #tpu.memory_space<vmem>>, vector<16xf32>,
      %swap3A_194 = vector.shape_cast %swap3A_193 : vector<16xf32> to vector<16xf32>
      %swap3A_195 = vector.shape_cast %while3A_139#5 : vector<16xf32> to vector<16xf32>
      tpu.vector_store %arg11[%swap3A_192], %swap3A_195 {strides = array<i32>} : memref<81920xf32, #tpu.memory_space<vmem>>, vector<16xf32>,
      %sub3A_196 = arith.subi %while3A_139#0, %add3A_35 : i32
      %mul3A_197 = arith.constant 128 : i32
      %mul3A_198 = arith.muli %sub3A_196, %mul3A_197 : i32
      %add3A_199 = arith.constant 80 : i32
      %add3A_200 = arith.addi %mul3A_198, %add3A_199 : i32
      %swap3A_201 = arith.index_cast %add3A_200 : i32 to index
      %swap3A_202 = tpu.vector_load %arg11[%swap3A_201] {strides = array<i32>} : memref<81920xf32, #tpu.memory_space<vmem>>, vector<16xf32>,
      %swap3A_203 = vector.shape_cast %swap3A_202 : vector<16xf32> to vector<16xf32>
      %swap3A_204 = vector.shape_cast %while3A_139#6 : vector<16xf32> to vector<16xf32>
      tpu.vector_store %arg11[%swap3A_201], %swap3A_204 {strides = array<i32>} : memref<81920xf32, #tpu.memory_space<vmem>>, vector<16xf32>,
      %sub3A_205 = arith.subi %while3A_139#0, %add3A_35 : i32
      %mul3A_206 = arith.constant 128 : i32
      %mul3A_207 = arith.muli %sub3A_205, %mul3A_206 : i32
      %add3A_208 = arith.constant 96 : i32
      %add3A_209 = arith.addi %mul3A_207, %add3A_208 : i32
      %swap3A_210 = arith.index_cast %add3A_209 : i32 to index
      %swap3A_211 = tpu.vector_load %arg11[%swap3A_210] {strides = array<i32>} : memref<81920xf32, #tpu.memory_space<vmem>>, vector<16xf32>,
      %swap3A_212 = vector.shape_cast %swap3A_211 : vector<16xf32> to vector<16xf32>
      %swap3A_213 = vector.shape_cast %while3A_139#7 : vector<16xf32> to vector<16xf32>
      tpu.vector_store %arg11[%swap3A_210], %swap3A_213 {strides = array<i32>} : memref<81920xf32, #tpu.memory_space<vmem>>, vector<16xf32>,
      %sub3A_214 = arith.subi %while3A_139#0, %add3A_35 : i32
      %mul3A_215 = arith.constant 128 : i32
      %mul3A_216 = arith.muli %sub3A_214, %mul3A_215 : i32
      %add3A_217 = arith.constant 112 : i32
      %add3A_218 = arith.addi %mul3A_216, %add3A_217 : i32
      %swap3A_219 = arith.index_cast %add3A_218 : i32 to index
      %swap3A_220 = tpu.vector_load %arg11[%swap3A_219] {strides = array<i32>} : memref<81920xf32, #tpu.memory_space<vmem>>, vector<16xf32>,
      %swap3A_221 = vector.shape_cast %swap3A_220 : vector<16xf32> to vector<16xf32>
      %swap3A_222 = vector.shape_cast %while3A_139#8 : vector<16xf32> to vector<16xf32>
      tpu.vector_store %arg11[%swap3A_219], %swap3A_222 {strides = array<i32>} : memref<81920xf32, #tpu.memory_space<vmem>>, vector<16xf32>,
    } else {
    }
    %eq3A_142 = arith.constant 640 : i32
    %eq3A_143 = arith.cmpi eq, %sub3A_47, %eq3A_142 : i32
    %convert_element_type3A_144 = arith.extui %eq3A_143 : i1 to i32
    %cond3A_145 = arith.constant 0 : i32
    %cond3A_146 = arith.cmpi ne, %convert_element_type3A_144, %cond3A_145 : i32
    scf.if %cond3A_146 {
      %mul3A_152 = arith.constant 128 : i32
      %mul3A_153 = arith.muli %add3A_35, %mul3A_152 : i32
      "tpu.region"() ({
        %run_scoped3A = tpu.sem_alloc : memref<!tpu.dma_semaphore, #tpu.memory_space<semaphore_mem>>
        %dma_start3A = tpu.memref_slice %arg6[%mul3A_153] : memref<2572288xf32, #tpu.memory_space<hbm>> -> memref<81920xf32, #tpu.memory_space<hbm>>
        %dma_start3A_154 = tpu.memref_slice %arg6[%mul3A_153] : memref<2572288xf32, #tpu.memory_space<hbm>> -> memref<81920xf32, #tpu.memory_space<hbm>>
        tpu.enqueue_dma source(%arg11 : memref<81920xf32, #tpu.memory_space<vmem>>) target(%dma_start3A_154 : memref<81920xf32, #tpu.memory_space<hbm>>) target_semaphore(%run_scoped3A : memref<!tpu.dma_semaphore, #tpu.memory_space<semaphore_mem>>)
        %dma_wait3A = tpu.memref_slice %arg6[%mul3A_153] : memref<2572288xf32, #tpu.memory_space<hbm>> -> memref<81920xf32, #tpu.memory_space<hbm>>
        %dma_wait3A_155 = tpu.memref_slice %arg6[%mul3A_153] : memref<2572288xf32, #tpu.memory_space<hbm>> -> memref<81920xf32, #tpu.memory_space<hbm>>
        tpu.wait_dma2 semaphore(%run_scoped3A : memref<!tpu.dma_semaphore, #tpu.memory_space<semaphore_mem>>) src(%arg11 : memref<81920xf32, #tpu.memory_space<vmem>>) dst(%dma_wait3A_155 : memref<81920xf32, #tpu.memory_space<hbm>>)
        tpu.yield
      }) : () -> ()
    } else {
    }
    %ne3A_147 = arith.constant 640 : i32
    %ne3A_148 = arith.cmpi ne, %sub3A_47, %ne3A_147 : i32
    %convert_element_type3A_149 = arith.extui %ne3A_148 : i1 to i32
    %cond3A_150 = arith.constant 0 : i32
    %cond3A_151 = arith.cmpi ne, %convert_element_type3A_149, %cond3A_150 : i32
    scf.if %cond3A_151 {
      %mul3A_152 = arith.constant 128 : i32
      %mul3A_153 = arith.muli %add3A_35, %mul3A_152 : i32
      "tpu.region"() ({
        %run_scoped3A = tpu.sem_alloc : memref<!tpu.dma_semaphore, #tpu.memory_space<semaphore_mem>>
        %dma_start3A = arith.constant 0 : i32
        %dma_start3A_154 = tpu.memref_slice %arg11[%dma_start3A] : memref<81920xf32, #tpu.memory_space<vmem>> -> memref<57344xf32, #tpu.memory_space<vmem>>
        %dma_start3A_155 = tpu.memref_slice %arg6[%mul3A_153] : memref<2572288xf32, #tpu.memory_space<hbm>> -> memref<57344xf32, #tpu.memory_space<hbm>>
        %dma_start3A_156 = tpu.memref_slice %arg6[%mul3A_153] : memref<2572288xf32, #tpu.memory_space<hbm>> -> memref<57344xf32, #tpu.memory_space<hbm>>
        %dma_start3A_157 = arith.constant 0 : i32
        %dma_start3A_158 = tpu.memref_slice %arg11[%dma_start3A_157] : memref<81920xf32, #tpu.memory_space<vmem>> -> memref<57344xf32, #tpu.memory_space<vmem>>
        tpu.enqueue_dma source(%dma_start3A_158 : memref<57344xf32, #tpu.memory_space<vmem>>) target(%dma_start3A_156 : memref<57344xf32, #tpu.memory_space<hbm>>) target_semaphore(%run_scoped3A : memref<!tpu.dma_semaphore, #tpu.memory_space<semaphore_mem>>)
        %dma_wait3A = arith.constant 0 : i32
        %dma_wait3A_159 = tpu.memref_slice %arg11[%dma_wait3A] : memref<81920xf32, #tpu.memory_space<vmem>> -> memref<57344xf32, #tpu.memory_space<vmem>>
        %dma_wait3A_160 = tpu.memref_slice %arg6[%mul3A_153] : memref<2572288xf32, #tpu.memory_space<hbm>> -> memref<57344xf32, #tpu.memory_space<hbm>>
        %dma_wait3A_161 = tpu.memref_slice %arg6[%mul3A_153] : memref<2572288xf32, #tpu.memory_space<hbm>> -> memref<57344xf32, #tpu.memory_space<hbm>>
        %dma_wait3A_162 = arith.constant 0 : i32
        %dma_wait3A_163 = tpu.memref_slice %arg11[%dma_wait3A_162] : memref<81920xf32, #tpu.memory_space<vmem>> -> memref<57344xf32, #tpu.memory_space<vmem>>
        tpu.wait_dma2 semaphore(%run_scoped3A : memref<!tpu.dma_semaphore, #tpu.memory_space<semaphore_mem>>) src(%dma_wait3A_163 : memref<57344xf32, #tpu.memory_space<vmem>>) dst(%dma_wait3A_161 : memref<57344xf32, #tpu.memory_space<hbm>>)
        tpu.yield
      }) : () -> ()
    } else {
    }
    return
  }
}

#map = affine_map<(d0, d1) -> (0, 0)>
#map1 = affine_map<(d0, d1) -> (0)>
module attributes {stable_mosaic.version = 14 : i64} {
  func.func @body(%arg0: i32, %arg1: i32, %arg2: memref<20096x32xf32, #tpu.memory_space<hbm>>, %arg3: memref<640256xi32, #tpu.memory_space<hbm>>, %arg4: memref<640256xi32, #tpu.memory_space<hbm>>, %arg5: memref<48xi32, #tpu.memory_space<hbm>>, %arg6: memref<643072xf32, #tpu.memory_space<hbm>>, %arg7: memref<128xi32, #tpu.memory_space<vmem>>, %arg8: memref<144xi32, #tpu.memory_space<vmem>>, %arg9: memref<48xi32, #tpu.memory_space<vmem>>, %arg10: memref<128x32xf32, #tpu.memory_space<vmem>>, %arg11: memref<20480xf32, #tpu.memory_space<vmem>>) attributes {dimension_semantics = [#tpu.dimension_semantics<core_parallel>, #tpu.dimension_semantics<subcore_parallel>], iteration_bounds = array<i64: 2, 16>, scalar_prefetch = 0 : i64, scratch_operands = 5 : i64, tpu.core_type = #tpu.core_type<sc_vector_subcore>, window_params = [{transform_indices = #map}, {transform_indices = #map1}, {transform_indices = #map1}, {transform_indices = #map1}, {transform_indices = #map1}]} {
    %mul3A = arith.constant 16 : i32
    %mul3A_0 = arith.muli %arg0, %mul3A : i32
    %add3A = arith.addi %mul3A_0, %arg1 : i32
    %jit3A = arith.constant 16 : i32
    %div3A = arith.divsi %add3A, %jit3A : i32
    %sign3A = arith.constant 0 : i32
    %sign3A_1 = arith.cmpi sgt, %add3A, %sign3A : i32
    %sign3A_2 = arith.extui %sign3A_1 : i1 to i32
    %sign3A_3 = arith.constant 0 : i32
    %sign3A_4 = arith.cmpi slt, %add3A, %sign3A_3 : i32
    %sign3A_5 = arith.extui %sign3A_4 : i1 to i32
    %sign3A_6 = arith.subi %sign3A_2, %sign3A_5 : i32
    %sign3A_7 = arith.constant 0 : i32
    %sign3A_8 = arith.cmpi sgt, %jit3A, %sign3A_7 : i32
    %sign3A_9 = arith.extui %sign3A_8 : i1 to i32
    %sign3A_10 = arith.constant 0 : i32
    %sign3A_11 = arith.cmpi slt, %jit3A, %sign3A_10 : i32
    %sign3A_12 = arith.extui %sign3A_11 : i1 to i32
    %sign3A_13 = arith.subi %sign3A_9, %sign3A_12 : i32
    %ne3A = arith.cmpi ne, %sign3A_6, %sign3A_13 : i32
    %rem3A = arith.remsi %add3A, %jit3A : i32
    %ne3A_14 = arith.constant 0 : i32
    %ne3A_15 = arith.cmpi ne, %rem3A, %ne3A_14 : i32
    %and3A = arith.andi %ne3A, %ne3A_15 : i1
    %sub3A = arith.constant 1 : i32
    %sub3A_16 = arith.subi %div3A, %sub3A : i32
    %select_n3A = arith.select %and3A, %sub3A_16, %div3A : i32
    %jit3A_17 = arith.constant 16 : i32
    %eq3A = arith.constant 0 : i32
    %eq3A_18 = arith.cmpi eq, %jit3A_17, %eq3A : i32
    %jit3A_19 = arith.constant 1 : i32
    %select_n3A_20 = arith.select %eq3A_18, %jit3A_19, %jit3A_17 : i32
    %rem3A_21 = arith.remsi %add3A, %select_n3A_20 : i32
    %ne3A_22 = arith.constant 0 : i32
    %ne3A_23 = arith.cmpi ne, %rem3A_21, %ne3A_22 : i32
    %lt3A = arith.constant 0 : i32
    %lt3A_24 = arith.cmpi slt, %rem3A_21, %lt3A : i32
    %lt3A_25 = arith.constant 0 : i32
    %lt3A_26 = arith.cmpi slt, %select_n3A_20, %lt3A_25 : i32
    %ne3A_27 = arith.xori %lt3A_24, %lt3A_26 : i1
    %and3A_28 = arith.andi %ne3A_27, %ne3A_23 : i1
    %add3A_29 = arith.addi %rem3A_21, %select_n3A_20 : i32
    %select_n3A_30 = arith.select %and3A_28, %add3A_29, %rem3A_21 : i32
    %mul3A_31 = arith.constant 10048 : i32
    %mul3A_32 = arith.muli %select_n3A, %mul3A_31 : i32
    %mul3A_33 = arith.constant 640 : i32
    %mul3A_34 = arith.muli %select_n3A_30, %mul3A_33 : i32
    %add3A_35 = arith.addi %mul3A_32, %mul3A_34 : i32
    %mul3A_36 = arith.constant 10048 : i32
    %mul3A_37 = arith.muli %select_n3A, %mul3A_36 : i32
    %add3A_38 = arith.constant 1 : i32
    %add3A_39 = arith.addi %select_n3A_30, %add3A_38 : i32
    %mul3A_40 = arith.constant 640 : i32
    %mul3A_41 = arith.muli %add3A_39, %mul3A_40 : i32
    %add3A_42 = arith.addi %mul3A_37, %mul3A_41 : i32
    %mul3A_43 = arith.constant 10048 : i32
    %mul3A_44 = arith.muli %select_n3A, %mul3A_43 : i32
    %add3A_45 = arith.constant 10048 : i32
    %add3A_46 = arith.addi %mul3A_44, %add3A_45 : i32
    %min3A = arith.minsi %add3A_42, %add3A_46 : i32
    %sub3A_47 = arith.subi %min3A, %add3A_35 : i32
    "tpu.region"() ({
      %run_scoped3A = tpu.sem_alloc : memref<!tpu.dma_semaphore, #tpu.memory_space<semaphore_mem>>
      tpu.enqueue_dma source(%arg5 : memref<48xi32, #tpu.memory_space<hbm>>) target(%arg9 : memref<48xi32, #tpu.memory_space<vmem>>) target_semaphore(%run_scoped3A : memref<!tpu.dma_semaphore, #tpu.memory_space<semaphore_mem>>)
      tpu.wait_dma2 semaphore(%run_scoped3A : memref<!tpu.dma_semaphore, #tpu.memory_space<semaphore_mem>>) src(%arg5 : memref<48xi32, #tpu.memory_space<hbm>>) dst(%arg9 : memref<48xi32, #tpu.memory_space<vmem>>)
      tpu.yield
    }) : () -> ()
    %broadcast_in_dim3A = arith.constant 0.000000e+00 : f32
    %broadcast_in_dim3A_48 = vector.broadcast %broadcast_in_dim3A : f32 to vector<16xf32>
    %scan3A = arith.constant 0 : i32
    %scan3A_49 = arith.constant 0 : i32
    %scan3A_50 = arith.constant 1280 : i32
    %scan3A_51 = arith.addi %scan3A_49, %scan3A_50 : i32
    %scan3A_52 = arith.constant 1 : i32
    scf.for %scan3A_140 = %scan3A_49 to %scan3A_51 step %scan3A_52  : i32 {
      %mul3A_141 = arith.constant 16 : i32
      %mul3A_142 = arith.muli %scan3A_140, %mul3A_141 : i32
      %swap3A = arith.index_cast %mul3A_142 : i32 to index
      %swap3A_143 = tpu.vector_load %arg11[%swap3A] {strides = array<i32>} : memref<20480xf32, #tpu.memory_space<vmem>>, vector<16xf32>,
      %swap3A_144 = vector.shape_cast %swap3A_143 : vector<16xf32> to vector<16xf32>
      %swap3A_145 = vector.shape_cast %broadcast_in_dim3A_48 : vector<16xf32> to vector<16xf32>
      tpu.vector_store %arg11[%swap3A], %swap3A_145 {strides = array<i32>} : memref<20480xf32, #tpu.memory_space<vmem>>, vector<16xf32>,
    }
    %scan3A_53 = arith.constant 1280 : i32
    %get3A = arith.index_cast %add3A : i32 to index
    %get3A_54 = tpu.vector_load %arg9[%get3A] {strides = array<i32>} : memref<48xi32, #tpu.memory_space<vmem>>, vector<16xi32>,
    %get3A_55 = vector.shape_cast %get3A_54 : vector<16xi32> to vector<16xi32>
    %slice3A = vector.extract_strided_slice %get3A_55 {offsets = [0], sizes = [1], strides = [1]} : vector<16xi32> to vector<1xi32>
    %squeeze3A = vector.extract %slice3A[0] : i32 from vector<1xi32>
    %slice3A_56 = vector.extract_strided_slice %get3A_55 {offsets = [1], sizes = [1], strides = [1]} : vector<16xi32> to vector<1xi32>
    %squeeze3A_57 = vector.extract %slice3A_56[0] : i32 from vector<1xi32>
    %jit3A_58 = arith.constant 8 : i32
    %div3A_59 = arith.divsi %squeeze3A, %jit3A_58 : i32
    %sign3A_60 = arith.constant 0 : i32
    %sign3A_61 = arith.cmpi sgt, %squeeze3A, %sign3A_60 : i32
    %sign3A_62 = arith.extui %sign3A_61 : i1 to i32
    %sign3A_63 = arith.constant 0 : i32
    %sign3A_64 = arith.cmpi slt, %squeeze3A, %sign3A_63 : i32
    %sign3A_65 = arith.extui %sign3A_64 : i1 to i32
    %sign3A_66 = arith.subi %sign3A_62, %sign3A_65 : i32
    %sign3A_67 = arith.constant 0 : i32
    %sign3A_68 = arith.cmpi sgt, %jit3A_58, %sign3A_67 : i32
    %sign3A_69 = arith.extui %sign3A_68 : i1 to i32
    %sign3A_70 = arith.constant 0 : i32
    %sign3A_71 = arith.cmpi slt, %jit3A_58, %sign3A_70 : i32
    %sign3A_72 = arith.extui %sign3A_71 : i1 to i32
    %sign3A_73 = arith.subi %sign3A_69, %sign3A_72 : i32
    %ne3A_74 = arith.cmpi ne, %sign3A_66, %sign3A_73 : i32
    %rem3A_75 = arith.remsi %squeeze3A, %jit3A_58 : i32
    %ne3A_76 = arith.constant 0 : i32
    %ne3A_77 = arith.cmpi ne, %rem3A_75, %ne3A_76 : i32
    %and3A_78 = arith.andi %ne3A_74, %ne3A_77 : i1
    %sub3A_79 = arith.constant 1 : i32
    %sub3A_80 = arith.subi %div3A_59, %sub3A_79 : i32
    %select_n3A_81 = arith.select %and3A_78, %sub3A_80, %div3A_59 : i32
    %mul3A_82 = arith.constant 8 : i32
    %mul3A_83 = arith.muli %select_n3A_81, %mul3A_82 : i32
    %sub3A_84 = arith.subi %squeeze3A_57, %mul3A_83 : i32
    %add3A_85 = arith.constant 128 : i32
    %add3A_86 = arith.addi %sub3A_84, %add3A_85 : i32
    %sub3A_87 = arith.constant 1 : i32
    %sub3A_88 = arith.subi %add3A_86, %sub3A_87 : i32
    %jit3A_89 = arith.constant 128 : i32
    %div3A_90 = arith.divsi %sub3A_88, %jit3A_89 : i32
    %sign3A_91 = arith.constant 0 : i32
    %sign3A_92 = arith.cmpi sgt, %sub3A_88, %sign3A_91 : i32
    %sign3A_93 = arith.extui %sign3A_92 : i1 to i32
    %sign3A_94 = arith.constant 0 : i32
    %sign3A_95 = arith.cmpi slt, %sub3A_88, %sign3A_94 : i32
    %sign3A_96 = arith.extui %sign3A_95 : i1 to i32
    %sign3A_97 = arith.subi %sign3A_93, %sign3A_96 : i32
    %sign3A_98 = arith.constant 0 : i32
    %sign3A_99 = arith.cmpi sgt, %jit3A_89, %sign3A_98 : i32
    %sign3A_100 = arith.extui %sign3A_99 : i1 to i32
    %sign3A_101 = arith.constant 0 : i32
    %sign3A_102 = arith.cmpi slt, %jit3A_89, %sign3A_101 : i32
    %sign3A_103 = arith.extui %sign3A_102 : i1 to i32
    %sign3A_104 = arith.subi %sign3A_100, %sign3A_103 : i32
    %ne3A_105 = arith.cmpi ne, %sign3A_97, %sign3A_104 : i32
    %rem3A_106 = arith.remsi %sub3A_88, %jit3A_89 : i32
    %ne3A_107 = arith.constant 0 : i32
    %ne3A_108 = arith.cmpi ne, %rem3A_106, %ne3A_107 : i32
    %and3A_109 = arith.andi %ne3A_105, %ne3A_108 : i1
    %sub3A_110 = arith.constant 1 : i32
    %sub3A_111 = arith.subi %div3A_90, %sub3A_110 : i32
    %select_n3A_112 = arith.select %and3A_109, %sub3A_111, %div3A_90 : i32
    %broadcast_in_dim3A_113 = arith.constant 0.000000e+00 : f32
    %broadcast_in_dim3A_114 = vector.broadcast %broadcast_in_dim3A_113 : f32 to vector<16xf32>
    %broadcast_in_dim3A_115 = arith.constant 0.000000e+00 : f32
    %broadcast_in_dim3A_116 = vector.broadcast %broadcast_in_dim3A_115 : f32 to vector<16xf32>
    %while3A = arith.constant 0 : i32
    %while3A_117 = arith.constant -1 : i32
    %while3A_118 = arith.subi %select_n3A_112, %while3A : i32
    %while3A_119 = arith.addi %while3A, %while3A_118 : i32
    %while3A_120 = arith.constant 1 : i32
    %while3A_121 = arith.divsi %while3A_118, %while3A_120 : i32
    %while3A_122 = arith.muli %while3A_121, %while3A_120 : i32
    %while3A_123 = arith.addi %while3A, %while3A_122 : i32
    %while3A_124 = arith.constant 1 : i32
    %while3A_125:3 = scf.for %while3A_140 = %while3A to %while3A_123 step %while3A_124 iter_args(%while3A_141 = %while3A_117, %while3A_142 = %broadcast_in_dim3A_114, %while3A_143 = %broadcast_in_dim3A_116) -> (i32, vector<16xf32>, vector<16xf32>)  : i32 {
      %mul3A_144 = arith.constant 128 : i32
      %mul3A_145 = arith.muli %while3A_140, %mul3A_144 : i32
      %add3A_146 = arith.addi %mul3A_83, %mul3A_145 : i32
      "tpu.region"() ({
        %run_scoped3A = tpu.sem_alloc : memref<!tpu.dma_semaphore, #tpu.memory_space<semaphore_mem>>
        %dma_start3A = tpu.memref_slice %arg3[%add3A_146] : memref<640256xi32, #tpu.memory_space<hbm>> -> memref<128xi32, #tpu.memory_space<hbm>>
        %dma_start3A_153 = tpu.memref_slice %arg3[%add3A_146] : memref<640256xi32, #tpu.memory_space<hbm>> -> memref<128xi32, #tpu.memory_space<hbm>>
        tpu.enqueue_dma source(%dma_start3A_153 : memref<128xi32, #tpu.memory_space<hbm>>) target(%arg7 : memref<128xi32, #tpu.memory_space<vmem>>) target_semaphore(%run_scoped3A : memref<!tpu.dma_semaphore, #tpu.memory_space<semaphore_mem>>)
        %dma_wait3A = tpu.memref_slice %arg3[%add3A_146] : memref<640256xi32, #tpu.memory_space<hbm>> -> memref<128xi32, #tpu.memory_space<hbm>>
        %dma_wait3A_154 = tpu.memref_slice %arg3[%add3A_146] : memref<640256xi32, #tpu.memory_space<hbm>> -> memref<128xi32, #tpu.memory_space<hbm>>
        tpu.wait_dma2 semaphore(%run_scoped3A : memref<!tpu.dma_semaphore, #tpu.memory_space<semaphore_mem>>) src(%dma_wait3A_154 : memref<128xi32, #tpu.memory_space<hbm>>) dst(%arg7 : memref<128xi32, #tpu.memory_space<vmem>>)
        tpu.yield
      }) : () -> ()
      "tpu.region"() ({
        %run_scoped3A = tpu.sem_alloc : memref<!tpu.dma_semaphore, #tpu.memory_space<semaphore_mem>>
        %dma_start3A = arith.constant 0 : i32
        %dma_start3A_153 = tpu.memref_slice %arg8[%dma_start3A] : memref<144xi32, #tpu.memory_space<vmem>> -> memref<128xi32, #tpu.memory_space<vmem>>
        %dma_start3A_154 = tpu.memref_slice %arg4[%add3A_146] : memref<640256xi32, #tpu.memory_space<hbm>> -> memref<128xi32, #tpu.memory_space<hbm>>
        %dma_start3A_155 = arith.constant 0 : i32
        %dma_start3A_156 = tpu.memref_slice %arg8[%dma_start3A_155] : memref<144xi32, #tpu.memory_space<vmem>> -> memref<128xi32, #tpu.memory_space<vmem>>
        %dma_start3A_157 = tpu.memref_slice %arg4[%add3A_146] : memref<640256xi32, #tpu.memory_space<hbm>> -> memref<128xi32, #tpu.memory_space<hbm>>
        tpu.enqueue_dma source(%dma_start3A_157 : memref<128xi32, #tpu.memory_space<hbm>>) target(%dma_start3A_156 : memref<128xi32, #tpu.memory_space<vmem>>) target_semaphore(%run_scoped3A : memref<!tpu.dma_semaphore, #tpu.memory_space<semaphore_mem>>)
        %dma_wait3A = arith.constant 0 : i32
        %dma_wait3A_158 = tpu.memref_slice %arg8[%dma_wait3A] : memref<144xi32, #tpu.memory_space<vmem>> -> memref<128xi32, #tpu.memory_space<vmem>>
        %dma_wait3A_159 = tpu.memref_slice %arg4[%add3A_146] : memref<640256xi32, #tpu.memory_space<hbm>> -> memref<128xi32, #tpu.memory_space<hbm>>
        %dma_wait3A_160 = arith.constant 0 : i32
        %dma_wait3A_161 = tpu.memref_slice %arg8[%dma_wait3A_160] : memref<144xi32, #tpu.memory_space<vmem>> -> memref<128xi32, #tpu.memory_space<vmem>>
        %dma_wait3A_162 = tpu.memref_slice %arg4[%add3A_146] : memref<640256xi32, #tpu.memory_space<hbm>> -> memref<128xi32, #tpu.memory_space<hbm>>
        tpu.wait_dma2 semaphore(%run_scoped3A : memref<!tpu.dma_semaphore, #tpu.memory_space<semaphore_mem>>) src(%dma_wait3A_162 : memref<128xi32, #tpu.memory_space<hbm>>) dst(%dma_wait3A_161 : memref<128xi32, #tpu.memory_space<vmem>>)
        tpu.yield
      }) : () -> ()
      "tpu.region"() ({
        %run_scoped3A = tpu.sem_alloc : memref<!tpu.dma_semaphore, #tpu.memory_space<semaphore_mem>>
        %dma_start3A = arith.constant 0 : i32
        %dma_start3A_153 = arith.constant 0 : i32
        %dma_start3A_154 = tpu.memref_slice %arg2[%dma_start3A, %dma_start3A_153] : memref<20096x32xf32, #tpu.memory_space<hbm>> -> memref<20096x32xf32, #tpu.memory_space<hbm>>
        tpu.enqueue_indirect_dma source(%dma_start3A_154 : memref<20096x32xf32, #tpu.memory_space<hbm>>) target(%arg10 : memref<128x32xf32, #tpu.memory_space<vmem>>) offsets(%arg7 : memref<128xi32, #tpu.memory_space<vmem>>) semaphore(%run_scoped3A : memref<!tpu.dma_semaphore, #tpu.memory_space<semaphore_mem>>)
        %dma_wait3A = arith.constant 0 : i32
        %dma_wait3A_155 = arith.constant 0 : i32
        %dma_wait3A_156 = tpu.memref_slice %arg2[%dma_wait3A, %dma_wait3A_155] : memref<20096x32xf32, #tpu.memory_space<hbm>> -> memref<20096x32xf32, #tpu.memory_space<hbm>>
        tpu.wait_indirect_dma semaphore(%run_scoped3A : memref<!tpu.dma_semaphore, #tpu.memory_space<semaphore_mem>>) src(%dma_wait3A_156 : memref<20096x32xf32, #tpu.memory_space<hbm>>) dst(%arg10 : memref<128x32xf32, #tpu.memory_space<vmem>>)
        tpu.yield
      }) : () -> ()
      %scan3A_147 = arith.constant 0 : i32
      %scan3A_148 = arith.constant 128 : i32
      %scan3A_149 = arith.addi %scan3A_147, %scan3A_148 : i32
      %scan3A_150 = arith.constant 1 : i32
      %scan3A_151:3 = scf.for %scan3A_153 = %scan3A_147 to %scan3A_149 step %scan3A_150 iter_args(%scan3A_154 = %while3A_141, %scan3A_155 = %while3A_142, %scan3A_156 = %while3A_143) -> (i32, vector<16xf32>, vector<16xf32>)  : i32 {
        %get3A_157 = arith.index_cast %scan3A_153 : i32 to index
        %get3A_158 = tpu.vector_load %arg8[%get3A_157] {strides = array<i32>} : memref<144xi32, #tpu.memory_space<vmem>>, vector<16xi32>,
        %get3A_159 = vector.shape_cast %get3A_158 : vector<16xi32> to vector<16xi32>
        %slice3A_160 = vector.extract_strided_slice %get3A_159 {offsets = [0], sizes = [1], strides = [1]} : vector<16xi32> to vector<1xi32>
        %squeeze3A_161 = vector.extract %slice3A_160[0] : i32 from vector<1xi32>
        %ge3A_162 = arith.cmpi sge, %squeeze3A_161, %add3A_35 : i32
        %lt3A_163 = arith.cmpi slt, %squeeze3A_161, %min3A : i32
        %and3A_164 = arith.andi %ge3A_162, %lt3A_163 : i1
        %ne3A_165 = arith.cmpi ne, %squeeze3A_161, %scan3A_154 : i32
        %and3A_166 = arith.andi %and3A_164, %ne3A_165 : i1
        %ge3A_167 = arith.constant 0 : i32
        %ge3A_168 = arith.cmpi sge, %scan3A_154, %ge3A_167 : i32
        %and3A_169 = arith.andi %and3A_166, %ge3A_168 : i1
        %convert_element_type3A_170 = arith.extui %and3A_169 : i1 to i32
        %cond3A_171 = arith.constant 0 : i32
        %cond3A_172 = arith.cmpi ne, %convert_element_type3A_170, %cond3A_171 : i32
        scf.if %cond3A_172 {
          %sub3A_188 = arith.subi %scan3A_154, %add3A_35 : i32
          %mul3A_189 = arith.constant 32 : i32
          %mul3A_190 = arith.muli %sub3A_188, %mul3A_189 : i32
          %add3A_191 = arith.constant 0 : i32
          %add3A_192 = arith.addi %mul3A_190, %add3A_191 : i32
          %swap3A = arith.index_cast %add3A_192 : i32 to index
          %swap3A_193 = tpu.vector_load %arg11[%swap3A] {strides = array<i32>} : memref<20480xf32, #tpu.memory_space<vmem>>, vector<16xf32>,
          %swap3A_194 = vector.shape_cast %swap3A_193 : vector<16xf32> to vector<16xf32>
          %swap3A_195 = vector.shape_cast %scan3A_155 : vector<16xf32> to vector<16xf32>
          tpu.vector_store %arg11[%swap3A], %swap3A_195 {strides = array<i32>} : memref<20480xf32, #tpu.memory_space<vmem>>, vector<16xf32>,
          %sub3A_196 = arith.subi %scan3A_154, %add3A_35 : i32
          %mul3A_197 = arith.constant 32 : i32
          %mul3A_198 = arith.muli %sub3A_196, %mul3A_197 : i32
          %add3A_199 = arith.constant 16 : i32
          %add3A_200 = arith.addi %mul3A_198, %add3A_199 : i32
          %swap3A_201 = arith.index_cast %add3A_200 : i32 to index
          %swap3A_202 = tpu.vector_load %arg11[%swap3A_201] {strides = array<i32>} : memref<20480xf32, #tpu.memory_space<vmem>>, vector<16xf32>,
          %swap3A_203 = vector.shape_cast %swap3A_202 : vector<16xf32> to vector<16xf32>
          %swap3A_204 = vector.shape_cast %scan3A_156 : vector<16xf32> to vector<16xf32>
          tpu.vector_store %arg11[%swap3A_201], %swap3A_204 {strides = array<i32>} : memref<20480xf32, #tpu.memory_space<vmem>>, vector<16xf32>,
        } else {
        }
        %get3A_173 = arith.index_cast %scan3A_153 : i32 to index
        %get3A_174 = arith.constant 0 : index
        %get3A_175 = tpu.vector_load %arg10[%get3A_173, %get3A_174] {strides = array<i32>} : memref<128x32xf32, #tpu.memory_space<vmem>>, vector<1x16xf32>,
        %get3A_176 = vector.shape_cast %get3A_175 : vector<1x16xf32> to vector<16xf32>
        %add3A_177 = arith.addf %scan3A_155, %get3A_176 : vector<16xf32>
        %select_n3A_178 = arith.select %and3A_164, %add3A_177, %scan3A_155 : vector<16xf32>
        %select_n3A_179 = arith.select %and3A_166, %get3A_176, %select_n3A_178 : vector<16xf32>
        %get3A_180 = arith.index_cast %scan3A_153 : i32 to index
        %get3A_181 = arith.constant 16 : index
        %get3A_182 = tpu.vector_load %arg10[%get3A_180, %get3A_181] {strides = array<i32>} : memref<128x32xf32, #tpu.memory_space<vmem>>, vector<1x16xf32>,
        %get3A_183 = vector.shape_cast %get3A_182 : vector<1x16xf32> to vector<16xf32>
        %add3A_184 = arith.addf %scan3A_156, %get3A_183 : vector<16xf32>
        %select_n3A_185 = arith.select %and3A_164, %add3A_184, %scan3A_156 : vector<16xf32>
        %select_n3A_186 = arith.select %and3A_166, %get3A_183, %select_n3A_185 : vector<16xf32>
        %select_n3A_187 = arith.select %and3A_164, %squeeze3A_161, %scan3A_154 : i32
        scf.yield %select_n3A_187, %select_n3A_179, %select_n3A_186 : i32, vector<16xf32>, vector<16xf32>
      }
      %scan3A_152 = arith.constant 128 : i32
      scf.yield %scan3A_151#0, %scan3A_151#1, %scan3A_151#2 : i32, vector<16xf32>, vector<16xf32>
    }
    %while3A_126 = arith.constant 1 : i32
    %while3A_127:3 = scf.for %while3A_140 = %while3A_123 to %while3A_119 step %while3A_126 iter_args(%while3A_141 = %while3A_125#0, %while3A_142 = %while3A_125#1, %while3A_143 = %while3A_125#2) -> (i32, vector<16xf32>, vector<16xf32>)  : i32 {
      %mul3A_144 = arith.constant 128 : i32
      %mul3A_145 = arith.muli %while3A_140, %mul3A_144 : i32
      %add3A_146 = arith.addi %mul3A_83, %mul3A_145 : i32
      "tpu.region"() ({
        %run_scoped3A = tpu.sem_alloc : memref<!tpu.dma_semaphore, #tpu.memory_space<semaphore_mem>>
        %dma_start3A = tpu.memref_slice %arg3[%add3A_146] : memref<640256xi32, #tpu.memory_space<hbm>> -> memref<128xi32, #tpu.memory_space<hbm>>
        %dma_start3A_153 = tpu.memref_slice %arg3[%add3A_146] : memref<640256xi32, #tpu.memory_space<hbm>> -> memref<128xi32, #tpu.memory_space<hbm>>
        tpu.enqueue_dma source(%dma_start3A_153 : memref<128xi32, #tpu.memory_space<hbm>>) target(%arg7 : memref<128xi32, #tpu.memory_space<vmem>>) target_semaphore(%run_scoped3A : memref<!tpu.dma_semaphore, #tpu.memory_space<semaphore_mem>>)
        %dma_wait3A = tpu.memref_slice %arg3[%add3A_146] : memref<640256xi32, #tpu.memory_space<hbm>> -> memref<128xi32, #tpu.memory_space<hbm>>
        %dma_wait3A_154 = tpu.memref_slice %arg3[%add3A_146] : memref<640256xi32, #tpu.memory_space<hbm>> -> memref<128xi32, #tpu.memory_space<hbm>>
        tpu.wait_dma2 semaphore(%run_scoped3A : memref<!tpu.dma_semaphore, #tpu.memory_space<semaphore_mem>>) src(%dma_wait3A_154 : memref<128xi32, #tpu.memory_space<hbm>>) dst(%arg7 : memref<128xi32, #tpu.memory_space<vmem>>)
        tpu.yield
      }) : () -> ()
      "tpu.region"() ({
        %run_scoped3A = tpu.sem_alloc : memref<!tpu.dma_semaphore, #tpu.memory_space<semaphore_mem>>
        %dma_start3A = arith.constant 0 : i32
        %dma_start3A_153 = tpu.memref_slice %arg8[%dma_start3A] : memref<144xi32, #tpu.memory_space<vmem>> -> memref<128xi32, #tpu.memory_space<vmem>>
        %dma_start3A_154 = tpu.memref_slice %arg4[%add3A_146] : memref<640256xi32, #tpu.memory_space<hbm>> -> memref<128xi32, #tpu.memory_space<hbm>>
        %dma_start3A_155 = arith.constant 0 : i32
        %dma_start3A_156 = tpu.memref_slice %arg8[%dma_start3A_155] : memref<144xi32, #tpu.memory_space<vmem>> -> memref<128xi32, #tpu.memory_space<vmem>>
        %dma_start3A_157 = tpu.memref_slice %arg4[%add3A_146] : memref<640256xi32, #tpu.memory_space<hbm>> -> memref<128xi32, #tpu.memory_space<hbm>>
        tpu.enqueue_dma source(%dma_start3A_157 : memref<128xi32, #tpu.memory_space<hbm>>) target(%dma_start3A_156 : memref<128xi32, #tpu.memory_space<vmem>>) target_semaphore(%run_scoped3A : memref<!tpu.dma_semaphore, #tpu.memory_space<semaphore_mem>>)
        %dma_wait3A = arith.constant 0 : i32
        %dma_wait3A_158 = tpu.memref_slice %arg8[%dma_wait3A] : memref<144xi32, #tpu.memory_space<vmem>> -> memref<128xi32, #tpu.memory_space<vmem>>
        %dma_wait3A_159 = tpu.memref_slice %arg4[%add3A_146] : memref<640256xi32, #tpu.memory_space<hbm>> -> memref<128xi32, #tpu.memory_space<hbm>>
        %dma_wait3A_160 = arith.constant 0 : i32
        %dma_wait3A_161 = tpu.memref_slice %arg8[%dma_wait3A_160] : memref<144xi32, #tpu.memory_space<vmem>> -> memref<128xi32, #tpu.memory_space<vmem>>
        %dma_wait3A_162 = tpu.memref_slice %arg4[%add3A_146] : memref<640256xi32, #tpu.memory_space<hbm>> -> memref<128xi32, #tpu.memory_space<hbm>>
        tpu.wait_dma2 semaphore(%run_scoped3A : memref<!tpu.dma_semaphore, #tpu.memory_space<semaphore_mem>>) src(%dma_wait3A_162 : memref<128xi32, #tpu.memory_space<hbm>>) dst(%dma_wait3A_161 : memref<128xi32, #tpu.memory_space<vmem>>)
        tpu.yield
      }) : () -> ()
      "tpu.region"() ({
        %run_scoped3A = tpu.sem_alloc : memref<!tpu.dma_semaphore, #tpu.memory_space<semaphore_mem>>
        %dma_start3A = arith.constant 0 : i32
        %dma_start3A_153 = arith.constant 0 : i32
        %dma_start3A_154 = tpu.memref_slice %arg2[%dma_start3A, %dma_start3A_153] : memref<20096x32xf32, #tpu.memory_space<hbm>> -> memref<20096x32xf32, #tpu.memory_space<hbm>>
        tpu.enqueue_indirect_dma source(%dma_start3A_154 : memref<20096x32xf32, #tpu.memory_space<hbm>>) target(%arg10 : memref<128x32xf32, #tpu.memory_space<vmem>>) offsets(%arg7 : memref<128xi32, #tpu.memory_space<vmem>>) semaphore(%run_scoped3A : memref<!tpu.dma_semaphore, #tpu.memory_space<semaphore_mem>>)
        %dma_wait3A = arith.constant 0 : i32
        %dma_wait3A_155 = arith.constant 0 : i32
        %dma_wait3A_156 = tpu.memref_slice %arg2[%dma_wait3A, %dma_wait3A_155] : memref<20096x32xf32, #tpu.memory_space<hbm>> -> memref<20096x32xf32, #tpu.memory_space<hbm>>
        tpu.wait_indirect_dma semaphore(%run_scoped3A : memref<!tpu.dma_semaphore, #tpu.memory_space<semaphore_mem>>) src(%dma_wait3A_156 : memref<20096x32xf32, #tpu.memory_space<hbm>>) dst(%arg10 : memref<128x32xf32, #tpu.memory_space<vmem>>)
        tpu.yield
      }) : () -> ()
      %scan3A_147 = arith.constant 0 : i32
      %scan3A_148 = arith.constant 128 : i32
      %scan3A_149 = arith.addi %scan3A_147, %scan3A_148 : i32
      %scan3A_150 = arith.constant 1 : i32
      %scan3A_151:3 = scf.for %scan3A_153 = %scan3A_147 to %scan3A_149 step %scan3A_150 iter_args(%scan3A_154 = %while3A_141, %scan3A_155 = %while3A_142, %scan3A_156 = %while3A_143) -> (i32, vector<16xf32>, vector<16xf32>)  : i32 {
        %get3A_157 = arith.index_cast %scan3A_153 : i32 to index
        %get3A_158 = tpu.vector_load %arg8[%get3A_157] {strides = array<i32>} : memref<144xi32, #tpu.memory_space<vmem>>, vector<16xi32>,
        %get3A_159 = vector.shape_cast %get3A_158 : vector<16xi32> to vector<16xi32>
        %slice3A_160 = vector.extract_strided_slice %get3A_159 {offsets = [0], sizes = [1], strides = [1]} : vector<16xi32> to vector<1xi32>
        %squeeze3A_161 = vector.extract %slice3A_160[0] : i32 from vector<1xi32>
        %ge3A_162 = arith.cmpi sge, %squeeze3A_161, %add3A_35 : i32
        %lt3A_163 = arith.cmpi slt, %squeeze3A_161, %min3A : i32
        %and3A_164 = arith.andi %ge3A_162, %lt3A_163 : i1
        %ne3A_165 = arith.cmpi ne, %squeeze3A_161, %scan3A_154 : i32
        %and3A_166 = arith.andi %and3A_164, %ne3A_165 : i1
        %ge3A_167 = arith.constant 0 : i32
        %ge3A_168 = arith.cmpi sge, %scan3A_154, %ge3A_167 : i32
        %and3A_169 = arith.andi %and3A_166, %ge3A_168 : i1
        %convert_element_type3A_170 = arith.extui %and3A_169 : i1 to i32
        %cond3A_171 = arith.constant 0 : i32
        %cond3A_172 = arith.cmpi ne, %convert_element_type3A_170, %cond3A_171 : i32
        scf.if %cond3A_172 {
          %sub3A_188 = arith.subi %scan3A_154, %add3A_35 : i32
          %mul3A_189 = arith.constant 32 : i32
          %mul3A_190 = arith.muli %sub3A_188, %mul3A_189 : i32
          %add3A_191 = arith.constant 0 : i32
          %add3A_192 = arith.addi %mul3A_190, %add3A_191 : i32
          %swap3A = arith.index_cast %add3A_192 : i32 to index
          %swap3A_193 = tpu.vector_load %arg11[%swap3A] {strides = array<i32>} : memref<20480xf32, #tpu.memory_space<vmem>>, vector<16xf32>,
          %swap3A_194 = vector.shape_cast %swap3A_193 : vector<16xf32> to vector<16xf32>
          %swap3A_195 = vector.shape_cast %scan3A_155 : vector<16xf32> to vector<16xf32>
          tpu.vector_store %arg11[%swap3A], %swap3A_195 {strides = array<i32>} : memref<20480xf32, #tpu.memory_space<vmem>>, vector<16xf32>,
          %sub3A_196 = arith.subi %scan3A_154, %add3A_35 : i32
          %mul3A_197 = arith.constant 32 : i32
          %mul3A_198 = arith.muli %sub3A_196, %mul3A_197 : i32
          %add3A_199 = arith.constant 16 : i32
          %add3A_200 = arith.addi %mul3A_198, %add3A_199 : i32
          %swap3A_201 = arith.index_cast %add3A_200 : i32 to index
          %swap3A_202 = tpu.vector_load %arg11[%swap3A_201] {strides = array<i32>} : memref<20480xf32, #tpu.memory_space<vmem>>, vector<16xf32>,
          %swap3A_203 = vector.shape_cast %swap3A_202 : vector<16xf32> to vector<16xf32>
          %swap3A_204 = vector.shape_cast %scan3A_156 : vector<16xf32> to vector<16xf32>
          tpu.vector_store %arg11[%swap3A_201], %swap3A_204 {strides = array<i32>} : memref<20480xf32, #tpu.memory_space<vmem>>, vector<16xf32>,
        } else {
        }
        %get3A_173 = arith.index_cast %scan3A_153 : i32 to index
        %get3A_174 = arith.constant 0 : index
        %get3A_175 = tpu.vector_load %arg10[%get3A_173, %get3A_174] {strides = array<i32>} : memref<128x32xf32, #tpu.memory_space<vmem>>, vector<1x16xf32>,
        %get3A_176 = vector.shape_cast %get3A_175 : vector<1x16xf32> to vector<16xf32>
        %add3A_177 = arith.addf %scan3A_155, %get3A_176 : vector<16xf32>
        %select_n3A_178 = arith.select %and3A_164, %add3A_177, %scan3A_155 : vector<16xf32>
        %select_n3A_179 = arith.select %and3A_166, %get3A_176, %select_n3A_178 : vector<16xf32>
        %get3A_180 = arith.index_cast %scan3A_153 : i32 to index
        %get3A_181 = arith.constant 16 : index
        %get3A_182 = tpu.vector_load %arg10[%get3A_180, %get3A_181] {strides = array<i32>} : memref<128x32xf32, #tpu.memory_space<vmem>>, vector<1x16xf32>,
        %get3A_183 = vector.shape_cast %get3A_182 : vector<1x16xf32> to vector<16xf32>
        %add3A_184 = arith.addf %scan3A_156, %get3A_183 : vector<16xf32>
        %select_n3A_185 = arith.select %and3A_164, %add3A_184, %scan3A_156 : vector<16xf32>
        %select_n3A_186 = arith.select %and3A_166, %get3A_183, %select_n3A_185 : vector<16xf32>
        %select_n3A_187 = arith.select %and3A_164, %squeeze3A_161, %scan3A_154 : i32
        scf.yield %select_n3A_187, %select_n3A_179, %select_n3A_186 : i32, vector<16xf32>, vector<16xf32>
      }
      %scan3A_152 = arith.constant 128 : i32
      scf.yield %scan3A_151#0, %scan3A_151#1, %scan3A_151#2 : i32, vector<16xf32>, vector<16xf32>
    }
    %ge3A = arith.constant 0 : i32
    %ge3A_128 = arith.cmpi sge, %while3A_127#0, %ge3A : i32
    %convert_element_type3A = arith.extui %ge3A_128 : i1 to i32
    %cond3A = arith.constant 0 : i32
    %cond3A_129 = arith.cmpi ne, %convert_element_type3A, %cond3A : i32
    scf.if %cond3A_129 {
      %sub3A_140 = arith.subi %while3A_127#0, %add3A_35 : i32
      %mul3A_141 = arith.constant 32 : i32
      %mul3A_142 = arith.muli %sub3A_140, %mul3A_141 : i32
      %add3A_143 = arith.constant 0 : i32
      %add3A_144 = arith.addi %mul3A_142, %add3A_143 : i32
      %swap3A = arith.index_cast %add3A_144 : i32 to index
      %swap3A_145 = tpu.vector_load %arg11[%swap3A] {strides = array<i32>} : memref<20480xf32, #tpu.memory_space<vmem>>, vector<16xf32>,
      %swap3A_146 = vector.shape_cast %swap3A_145 : vector<16xf32> to vector<16xf32>
      %swap3A_147 = vector.shape_cast %while3A_127#1 : vector<16xf32> to vector<16xf32>
      tpu.vector_store %arg11[%swap3A], %swap3A_147 {strides = array<i32>} : memref<20480xf32, #tpu.memory_space<vmem>>, vector<16xf32>,
      %sub3A_148 = arith.subi %while3A_127#0, %add3A_35 : i32
      %mul3A_149 = arith.constant 32 : i32
      %mul3A_150 = arith.muli %sub3A_148, %mul3A_149 : i32
      %add3A_151 = arith.constant 16 : i32
      %add3A_152 = arith.addi %mul3A_150, %add3A_151 : i32
      %swap3A_153 = arith.index_cast %add3A_152 : i32 to index
      %swap3A_154 = tpu.vector_load %arg11[%swap3A_153] {strides = array<i32>} : memref<20480xf32, #tpu.memory_space<vmem>>, vector<16xf32>,
      %swap3A_155 = vector.shape_cast %swap3A_154 : vector<16xf32> to vector<16xf32>
      %swap3A_156 = vector.shape_cast %while3A_127#2 : vector<16xf32> to vector<16xf32>
      tpu.vector_store %arg11[%swap3A_153], %swap3A_156 {strides = array<i32>} : memref<20480xf32, #tpu.memory_space<vmem>>, vector<16xf32>,
    } else {
    }
    %eq3A_130 = arith.constant 640 : i32
    %eq3A_131 = arith.cmpi eq, %sub3A_47, %eq3A_130 : i32
    %convert_element_type3A_132 = arith.extui %eq3A_131 : i1 to i32
    %cond3A_133 = arith.constant 0 : i32
    %cond3A_134 = arith.cmpi ne, %convert_element_type3A_132, %cond3A_133 : i32
    scf.if %cond3A_134 {
      %mul3A_140 = arith.constant 32 : i32
      %mul3A_141 = arith.muli %add3A_35, %mul3A_140 : i32
      "tpu.region"() ({
        %run_scoped3A = tpu.sem_alloc : memref<!tpu.dma_semaphore, #tpu.memory_space<semaphore_mem>>
        %dma_start3A = tpu.memref_slice %arg6[%mul3A_141] : memref<643072xf32, #tpu.memory_space<hbm>> -> memref<20480xf32, #tpu.memory_space<hbm>>
        %dma_start3A_142 = tpu.memref_slice %arg6[%mul3A_141] : memref<643072xf32, #tpu.memory_space<hbm>> -> memref<20480xf32, #tpu.memory_space<hbm>>
        tpu.enqueue_dma source(%arg11 : memref<20480xf32, #tpu.memory_space<vmem>>) target(%dma_start3A_142 : memref<20480xf32, #tpu.memory_space<hbm>>) target_semaphore(%run_scoped3A : memref<!tpu.dma_semaphore, #tpu.memory_space<semaphore_mem>>)
        %dma_wait3A = tpu.memref_slice %arg6[%mul3A_141] : memref<643072xf32, #tpu.memory_space<hbm>> -> memref<20480xf32, #tpu.memory_space<hbm>>
        %dma_wait3A_143 = tpu.memref_slice %arg6[%mul3A_141] : memref<643072xf32, #tpu.memory_space<hbm>> -> memref<20480xf32, #tpu.memory_space<hbm>>
        tpu.wait_dma2 semaphore(%run_scoped3A : memref<!tpu.dma_semaphore, #tpu.memory_space<semaphore_mem>>) src(%arg11 : memref<20480xf32, #tpu.memory_space<vmem>>) dst(%dma_wait3A_143 : memref<20480xf32, #tpu.memory_space<hbm>>)
        tpu.yield
      }) : () -> ()
    } else {
    }
    %ne3A_135 = arith.constant 640 : i32
    %ne3A_136 = arith.cmpi ne, %sub3A_47, %ne3A_135 : i32
    %convert_element_type3A_137 = arith.extui %ne3A_136 : i1 to i32
    %cond3A_138 = arith.constant 0 : i32
    %cond3A_139 = arith.cmpi ne, %convert_element_type3A_137, %cond3A_138 : i32
    scf.if %cond3A_139 {
      %mul3A_140 = arith.constant 32 : i32
      %mul3A_141 = arith.muli %add3A_35, %mul3A_140 : i32
      "tpu.region"() ({
        %run_scoped3A = tpu.sem_alloc : memref<!tpu.dma_semaphore, #tpu.memory_space<semaphore_mem>>
        %dma_start3A = arith.constant 0 : i32
        %dma_start3A_142 = tpu.memref_slice %arg11[%dma_start3A] : memref<20480xf32, #tpu.memory_space<vmem>> -> memref<14336xf32, #tpu.memory_space<vmem>>
        %dma_start3A_143 = tpu.memref_slice %arg6[%mul3A_141] : memref<643072xf32, #tpu.memory_space<hbm>> -> memref<14336xf32, #tpu.memory_space<hbm>>
        %dma_start3A_144 = tpu.memref_slice %arg6[%mul3A_141] : memref<643072xf32, #tpu.memory_space<hbm>> -> memref<14336xf32, #tpu.memory_space<hbm>>
        %dma_start3A_145 = arith.constant 0 : i32
        %dma_start3A_146 = tpu.memref_slice %arg11[%dma_start3A_145] : memref<20480xf32, #tpu.memory_space<vmem>> -> memref<14336xf32, #tpu.memory_space<vmem>>
        tpu.enqueue_dma source(%dma_start3A_146 : memref<14336xf32, #tpu.memory_space<vmem>>) target(%dma_start3A_144 : memref<14336xf32, #tpu.memory_space<hbm>>) target_semaphore(%run_scoped3A : memref<!tpu.dma_semaphore, #tpu.memory_space<semaphore_mem>>)
        %dma_wait3A = arith.constant 0 : i32
        %dma_wait3A_147 = tpu.memref_slice %arg11[%dma_wait3A] : memref<20480xf32, #tpu.memory_space<vmem>> -> memref<14336xf32, #tpu.memory_space<vmem>>
        %dma_wait3A_148 = tpu.memref_slice %arg6[%mul3A_141] : memref<643072xf32, #tpu.memory_space<hbm>> -> memref<14336xf32, #tpu.memory_space<hbm>>
        %dma_wait3A_149 = tpu.memref_slice %arg6[%mul3A_141] : memref<643072xf32, #tpu.memory_space<hbm>> -> memref<14336xf32, #tpu.memory_space<hbm>>
        %dma_wait3A_150 = arith.constant 0 : i32
        %dma_wait3A_151 = tpu.memref_slice %arg11[%dma_wait3A_150] : memref<20480xf32, #tpu.memory_space<vmem>> -> memref<14336xf32, #tpu.memory_space<vmem>>
        tpu.wait_dma2 semaphore(%run_scoped3A : memref<!tpu.dma_semaphore, #tpu.memory_space<semaphore_mem>>) src(%dma_wait3A_151 : memref<14336xf32, #tpu.memory_space<vmem>>) dst(%dma_wait3A_149 : memref<14336xf32, #tpu.memory_space<hbm>>)
        tpu.yield
      }) : () -> ()
    } else {
    }
    return
  }
}

#map = affine_map<(d0, d1) -> (0, 0)>
#map1 = affine_map<(d0, d1) -> (0)>
module attributes {stable_mosaic.version = 14 : i64} {
  func.func @body(%arg0: i32, %arg1: i32, %arg2: memref<20096x32xf32, #tpu.memory_space<hbm>>, %arg3: memref<640256xi32, #tpu.memory_space<hbm>>, %arg4: memref<640256xi32, #tpu.memory_space<hbm>>, %arg5: memref<48xi32, #tpu.memory_space<hbm>>, %arg6: memref<643072xf32, #tpu.memory_space<hbm>>, %arg7: memref<128xi32, #tpu.memory_space<vmem>>, %arg8: memref<144xi32, #tpu.memory_space<vmem>>, %arg9: memref<48xi32, #tpu.memory_space<vmem>>, %arg10: memref<128x32xf32, #tpu.memory_space<vmem>>, %arg11: memref<20480xf32, #tpu.memory_space<vmem>>) attributes {dimension_semantics = [#tpu.dimension_semantics<core_parallel>, #tpu.dimension_semantics<subcore_parallel>], iteration_bounds = array<i64: 2, 16>, scalar_prefetch = 0 : i64, scratch_operands = 5 : i64, tpu.core_type = #tpu.core_type<sc_vector_subcore>, window_params = [{transform_indices = #map}, {transform_indices = #map1}, {transform_indices = #map1}, {transform_indices = #map1}, {transform_indices = #map1}]} {
    %mul3A = arith.constant 16 : i32
    %mul3A_0 = arith.muli %arg0, %mul3A : i32
    %add3A = arith.addi %mul3A_0, %arg1 : i32
    %jit3A = arith.constant 16 : i32
    %div3A = arith.divsi %add3A, %jit3A : i32
    %sign3A = arith.constant 0 : i32
    %sign3A_1 = arith.cmpi sgt, %add3A, %sign3A : i32
    %sign3A_2 = arith.extui %sign3A_1 : i1 to i32
    %sign3A_3 = arith.constant 0 : i32
    %sign3A_4 = arith.cmpi slt, %add3A, %sign3A_3 : i32
    %sign3A_5 = arith.extui %sign3A_4 : i1 to i32
    %sign3A_6 = arith.subi %sign3A_2, %sign3A_5 : i32
    %sign3A_7 = arith.constant 0 : i32
    %sign3A_8 = arith.cmpi sgt, %jit3A, %sign3A_7 : i32
    %sign3A_9 = arith.extui %sign3A_8 : i1 to i32
    %sign3A_10 = arith.constant 0 : i32
    %sign3A_11 = arith.cmpi slt, %jit3A, %sign3A_10 : i32
    %sign3A_12 = arith.extui %sign3A_11 : i1 to i32
    %sign3A_13 = arith.subi %sign3A_9, %sign3A_12 : i32
    %ne3A = arith.cmpi ne, %sign3A_6, %sign3A_13 : i32
    %rem3A = arith.remsi %add3A, %jit3A : i32
    %ne3A_14 = arith.constant 0 : i32
    %ne3A_15 = arith.cmpi ne, %rem3A, %ne3A_14 : i32
    %and3A = arith.andi %ne3A, %ne3A_15 : i1
    %sub3A = arith.constant 1 : i32
    %sub3A_16 = arith.subi %div3A, %sub3A : i32
    %select_n3A = arith.select %and3A, %sub3A_16, %div3A : i32
    %jit3A_17 = arith.constant 16 : i32
    %eq3A = arith.constant 0 : i32
    %eq3A_18 = arith.cmpi eq, %jit3A_17, %eq3A : i32
    %jit3A_19 = arith.constant 1 : i32
    %select_n3A_20 = arith.select %eq3A_18, %jit3A_19, %jit3A_17 : i32
    %rem3A_21 = arith.remsi %add3A, %select_n3A_20 : i32
    %ne3A_22 = arith.constant 0 : i32
    %ne3A_23 = arith.cmpi ne, %rem3A_21, %ne3A_22 : i32
    %lt3A = arith.constant 0 : i32
    %lt3A_24 = arith.cmpi slt, %rem3A_21, %lt3A : i32
    %lt3A_25 = arith.constant 0 : i32
    %lt3A_26 = arith.cmpi slt, %select_n3A_20, %lt3A_25 : i32
    %ne3A_27 = arith.xori %lt3A_24, %lt3A_26 : i1
    %and3A_28 = arith.andi %ne3A_27, %ne3A_23 : i1
    %add3A_29 = arith.addi %rem3A_21, %select_n3A_20 : i32
    %select_n3A_30 = arith.select %and3A_28, %add3A_29, %rem3A_21 : i32
    %mul3A_31 = arith.constant 10048 : i32
    %mul3A_32 = arith.muli %select_n3A, %mul3A_31 : i32
    %mul3A_33 = arith.constant 640 : i32
    %mul3A_34 = arith.muli %select_n3A_30, %mul3A_33 : i32
    %add3A_35 = arith.addi %mul3A_32, %mul3A_34 : i32
    %mul3A_36 = arith.constant 10048 : i32
    %mul3A_37 = arith.muli %select_n3A, %mul3A_36 : i32
    %add3A_38 = arith.constant 1 : i32
    %add3A_39 = arith.addi %select_n3A_30, %add3A_38 : i32
    %mul3A_40 = arith.constant 640 : i32
    %mul3A_41 = arith.muli %add3A_39, %mul3A_40 : i32
    %add3A_42 = arith.addi %mul3A_37, %mul3A_41 : i32
    %mul3A_43 = arith.constant 10048 : i32
    %mul3A_44 = arith.muli %select_n3A, %mul3A_43 : i32
    %add3A_45 = arith.constant 10048 : i32
    %add3A_46 = arith.addi %mul3A_44, %add3A_45 : i32
    %min3A = arith.minsi %add3A_42, %add3A_46 : i32
    %sub3A_47 = arith.subi %min3A, %add3A_35 : i32
    "tpu.region"() ({
      %run_scoped3A = tpu.sem_alloc : memref<!tpu.dma_semaphore, #tpu.memory_space<semaphore_mem>>
      tpu.enqueue_dma source(%arg5 : memref<48xi32, #tpu.memory_space<hbm>>) target(%arg9 : memref<48xi32, #tpu.memory_space<vmem>>) target_semaphore(%run_scoped3A : memref<!tpu.dma_semaphore, #tpu.memory_space<semaphore_mem>>)
      tpu.wait_dma2 semaphore(%run_scoped3A : memref<!tpu.dma_semaphore, #tpu.memory_space<semaphore_mem>>) src(%arg5 : memref<48xi32, #tpu.memory_space<hbm>>) dst(%arg9 : memref<48xi32, #tpu.memory_space<vmem>>)
      tpu.yield
    }) : () -> ()
    %broadcast_in_dim3A = arith.constant 0.000000e+00 : f32
    %broadcast_in_dim3A_48 = vector.broadcast %broadcast_in_dim3A : f32 to vector<16xf32>
    %scan3A = arith.constant 0 : i32
    %scan3A_49 = arith.constant 0 : i32
    %scan3A_50 = arith.constant 1280 : i32
    %scan3A_51 = arith.addi %scan3A_49, %scan3A_50 : i32
    %scan3A_52 = arith.constant 1 : i32
    scf.for %scan3A_140 = %scan3A_49 to %scan3A_51 step %scan3A_52  : i32 {
      %mul3A_141 = arith.constant 16 : i32
      %mul3A_142 = arith.muli %scan3A_140, %mul3A_141 : i32
      %swap3A = arith.index_cast %mul3A_142 : i32 to index
      %swap3A_143 = tpu.vector_load %arg11[%swap3A] {strides = array<i32>} : memref<20480xf32, #tpu.memory_space<vmem>>, vector<16xf32>,
      %swap3A_144 = vector.shape_cast %swap3A_143 : vector<16xf32> to vector<16xf32>
      %swap3A_145 = vector.shape_cast %broadcast_in_dim3A_48 : vector<16xf32> to vector<16xf32>
      tpu.vector_store %arg11[%swap3A], %swap3A_145 {strides = array<i32>} : memref<20480xf32, #tpu.memory_space<vmem>>, vector<16xf32>,
    }
    %scan3A_53 = arith.constant 1280 : i32
    %get3A = arith.index_cast %add3A : i32 to index
    %get3A_54 = tpu.vector_load %arg9[%get3A] {strides = array<i32>} : memref<48xi32, #tpu.memory_space<vmem>>, vector<16xi32>,
    %get3A_55 = vector.shape_cast %get3A_54 : vector<16xi32> to vector<16xi32>
    %slice3A = vector.extract_strided_slice %get3A_55 {offsets = [0], sizes = [1], strides = [1]} : vector<16xi32> to vector<1xi32>
    %squeeze3A = vector.extract %slice3A[0] : i32 from vector<1xi32>
    %slice3A_56 = vector.extract_strided_slice %get3A_55 {offsets = [1], sizes = [1], strides = [1]} : vector<16xi32> to vector<1xi32>
    %squeeze3A_57 = vector.extract %slice3A_56[0] : i32 from vector<1xi32>
    %jit3A_58 = arith.constant 8 : i32
    %div3A_59 = arith.divsi %squeeze3A, %jit3A_58 : i32
    %sign3A_60 = arith.constant 0 : i32
    %sign3A_61 = arith.cmpi sgt, %squeeze3A, %sign3A_60 : i32
    %sign3A_62 = arith.extui %sign3A_61 : i1 to i32
    %sign3A_63 = arith.constant 0 : i32
    %sign3A_64 = arith.cmpi slt, %squeeze3A, %sign3A_63 : i32
    %sign3A_65 = arith.extui %sign3A_64 : i1 to i32
    %sign3A_66 = arith.subi %sign3A_62, %sign3A_65 : i32
    %sign3A_67 = arith.constant 0 : i32
    %sign3A_68 = arith.cmpi sgt, %jit3A_58, %sign3A_67 : i32
    %sign3A_69 = arith.extui %sign3A_68 : i1 to i32
    %sign3A_70 = arith.constant 0 : i32
    %sign3A_71 = arith.cmpi slt, %jit3A_58, %sign3A_70 : i32
    %sign3A_72 = arith.extui %sign3A_71 : i1 to i32
    %sign3A_73 = arith.subi %sign3A_69, %sign3A_72 : i32
    %ne3A_74 = arith.cmpi ne, %sign3A_66, %sign3A_73 : i32
    %rem3A_75 = arith.remsi %squeeze3A, %jit3A_58 : i32
    %ne3A_76 = arith.constant 0 : i32
    %ne3A_77 = arith.cmpi ne, %rem3A_75, %ne3A_76 : i32
    %and3A_78 = arith.andi %ne3A_74, %ne3A_77 : i1
    %sub3A_79 = arith.constant 1 : i32
    %sub3A_80 = arith.subi %div3A_59, %sub3A_79 : i32
    %select_n3A_81 = arith.select %and3A_78, %sub3A_80, %div3A_59 : i32
    %mul3A_82 = arith.constant 8 : i32
    %mul3A_83 = arith.muli %select_n3A_81, %mul3A_82 : i32
    %sub3A_84 = arith.subi %squeeze3A_57, %mul3A_83 : i32
    %add3A_85 = arith.constant 128 : i32
    %add3A_86 = arith.addi %sub3A_84, %add3A_85 : i32
    %sub3A_87 = arith.constant 1 : i32
    %sub3A_88 = arith.subi %add3A_86, %sub3A_87 : i32
    %jit3A_89 = arith.constant 128 : i32
    %div3A_90 = arith.divsi %sub3A_88, %jit3A_89 : i32
    %sign3A_91 = arith.constant 0 : i32
    %sign3A_92 = arith.cmpi sgt, %sub3A_88, %sign3A_91 : i32
    %sign3A_93 = arith.extui %sign3A_92 : i1 to i32
    %sign3A_94 = arith.constant 0 : i32
    %sign3A_95 = arith.cmpi slt, %sub3A_88, %sign3A_94 : i32
    %sign3A_96 = arith.extui %sign3A_95 : i1 to i32
    %sign3A_97 = arith.subi %sign3A_93, %sign3A_96 : i32
    %sign3A_98 = arith.constant 0 : i32
    %sign3A_99 = arith.cmpi sgt, %jit3A_89, %sign3A_98 : i32
    %sign3A_100 = arith.extui %sign3A_99 : i1 to i32
    %sign3A_101 = arith.constant 0 : i32
    %sign3A_102 = arith.cmpi slt, %jit3A_89, %sign3A_101 : i32
    %sign3A_103 = arith.extui %sign3A_102 : i1 to i32
    %sign3A_104 = arith.subi %sign3A_100, %sign3A_103 : i32
    %ne3A_105 = arith.cmpi ne, %sign3A_97, %sign3A_104 : i32
    %rem3A_106 = arith.remsi %sub3A_88, %jit3A_89 : i32
    %ne3A_107 = arith.constant 0 : i32
    %ne3A_108 = arith.cmpi ne, %rem3A_106, %ne3A_107 : i32
    %and3A_109 = arith.andi %ne3A_105, %ne3A_108 : i1
    %sub3A_110 = arith.constant 1 : i32
    %sub3A_111 = arith.subi %div3A_90, %sub3A_110 : i32
    %select_n3A_112 = arith.select %and3A_109, %sub3A_111, %div3A_90 : i32
    %broadcast_in_dim3A_113 = arith.constant 0.000000e+00 : f32
    %broadcast_in_dim3A_114 = vector.broadcast %broadcast_in_dim3A_113 : f32 to vector<16xf32>
    %broadcast_in_dim3A_115 = arith.constant 0.000000e+00 : f32
    %broadcast_in_dim3A_116 = vector.broadcast %broadcast_in_dim3A_115 : f32 to vector<16xf32>
    %while3A = arith.constant 0 : i32
    %while3A_117 = arith.constant -1 : i32
    %while3A_118 = arith.subi %select_n3A_112, %while3A : i32
    %while3A_119 = arith.addi %while3A, %while3A_118 : i32
    %while3A_120 = arith.constant 1 : i32
    %while3A_121 = arith.divsi %while3A_118, %while3A_120 : i32
    %while3A_122 = arith.muli %while3A_121, %while3A_120 : i32
    %while3A_123 = arith.addi %while3A, %while3A_122 : i32
    %while3A_124 = arith.constant 1 : i32
    %while3A_125:3 = scf.for %while3A_140 = %while3A to %while3A_123 step %while3A_124 iter_args(%while3A_141 = %while3A_117, %while3A_142 = %broadcast_in_dim3A_114, %while3A_143 = %broadcast_in_dim3A_116) -> (i32, vector<16xf32>, vector<16xf32>)  : i32 {
      %mul3A_144 = arith.constant 128 : i32
      %mul3A_145 = arith.muli %while3A_140, %mul3A_144 : i32
      %add3A_146 = arith.addi %mul3A_83, %mul3A_145 : i32
      "tpu.region"() ({
        %run_scoped3A = tpu.sem_alloc : memref<!tpu.dma_semaphore, #tpu.memory_space<semaphore_mem>>
        %dma_start3A = tpu.memref_slice %arg3[%add3A_146] : memref<640256xi32, #tpu.memory_space<hbm>> -> memref<128xi32, #tpu.memory_space<hbm>>
        %dma_start3A_153 = tpu.memref_slice %arg3[%add3A_146] : memref<640256xi32, #tpu.memory_space<hbm>> -> memref<128xi32, #tpu.memory_space<hbm>>
        tpu.enqueue_dma source(%dma_start3A_153 : memref<128xi32, #tpu.memory_space<hbm>>) target(%arg7 : memref<128xi32, #tpu.memory_space<vmem>>) target_semaphore(%run_scoped3A : memref<!tpu.dma_semaphore, #tpu.memory_space<semaphore_mem>>)
        %dma_wait3A = tpu.memref_slice %arg3[%add3A_146] : memref<640256xi32, #tpu.memory_space<hbm>> -> memref<128xi32, #tpu.memory_space<hbm>>
        %dma_wait3A_154 = tpu.memref_slice %arg3[%add3A_146] : memref<640256xi32, #tpu.memory_space<hbm>> -> memref<128xi32, #tpu.memory_space<hbm>>
        tpu.wait_dma2 semaphore(%run_scoped3A : memref<!tpu.dma_semaphore, #tpu.memory_space<semaphore_mem>>) src(%dma_wait3A_154 : memref<128xi32, #tpu.memory_space<hbm>>) dst(%arg7 : memref<128xi32, #tpu.memory_space<vmem>>)
        tpu.yield
      }) : () -> ()
      "tpu.region"() ({
        %run_scoped3A = tpu.sem_alloc : memref<!tpu.dma_semaphore, #tpu.memory_space<semaphore_mem>>
        %dma_start3A = arith.constant 0 : i32
        %dma_start3A_153 = tpu.memref_slice %arg8[%dma_start3A] : memref<144xi32, #tpu.memory_space<vmem>> -> memref<128xi32, #tpu.memory_space<vmem>>
        %dma_start3A_154 = tpu.memref_slice %arg4[%add3A_146] : memref<640256xi32, #tpu.memory_space<hbm>> -> memref<128xi32, #tpu.memory_space<hbm>>
        %dma_start3A_155 = arith.constant 0 : i32
        %dma_start3A_156 = tpu.memref_slice %arg8[%dma_start3A_155] : memref<144xi32, #tpu.memory_space<vmem>> -> memref<128xi32, #tpu.memory_space<vmem>>
        %dma_start3A_157 = tpu.memref_slice %arg4[%add3A_146] : memref<640256xi32, #tpu.memory_space<hbm>> -> memref<128xi32, #tpu.memory_space<hbm>>
        tpu.enqueue_dma source(%dma_start3A_157 : memref<128xi32, #tpu.memory_space<hbm>>) target(%dma_start3A_156 : memref<128xi32, #tpu.memory_space<vmem>>) target_semaphore(%run_scoped3A : memref<!tpu.dma_semaphore, #tpu.memory_space<semaphore_mem>>)
        %dma_wait3A = arith.constant 0 : i32
        %dma_wait3A_158 = tpu.memref_slice %arg8[%dma_wait3A] : memref<144xi32, #tpu.memory_space<vmem>> -> memref<128xi32, #tpu.memory_space<vmem>>
        %dma_wait3A_159 = tpu.memref_slice %arg4[%add3A_146] : memref<640256xi32, #tpu.memory_space<hbm>> -> memref<128xi32, #tpu.memory_space<hbm>>
        %dma_wait3A_160 = arith.constant 0 : i32
        %dma_wait3A_161 = tpu.memref_slice %arg8[%dma_wait3A_160] : memref<144xi32, #tpu.memory_space<vmem>> -> memref<128xi32, #tpu.memory_space<vmem>>
        %dma_wait3A_162 = tpu.memref_slice %arg4[%add3A_146] : memref<640256xi32, #tpu.memory_space<hbm>> -> memref<128xi32, #tpu.memory_space<hbm>>
        tpu.wait_dma2 semaphore(%run_scoped3A : memref<!tpu.dma_semaphore, #tpu.memory_space<semaphore_mem>>) src(%dma_wait3A_162 : memref<128xi32, #tpu.memory_space<hbm>>) dst(%dma_wait3A_161 : memref<128xi32, #tpu.memory_space<vmem>>)
        tpu.yield
      }) : () -> ()
      "tpu.region"() ({
        %run_scoped3A = tpu.sem_alloc : memref<!tpu.dma_semaphore, #tpu.memory_space<semaphore_mem>>
        %dma_start3A = arith.constant 0 : i32
        %dma_start3A_153 = arith.constant 0 : i32
        %dma_start3A_154 = tpu.memref_slice %arg2[%dma_start3A, %dma_start3A_153] : memref<20096x32xf32, #tpu.memory_space<hbm>> -> memref<20096x32xf32, #tpu.memory_space<hbm>>
        tpu.enqueue_indirect_dma source(%dma_start3A_154 : memref<20096x32xf32, #tpu.memory_space<hbm>>) target(%arg10 : memref<128x32xf32, #tpu.memory_space<vmem>>) offsets(%arg7 : memref<128xi32, #tpu.memory_space<vmem>>) semaphore(%run_scoped3A : memref<!tpu.dma_semaphore, #tpu.memory_space<semaphore_mem>>)
        %dma_wait3A = arith.constant 0 : i32
        %dma_wait3A_155 = arith.constant 0 : i32
        %dma_wait3A_156 = tpu.memref_slice %arg2[%dma_wait3A, %dma_wait3A_155] : memref<20096x32xf32, #tpu.memory_space<hbm>> -> memref<20096x32xf32, #tpu.memory_space<hbm>>
        tpu.wait_indirect_dma semaphore(%run_scoped3A : memref<!tpu.dma_semaphore, #tpu.memory_space<semaphore_mem>>) src(%dma_wait3A_156 : memref<20096x32xf32, #tpu.memory_space<hbm>>) dst(%arg10 : memref<128x32xf32, #tpu.memory_space<vmem>>)
        tpu.yield
      }) : () -> ()
      %scan3A_147 = arith.constant 0 : i32
      %scan3A_148 = arith.constant 128 : i32
      %scan3A_149 = arith.addi %scan3A_147, %scan3A_148 : i32
      %scan3A_150 = arith.constant 1 : i32
      %scan3A_151:3 = scf.for %scan3A_153 = %scan3A_147 to %scan3A_149 step %scan3A_150 iter_args(%scan3A_154 = %while3A_141, %scan3A_155 = %while3A_142, %scan3A_156 = %while3A_143) -> (i32, vector<16xf32>, vector<16xf32>)  : i32 {
        %get3A_157 = arith.index_cast %scan3A_153 : i32 to index
        %get3A_158 = tpu.vector_load %arg8[%get3A_157] {strides = array<i32>} : memref<144xi32, #tpu.memory_space<vmem>>, vector<16xi32>,
        %get3A_159 = vector.shape_cast %get3A_158 : vector<16xi32> to vector<16xi32>
        %slice3A_160 = vector.extract_strided_slice %get3A_159 {offsets = [0], sizes = [1], strides = [1]} : vector<16xi32> to vector<1xi32>
        %squeeze3A_161 = vector.extract %slice3A_160[0] : i32 from vector<1xi32>
        %ge3A_162 = arith.cmpi sge, %squeeze3A_161, %add3A_35 : i32
        %lt3A_163 = arith.cmpi slt, %squeeze3A_161, %min3A : i32
        %and3A_164 = arith.andi %ge3A_162, %lt3A_163 : i1
        %ne3A_165 = arith.cmpi ne, %squeeze3A_161, %scan3A_154 : i32
        %and3A_166 = arith.andi %and3A_164, %ne3A_165 : i1
        %ge3A_167 = arith.constant 0 : i32
        %ge3A_168 = arith.cmpi sge, %scan3A_154, %ge3A_167 : i32
        %and3A_169 = arith.andi %and3A_166, %ge3A_168 : i1
        %convert_element_type3A_170 = arith.extui %and3A_169 : i1 to i32
        %cond3A_171 = arith.constant 0 : i32
        %cond3A_172 = arith.cmpi ne, %convert_element_type3A_170, %cond3A_171 : i32
        scf.if %cond3A_172 {
          %sub3A_188 = arith.subi %scan3A_154, %add3A_35 : i32
          %mul3A_189 = arith.constant 32 : i32
          %mul3A_190 = arith.muli %sub3A_188, %mul3A_189 : i32
          %add3A_191 = arith.constant 0 : i32
          %add3A_192 = arith.addi %mul3A_190, %add3A_191 : i32
          %swap3A = arith.index_cast %add3A_192 : i32 to index
          %swap3A_193 = tpu.vector_load %arg11[%swap3A] {strides = array<i32>} : memref<20480xf32, #tpu.memory_space<vmem>>, vector<16xf32>,
          %swap3A_194 = vector.shape_cast %swap3A_193 : vector<16xf32> to vector<16xf32>
          %swap3A_195 = vector.shape_cast %scan3A_155 : vector<16xf32> to vector<16xf32>
          tpu.vector_store %arg11[%swap3A], %swap3A_195 {strides = array<i32>} : memref<20480xf32, #tpu.memory_space<vmem>>, vector<16xf32>,
          %sub3A_196 = arith.subi %scan3A_154, %add3A_35 : i32
          %mul3A_197 = arith.constant 32 : i32
          %mul3A_198 = arith.muli %sub3A_196, %mul3A_197 : i32
          %add3A_199 = arith.constant 16 : i32
          %add3A_200 = arith.addi %mul3A_198, %add3A_199 : i32
          %swap3A_201 = arith.index_cast %add3A_200 : i32 to index
          %swap3A_202 = tpu.vector_load %arg11[%swap3A_201] {strides = array<i32>} : memref<20480xf32, #tpu.memory_space<vmem>>, vector<16xf32>,
          %swap3A_203 = vector.shape_cast %swap3A_202 : vector<16xf32> to vector<16xf32>
          %swap3A_204 = vector.shape_cast %scan3A_156 : vector<16xf32> to vector<16xf32>
          tpu.vector_store %arg11[%swap3A_201], %swap3A_204 {strides = array<i32>} : memref<20480xf32, #tpu.memory_space<vmem>>, vector<16xf32>,
        } else {
        }
        %get3A_173 = arith.index_cast %scan3A_153 : i32 to index
        %get3A_174 = arith.constant 0 : index
        %get3A_175 = tpu.vector_load %arg10[%get3A_173, %get3A_174] {strides = array<i32>} : memref<128x32xf32, #tpu.memory_space<vmem>>, vector<1x16xf32>,
        %get3A_176 = vector.shape_cast %get3A_175 : vector<1x16xf32> to vector<16xf32>
        %add3A_177 = arith.addf %scan3A_155, %get3A_176 : vector<16xf32>
        %select_n3A_178 = arith.select %and3A_164, %add3A_177, %scan3A_155 : vector<16xf32>
        %select_n3A_179 = arith.select %and3A_166, %get3A_176, %select_n3A_178 : vector<16xf32>
        %get3A_180 = arith.index_cast %scan3A_153 : i32 to index
        %get3A_181 = arith.constant 16 : index
        %get3A_182 = tpu.vector_load %arg10[%get3A_180, %get3A_181] {strides = array<i32>} : memref<128x32xf32, #tpu.memory_space<vmem>>, vector<1x16xf32>,
        %get3A_183 = vector.shape_cast %get3A_182 : vector<1x16xf32> to vector<16xf32>
        %add3A_184 = arith.addf %scan3A_156, %get3A_183 : vector<16xf32>
        %select_n3A_185 = arith.select %and3A_164, %add3A_184, %scan3A_156 : vector<16xf32>
        %select_n3A_186 = arith.select %and3A_166, %get3A_183, %select_n3A_185 : vector<16xf32>
        %select_n3A_187 = arith.select %and3A_164, %squeeze3A_161, %scan3A_154 : i32
        scf.yield %select_n3A_187, %select_n3A_179, %select_n3A_186 : i32, vector<16xf32>, vector<16xf32>
      }
      %scan3A_152 = arith.constant 128 : i32
      scf.yield %scan3A_151#0, %scan3A_151#1, %scan3A_151#2 : i32, vector<16xf32>, vector<16xf32>
    }
    %while3A_126 = arith.constant 1 : i32
    %while3A_127:3 = scf.for %while3A_140 = %while3A_123 to %while3A_119 step %while3A_126 iter_args(%while3A_141 = %while3A_125#0, %while3A_142 = %while3A_125#1, %while3A_143 = %while3A_125#2) -> (i32, vector<16xf32>, vector<16xf32>)  : i32 {
      %mul3A_144 = arith.constant 128 : i32
      %mul3A_145 = arith.muli %while3A_140, %mul3A_144 : i32
      %add3A_146 = arith.addi %mul3A_83, %mul3A_145 : i32
      "tpu.region"() ({
        %run_scoped3A = tpu.sem_alloc : memref<!tpu.dma_semaphore, #tpu.memory_space<semaphore_mem>>
        %dma_start3A = tpu.memref_slice %arg3[%add3A_146] : memref<640256xi32, #tpu.memory_space<hbm>> -> memref<128xi32, #tpu.memory_space<hbm>>
        %dma_start3A_153 = tpu.memref_slice %arg3[%add3A_146] : memref<640256xi32, #tpu.memory_space<hbm>> -> memref<128xi32, #tpu.memory_space<hbm>>
        tpu.enqueue_dma source(%dma_start3A_153 : memref<128xi32, #tpu.memory_space<hbm>>) target(%arg7 : memref<128xi32, #tpu.memory_space<vmem>>) target_semaphore(%run_scoped3A : memref<!tpu.dma_semaphore, #tpu.memory_space<semaphore_mem>>)
        %dma_wait3A = tpu.memref_slice %arg3[%add3A_146] : memref<640256xi32, #tpu.memory_space<hbm>> -> memref<128xi32, #tpu.memory_space<hbm>>
        %dma_wait3A_154 = tpu.memref_slice %arg3[%add3A_146] : memref<640256xi32, #tpu.memory_space<hbm>> -> memref<128xi32, #tpu.memory_space<hbm>>
        tpu.wait_dma2 semaphore(%run_scoped3A : memref<!tpu.dma_semaphore, #tpu.memory_space<semaphore_mem>>) src(%dma_wait3A_154 : memref<128xi32, #tpu.memory_space<hbm>>) dst(%arg7 : memref<128xi32, #tpu.memory_space<vmem>>)
        tpu.yield
      }) : () -> ()
      "tpu.region"() ({
        %run_scoped3A = tpu.sem_alloc : memref<!tpu.dma_semaphore, #tpu.memory_space<semaphore_mem>>
        %dma_start3A = arith.constant 0 : i32
        %dma_start3A_153 = tpu.memref_slice %arg8[%dma_start3A] : memref<144xi32, #tpu.memory_space<vmem>> -> memref<128xi32, #tpu.memory_space<vmem>>
        %dma_start3A_154 = tpu.memref_slice %arg4[%add3A_146] : memref<640256xi32, #tpu.memory_space<hbm>> -> memref<128xi32, #tpu.memory_space<hbm>>
        %dma_start3A_155 = arith.constant 0 : i32
        %dma_start3A_156 = tpu.memref_slice %arg8[%dma_start3A_155] : memref<144xi32, #tpu.memory_space<vmem>> -> memref<128xi32, #tpu.memory_space<vmem>>
        %dma_start3A_157 = tpu.memref_slice %arg4[%add3A_146] : memref<640256xi32, #tpu.memory_space<hbm>> -> memref<128xi32, #tpu.memory_space<hbm>>
        tpu.enqueue_dma source(%dma_start3A_157 : memref<128xi32, #tpu.memory_space<hbm>>) target(%dma_start3A_156 : memref<128xi32, #tpu.memory_space<vmem>>) target_semaphore(%run_scoped3A : memref<!tpu.dma_semaphore, #tpu.memory_space<semaphore_mem>>)
        %dma_wait3A = arith.constant 0 : i32
        %dma_wait3A_158 = tpu.memref_slice %arg8[%dma_wait3A] : memref<144xi32, #tpu.memory_space<vmem>> -> memref<128xi32, #tpu.memory_space<vmem>>
        %dma_wait3A_159 = tpu.memref_slice %arg4[%add3A_146] : memref<640256xi32, #tpu.memory_space<hbm>> -> memref<128xi32, #tpu.memory_space<hbm>>
        %dma_wait3A_160 = arith.constant 0 : i32
        %dma_wait3A_161 = tpu.memref_slice %arg8[%dma_wait3A_160] : memref<144xi32, #tpu.memory_space<vmem>> -> memref<128xi32, #tpu.memory_space<vmem>>
        %dma_wait3A_162 = tpu.memref_slice %arg4[%add3A_146] : memref<640256xi32, #tpu.memory_space<hbm>> -> memref<128xi32, #tpu.memory_space<hbm>>
        tpu.wait_dma2 semaphore(%run_scoped3A : memref<!tpu.dma_semaphore, #tpu.memory_space<semaphore_mem>>) src(%dma_wait3A_162 : memref<128xi32, #tpu.memory_space<hbm>>) dst(%dma_wait3A_161 : memref<128xi32, #tpu.memory_space<vmem>>)
        tpu.yield
      }) : () -> ()
      "tpu.region"() ({
        %run_scoped3A = tpu.sem_alloc : memref<!tpu.dma_semaphore, #tpu.memory_space<semaphore_mem>>
        %dma_start3A = arith.constant 0 : i32
        %dma_start3A_153 = arith.constant 0 : i32
        %dma_start3A_154 = tpu.memref_slice %arg2[%dma_start3A, %dma_start3A_153] : memref<20096x32xf32, #tpu.memory_space<hbm>> -> memref<20096x32xf32, #tpu.memory_space<hbm>>
        tpu.enqueue_indirect_dma source(%dma_start3A_154 : memref<20096x32xf32, #tpu.memory_space<hbm>>) target(%arg10 : memref<128x32xf32, #tpu.memory_space<vmem>>) offsets(%arg7 : memref<128xi32, #tpu.memory_space<vmem>>) semaphore(%run_scoped3A : memref<!tpu.dma_semaphore, #tpu.memory_space<semaphore_mem>>)
        %dma_wait3A = arith.constant 0 : i32
        %dma_wait3A_155 = arith.constant 0 : i32
        %dma_wait3A_156 = tpu.memref_slice %arg2[%dma_wait3A, %dma_wait3A_155] : memref<20096x32xf32, #tpu.memory_space<hbm>> -> memref<20096x32xf32, #tpu.memory_space<hbm>>
        tpu.wait_indirect_dma semaphore(%run_scoped3A : memref<!tpu.dma_semaphore, #tpu.memory_space<semaphore_mem>>) src(%dma_wait3A_156 : memref<20096x32xf32, #tpu.memory_space<hbm>>) dst(%arg10 : memref<128x32xf32, #tpu.memory_space<vmem>>)
        tpu.yield
      }) : () -> ()
      %scan3A_147 = arith.constant 0 : i32
      %scan3A_148 = arith.constant 128 : i32
      %scan3A_149 = arith.addi %scan3A_147, %scan3A_148 : i32
      %scan3A_150 = arith.constant 1 : i32
      %scan3A_151:3 = scf.for %scan3A_153 = %scan3A_147 to %scan3A_149 step %scan3A_150 iter_args(%scan3A_154 = %while3A_141, %scan3A_155 = %while3A_142, %scan3A_156 = %while3A_143) -> (i32, vector<16xf32>, vector<16xf32>)  : i32 {
        %get3A_157 = arith.index_cast %scan3A_153 : i32 to index
        %get3A_158 = tpu.vector_load %arg8[%get3A_157] {strides = array<i32>} : memref<144xi32, #tpu.memory_space<vmem>>, vector<16xi32>,
        %get3A_159 = vector.shape_cast %get3A_158 : vector<16xi32> to vector<16xi32>
        %slice3A_160 = vector.extract_strided_slice %get3A_159 {offsets = [0], sizes = [1], strides = [1]} : vector<16xi32> to vector<1xi32>
        %squeeze3A_161 = vector.extract %slice3A_160[0] : i32 from vector<1xi32>
        %ge3A_162 = arith.cmpi sge, %squeeze3A_161, %add3A_35 : i32
        %lt3A_163 = arith.cmpi slt, %squeeze3A_161, %min3A : i32
        %and3A_164 = arith.andi %ge3A_162, %lt3A_163 : i1
        %ne3A_165 = arith.cmpi ne, %squeeze3A_161, %scan3A_154 : i32
        %and3A_166 = arith.andi %and3A_164, %ne3A_165 : i1
        %ge3A_167 = arith.constant 0 : i32
        %ge3A_168 = arith.cmpi sge, %scan3A_154, %ge3A_167 : i32
        %and3A_169 = arith.andi %and3A_166, %ge3A_168 : i1
        %convert_element_type3A_170 = arith.extui %and3A_169 : i1 to i32
        %cond3A_171 = arith.constant 0 : i32
        %cond3A_172 = arith.cmpi ne, %convert_element_type3A_170, %cond3A_171 : i32
        scf.if %cond3A_172 {
          %sub3A_188 = arith.subi %scan3A_154, %add3A_35 : i32
          %mul3A_189 = arith.constant 32 : i32
          %mul3A_190 = arith.muli %sub3A_188, %mul3A_189 : i32
          %add3A_191 = arith.constant 0 : i32
          %add3A_192 = arith.addi %mul3A_190, %add3A_191 : i32
          %swap3A = arith.index_cast %add3A_192 : i32 to index
          %swap3A_193 = tpu.vector_load %arg11[%swap3A] {strides = array<i32>} : memref<20480xf32, #tpu.memory_space<vmem>>, vector<16xf32>,
          %swap3A_194 = vector.shape_cast %swap3A_193 : vector<16xf32> to vector<16xf32>
          %swap3A_195 = vector.shape_cast %scan3A_155 : vector<16xf32> to vector<16xf32>
          tpu.vector_store %arg11[%swap3A], %swap3A_195 {strides = array<i32>} : memref<20480xf32, #tpu.memory_space<vmem>>, vector<16xf32>,
          %sub3A_196 = arith.subi %scan3A_154, %add3A_35 : i32
          %mul3A_197 = arith.constant 32 : i32
          %mul3A_198 = arith.muli %sub3A_196, %mul3A_197 : i32
          %add3A_199 = arith.constant 16 : i32
          %add3A_200 = arith.addi %mul3A_198, %add3A_199 : i32
          %swap3A_201 = arith.index_cast %add3A_200 : i32 to index
          %swap3A_202 = tpu.vector_load %arg11[%swap3A_201] {strides = array<i32>} : memref<20480xf32, #tpu.memory_space<vmem>>, vector<16xf32>,
          %swap3A_203 = vector.shape_cast %swap3A_202 : vector<16xf32> to vector<16xf32>
          %swap3A_204 = vector.shape_cast %scan3A_156 : vector<16xf32> to vector<16xf32>
          tpu.vector_store %arg11[%swap3A_201], %swap3A_204 {strides = array<i32>} : memref<20480xf32, #tpu.memory_space<vmem>>, vector<16xf32>,
        } else {
        }
        %get3A_173 = arith.index_cast %scan3A_153 : i32 to index
        %get3A_174 = arith.constant 0 : index
        %get3A_175 = tpu.vector_load %arg10[%get3A_173, %get3A_174] {strides = array<i32>} : memref<128x32xf32, #tpu.memory_space<vmem>>, vector<1x16xf32>,
        %get3A_176 = vector.shape_cast %get3A_175 : vector<1x16xf32> to vector<16xf32>
        %add3A_177 = arith.addf %scan3A_155, %get3A_176 : vector<16xf32>
        %select_n3A_178 = arith.select %and3A_164, %add3A_177, %scan3A_155 : vector<16xf32>
        %select_n3A_179 = arith.select %and3A_166, %get3A_176, %select_n3A_178 : vector<16xf32>
        %get3A_180 = arith.index_cast %scan3A_153 : i32 to index
        %get3A_181 = arith.constant 16 : index
        %get3A_182 = tpu.vector_load %arg10[%get3A_180, %get3A_181] {strides = array<i32>} : memref<128x32xf32, #tpu.memory_space<vmem>>, vector<1x16xf32>,
        %get3A_183 = vector.shape_cast %get3A_182 : vector<1x16xf32> to vector<16xf32>
        %add3A_184 = arith.addf %scan3A_156, %get3A_183 : vector<16xf32>
        %select_n3A_185 = arith.select %and3A_164, %add3A_184, %scan3A_156 : vector<16xf32>
        %select_n3A_186 = arith.select %and3A_166, %get3A_183, %select_n3A_185 : vector<16xf32>
        %select_n3A_187 = arith.select %and3A_164, %squeeze3A_161, %scan3A_154 : i32
        scf.yield %select_n3A_187, %select_n3A_179, %select_n3A_186 : i32, vector<16xf32>, vector<16xf32>
      }
      %scan3A_152 = arith.constant 128 : i32
      scf.yield %scan3A_151#0, %scan3A_151#1, %scan3A_151#2 : i32, vector<16xf32>, vector<16xf32>
    }
    %ge3A = arith.constant 0 : i32
    %ge3A_128 = arith.cmpi sge, %while3A_127#0, %ge3A : i32
    %convert_element_type3A = arith.extui %ge3A_128 : i1 to i32
    %cond3A = arith.constant 0 : i32
    %cond3A_129 = arith.cmpi ne, %convert_element_type3A, %cond3A : i32
    scf.if %cond3A_129 {
      %sub3A_140 = arith.subi %while3A_127#0, %add3A_35 : i32
      %mul3A_141 = arith.constant 32 : i32
      %mul3A_142 = arith.muli %sub3A_140, %mul3A_141 : i32
      %add3A_143 = arith.constant 0 : i32
      %add3A_144 = arith.addi %mul3A_142, %add3A_143 : i32
      %swap3A = arith.index_cast %add3A_144 : i32 to index
      %swap3A_145 = tpu.vector_load %arg11[%swap3A] {strides = array<i32>} : memref<20480xf32, #tpu.memory_space<vmem>>, vector<16xf32>,
      %swap3A_146 = vector.shape_cast %swap3A_145 : vector<16xf32> to vector<16xf32>
      %swap3A_147 = vector.shape_cast %while3A_127#1 : vector<16xf32> to vector<16xf32>
      tpu.vector_store %arg11[%swap3A], %swap3A_147 {strides = array<i32>} : memref<20480xf32, #tpu.memory_space<vmem>>, vector<16xf32>,
      %sub3A_148 = arith.subi %while3A_127#0, %add3A_35 : i32
      %mul3A_149 = arith.constant 32 : i32
      %mul3A_150 = arith.muli %sub3A_148, %mul3A_149 : i32
      %add3A_151 = arith.constant 16 : i32
      %add3A_152 = arith.addi %mul3A_150, %add3A_151 : i32
      %swap3A_153 = arith.index_cast %add3A_152 : i32 to index
      %swap3A_154 = tpu.vector_load %arg11[%swap3A_153] {strides = array<i32>} : memref<20480xf32, #tpu.memory_space<vmem>>, vector<16xf32>,
      %swap3A_155 = vector.shape_cast %swap3A_154 : vector<16xf32> to vector<16xf32>
      %swap3A_156 = vector.shape_cast %while3A_127#2 : vector<16xf32> to vector<16xf32>
      tpu.vector_store %arg11[%swap3A_153], %swap3A_156 {strides = array<i32>} : memref<20480xf32, #tpu.memory_space<vmem>>, vector<16xf32>,
    } else {
    }
    %eq3A_130 = arith.constant 640 : i32
    %eq3A_131 = arith.cmpi eq, %sub3A_47, %eq3A_130 : i32
    %convert_element_type3A_132 = arith.extui %eq3A_131 : i1 to i32
    %cond3A_133 = arith.constant 0 : i32
    %cond3A_134 = arith.cmpi ne, %convert_element_type3A_132, %cond3A_133 : i32
    scf.if %cond3A_134 {
      %mul3A_140 = arith.constant 32 : i32
      %mul3A_141 = arith.muli %add3A_35, %mul3A_140 : i32
      "tpu.region"() ({
        %run_scoped3A = tpu.sem_alloc : memref<!tpu.dma_semaphore, #tpu.memory_space<semaphore_mem>>
        %dma_start3A = tpu.memref_slice %arg6[%mul3A_141] : memref<643072xf32, #tpu.memory_space<hbm>> -> memref<20480xf32, #tpu.memory_space<hbm>>
        %dma_start3A_142 = tpu.memref_slice %arg6[%mul3A_141] : memref<643072xf32, #tpu.memory_space<hbm>> -> memref<20480xf32, #tpu.memory_space<hbm>>
        tpu.enqueue_dma source(%arg11 : memref<20480xf32, #tpu.memory_space<vmem>>) target(%dma_start3A_142 : memref<20480xf32, #tpu.memory_space<hbm>>) target_semaphore(%run_scoped3A : memref<!tpu.dma_semaphore, #tpu.memory_space<semaphore_mem>>)
        %dma_wait3A = tpu.memref_slice %arg6[%mul3A_141] : memref<643072xf32, #tpu.memory_space<hbm>> -> memref<20480xf32, #tpu.memory_space<hbm>>
        %dma_wait3A_143 = tpu.memref_slice %arg6[%mul3A_141] : memref<643072xf32, #tpu.memory_space<hbm>> -> memref<20480xf32, #tpu.memory_space<hbm>>
        tpu.wait_dma2 semaphore(%run_scoped3A : memref<!tpu.dma_semaphore, #tpu.memory_space<semaphore_mem>>) src(%arg11 : memref<20480xf32, #tpu.memory_space<vmem>>) dst(%dma_wait3A_143 : memref<20480xf32, #tpu.memory_space<hbm>>)
        tpu.yield
      }) : () -> ()
    } else {
    }
    %ne3A_135 = arith.constant 640 : i32
    %ne3A_136 = arith.cmpi ne, %sub3A_47, %ne3A_135 : i32
    %convert_element_type3A_137 = arith.extui %ne3A_136 : i1 to i32
    %cond3A_138 = arith.constant 0 : i32
    %cond3A_139 = arith.cmpi ne, %convert_element_type3A_137, %cond3A_138 : i32
    scf.if %cond3A_139 {
      %mul3A_140 = arith.constant 32 : i32
      %mul3A_141 = arith.muli %add3A_35, %mul3A_140 : i32
      "tpu.region"() ({
        %run_scoped3A = tpu.sem_alloc : memref<!tpu.dma_semaphore, #tpu.memory_space<semaphore_mem>>
        %dma_start3A = arith.constant 0 : i32
        %dma_start3A_142 = tpu.memref_slice %arg11[%dma_start3A] : memref<20480xf32, #tpu.memory_space<vmem>> -> memref<14336xf32, #tpu.memory_space<vmem>>
        %dma_start3A_143 = tpu.memref_slice %arg6[%mul3A_141] : memref<643072xf32, #tpu.memory_space<hbm>> -> memref<14336xf32, #tpu.memory_space<hbm>>
        %dma_start3A_144 = tpu.memref_slice %arg6[%mul3A_141] : memref<643072xf32, #tpu.memory_space<hbm>> -> memref<14336xf32, #tpu.memory_space<hbm>>
        %dma_start3A_145 = arith.constant 0 : i32
        %dma_start3A_146 = tpu.memref_slice %arg11[%dma_start3A_145] : memref<20480xf32, #tpu.memory_space<vmem>> -> memref<14336xf32, #tpu.memory_space<vmem>>
        tpu.enqueue_dma source(%dma_start3A_146 : memref<14336xf32, #tpu.memory_space<vmem>>) target(%dma_start3A_144 : memref<14336xf32, #tpu.memory_space<hbm>>) target_semaphore(%run_scoped3A : memref<!tpu.dma_semaphore, #tpu.memory_space<semaphore_mem>>)
        %dma_wait3A = arith.constant 0 : i32
        %dma_wait3A_147 = tpu.memref_slice %arg11[%dma_wait3A] : memref<20480xf32, #tpu.memory_space<vmem>> -> memref<14336xf32, #tpu.memory_space<vmem>>
        %dma_wait3A_148 = tpu.memref_slice %arg6[%mul3A_141] : memref<643072xf32, #tpu.memory_space<hbm>> -> memref<14336xf32, #tpu.memory_space<hbm>>
        %dma_wait3A_149 = tpu.memref_slice %arg6[%mul3A_141] : memref<643072xf32, #tpu.memory_space<hbm>> -> memref<14336xf32, #tpu.memory_space<hbm>>
        %dma_wait3A_150 = arith.constant 0 : i32
        %dma_wait3A_151 = tpu.memref_slice %arg11[%dma_wait3A_150] : memref<20480xf32, #tpu.memory_space<vmem>> -> memref<14336xf32, #tpu.memory_space<vmem>>
        tpu.wait_dma2 semaphore(%run_scoped3A : memref<!tpu.dma_semaphore, #tpu.memory_space<semaphore_mem>>) src(%dma_wait3A_151 : memref<14336xf32, #tpu.memory_space<vmem>>) dst(%dma_wait3A_149 : memref<14336xf32, #tpu.memory_space<hbm>>)
        tpu.yield
      }) : () -> ()
    } else {
    }
    return
  }
}

#map = affine_map<(d0, d1) -> (0, 0)>
#map1 = affine_map<(d0, d1) -> (0)>
module attributes {stable_mosaic.version = 14 : i64} {
  func.func @body(%arg0: i32, %arg1: i32, %arg2: memref<20096x32xf32, #tpu.memory_space<hbm>>, %arg3: memref<640256xi32, #tpu.memory_space<hbm>>, %arg4: memref<640256xi32, #tpu.memory_space<hbm>>, %arg5: memref<48xi32, #tpu.memory_space<hbm>>, %arg6: memref<643072xf32, #tpu.memory_space<hbm>>, %arg7: memref<128xi32, #tpu.memory_space<vmem>>, %arg8: memref<144xi32, #tpu.memory_space<vmem>>, %arg9: memref<48xi32, #tpu.memory_space<vmem>>, %arg10: memref<128x32xf32, #tpu.memory_space<vmem>>, %arg11: memref<20480xf32, #tpu.memory_space<vmem>>) attributes {dimension_semantics = [#tpu.dimension_semantics<core_parallel>, #tpu.dimension_semantics<subcore_parallel>], iteration_bounds = array<i64: 2, 16>, scalar_prefetch = 0 : i64, scratch_operands = 5 : i64, tpu.core_type = #tpu.core_type<sc_vector_subcore>, window_params = [{transform_indices = #map}, {transform_indices = #map1}, {transform_indices = #map1}, {transform_indices = #map1}, {transform_indices = #map1}]} {
    %mul3A = arith.constant 16 : i32
    %mul3A_0 = arith.muli %arg0, %mul3A : i32
    %add3A = arith.addi %mul3A_0, %arg1 : i32
    %jit3A = arith.constant 16 : i32
    %div3A = arith.divsi %add3A, %jit3A : i32
    %sign3A = arith.constant 0 : i32
    %sign3A_1 = arith.cmpi sgt, %add3A, %sign3A : i32
    %sign3A_2 = arith.extui %sign3A_1 : i1 to i32
    %sign3A_3 = arith.constant 0 : i32
    %sign3A_4 = arith.cmpi slt, %add3A, %sign3A_3 : i32
    %sign3A_5 = arith.extui %sign3A_4 : i1 to i32
    %sign3A_6 = arith.subi %sign3A_2, %sign3A_5 : i32
    %sign3A_7 = arith.constant 0 : i32
    %sign3A_8 = arith.cmpi sgt, %jit3A, %sign3A_7 : i32
    %sign3A_9 = arith.extui %sign3A_8 : i1 to i32
    %sign3A_10 = arith.constant 0 : i32
    %sign3A_11 = arith.cmpi slt, %jit3A, %sign3A_10 : i32
    %sign3A_12 = arith.extui %sign3A_11 : i1 to i32
    %sign3A_13 = arith.subi %sign3A_9, %sign3A_12 : i32
    %ne3A = arith.cmpi ne, %sign3A_6, %sign3A_13 : i32
    %rem3A = arith.remsi %add3A, %jit3A : i32
    %ne3A_14 = arith.constant 0 : i32
    %ne3A_15 = arith.cmpi ne, %rem3A, %ne3A_14 : i32
    %and3A = arith.andi %ne3A, %ne3A_15 : i1
    %sub3A = arith.constant 1 : i32
    %sub3A_16 = arith.subi %div3A, %sub3A : i32
    %select_n3A = arith.select %and3A, %sub3A_16, %div3A : i32
    %jit3A_17 = arith.constant 16 : i32
    %eq3A = arith.constant 0 : i32
    %eq3A_18 = arith.cmpi eq, %jit3A_17, %eq3A : i32
    %jit3A_19 = arith.constant 1 : i32
    %select_n3A_20 = arith.select %eq3A_18, %jit3A_19, %jit3A_17 : i32
    %rem3A_21 = arith.remsi %add3A, %select_n3A_20 : i32
    %ne3A_22 = arith.constant 0 : i32
    %ne3A_23 = arith.cmpi ne, %rem3A_21, %ne3A_22 : i32
    %lt3A = arith.constant 0 : i32
    %lt3A_24 = arith.cmpi slt, %rem3A_21, %lt3A : i32
    %lt3A_25 = arith.constant 0 : i32
    %lt3A_26 = arith.cmpi slt, %select_n3A_20, %lt3A_25 : i32
    %ne3A_27 = arith.xori %lt3A_24, %lt3A_26 : i1
    %and3A_28 = arith.andi %ne3A_27, %ne3A_23 : i1
    %add3A_29 = arith.addi %rem3A_21, %select_n3A_20 : i32
    %select_n3A_30 = arith.select %and3A_28, %add3A_29, %rem3A_21 : i32
    %mul3A_31 = arith.constant 10048 : i32
    %mul3A_32 = arith.muli %select_n3A, %mul3A_31 : i32
    %mul3A_33 = arith.constant 640 : i32
    %mul3A_34 = arith.muli %select_n3A_30, %mul3A_33 : i32
    %add3A_35 = arith.addi %mul3A_32, %mul3A_34 : i32
    %mul3A_36 = arith.constant 10048 : i32
    %mul3A_37 = arith.muli %select_n3A, %mul3A_36 : i32
    %add3A_38 = arith.constant 1 : i32
    %add3A_39 = arith.addi %select_n3A_30, %add3A_38 : i32
    %mul3A_40 = arith.constant 640 : i32
    %mul3A_41 = arith.muli %add3A_39, %mul3A_40 : i32
    %add3A_42 = arith.addi %mul3A_37, %mul3A_41 : i32
    %mul3A_43 = arith.constant 10048 : i32
    %mul3A_44 = arith.muli %select_n3A, %mul3A_43 : i32
    %add3A_45 = arith.constant 10048 : i32
    %add3A_46 = arith.addi %mul3A_44, %add3A_45 : i32
    %min3A = arith.minsi %add3A_42, %add3A_46 : i32
    %sub3A_47 = arith.subi %min3A, %add3A_35 : i32
    "tpu.region"() ({
      %run_scoped3A = tpu.sem_alloc : memref<!tpu.dma_semaphore, #tpu.memory_space<semaphore_mem>>
      tpu.enqueue_dma source(%arg5 : memref<48xi32, #tpu.memory_space<hbm>>) target(%arg9 : memref<48xi32, #tpu.memory_space<vmem>>) target_semaphore(%run_scoped3A : memref<!tpu.dma_semaphore, #tpu.memory_space<semaphore_mem>>)
      tpu.wait_dma2 semaphore(%run_scoped3A : memref<!tpu.dma_semaphore, #tpu.memory_space<semaphore_mem>>) src(%arg5 : memref<48xi32, #tpu.memory_space<hbm>>) dst(%arg9 : memref<48xi32, #tpu.memory_space<vmem>>)
      tpu.yield
    }) : () -> ()
    %broadcast_in_dim3A = arith.constant 0.000000e+00 : f32
    %broadcast_in_dim3A_48 = vector.broadcast %broadcast_in_dim3A : f32 to vector<16xf32>
    %scan3A = arith.constant 0 : i32
    %scan3A_49 = arith.constant 0 : i32
    %scan3A_50 = arith.constant 1280 : i32
    %scan3A_51 = arith.addi %scan3A_49, %scan3A_50 : i32
    %scan3A_52 = arith.constant 1 : i32
    scf.for %scan3A_140 = %scan3A_49 to %scan3A_51 step %scan3A_52  : i32 {
      %mul3A_141 = arith.constant 16 : i32
      %mul3A_142 = arith.muli %scan3A_140, %mul3A_141 : i32
      %swap3A = arith.index_cast %mul3A_142 : i32 to index
      %swap3A_143 = tpu.vector_load %arg11[%swap3A] {strides = array<i32>} : memref<20480xf32, #tpu.memory_space<vmem>>, vector<16xf32>,
      %swap3A_144 = vector.shape_cast %swap3A_143 : vector<16xf32> to vector<16xf32>
      %swap3A_145 = vector.shape_cast %broadcast_in_dim3A_48 : vector<16xf32> to vector<16xf32>
      tpu.vector_store %arg11[%swap3A], %swap3A_145 {strides = array<i32>} : memref<20480xf32, #tpu.memory_space<vmem>>, vector<16xf32>,
    }
    %scan3A_53 = arith.constant 1280 : i32
    %get3A = arith.index_cast %add3A : i32 to index
    %get3A_54 = tpu.vector_load %arg9[%get3A] {strides = array<i32>} : memref<48xi32, #tpu.memory_space<vmem>>, vector<16xi32>,
    %get3A_55 = vector.shape_cast %get3A_54 : vector<16xi32> to vector<16xi32>
    %slice3A = vector.extract_strided_slice %get3A_55 {offsets = [0], sizes = [1], strides = [1]} : vector<16xi32> to vector<1xi32>
    %squeeze3A = vector.extract %slice3A[0] : i32 from vector<1xi32>
    %slice3A_56 = vector.extract_strided_slice %get3A_55 {offsets = [1], sizes = [1], strides = [1]} : vector<16xi32> to vector<1xi32>
    %squeeze3A_57 = vector.extract %slice3A_56[0] : i32 from vector<1xi32>
    %jit3A_58 = arith.constant 8 : i32
    %div3A_59 = arith.divsi %squeeze3A, %jit3A_58 : i32
    %sign3A_60 = arith.constant 0 : i32
    %sign3A_61 = arith.cmpi sgt, %squeeze3A, %sign3A_60 : i32
    %sign3A_62 = arith.extui %sign3A_61 : i1 to i32
    %sign3A_63 = arith.constant 0 : i32
    %sign3A_64 = arith.cmpi slt, %squeeze3A, %sign3A_63 : i32
    %sign3A_65 = arith.extui %sign3A_64 : i1 to i32
    %sign3A_66 = arith.subi %sign3A_62, %sign3A_65 : i32
    %sign3A_67 = arith.constant 0 : i32
    %sign3A_68 = arith.cmpi sgt, %jit3A_58, %sign3A_67 : i32
    %sign3A_69 = arith.extui %sign3A_68 : i1 to i32
    %sign3A_70 = arith.constant 0 : i32
    %sign3A_71 = arith.cmpi slt, %jit3A_58, %sign3A_70 : i32
    %sign3A_72 = arith.extui %sign3A_71 : i1 to i32
    %sign3A_73 = arith.subi %sign3A_69, %sign3A_72 : i32
    %ne3A_74 = arith.cmpi ne, %sign3A_66, %sign3A_73 : i32
    %rem3A_75 = arith.remsi %squeeze3A, %jit3A_58 : i32
    %ne3A_76 = arith.constant 0 : i32
    %ne3A_77 = arith.cmpi ne, %rem3A_75, %ne3A_76 : i32
    %and3A_78 = arith.andi %ne3A_74, %ne3A_77 : i1
    %sub3A_79 = arith.constant 1 : i32
    %sub3A_80 = arith.subi %div3A_59, %sub3A_79 : i32
    %select_n3A_81 = arith.select %and3A_78, %sub3A_80, %div3A_59 : i32
    %mul3A_82 = arith.constant 8 : i32
    %mul3A_83 = arith.muli %select_n3A_81, %mul3A_82 : i32
    %sub3A_84 = arith.subi %squeeze3A_57, %mul3A_83 : i32
    %add3A_85 = arith.constant 128 : i32
    %add3A_86 = arith.addi %sub3A_84, %add3A_85 : i32
    %sub3A_87 = arith.constant 1 : i32
    %sub3A_88 = arith.subi %add3A_86, %sub3A_87 : i32
    %jit3A_89 = arith.constant 128 : i32
    %div3A_90 = arith.divsi %sub3A_88, %jit3A_89 : i32
    %sign3A_91 = arith.constant 0 : i32
    %sign3A_92 = arith.cmpi sgt, %sub3A_88, %sign3A_91 : i32
    %sign3A_93 = arith.extui %sign3A_92 : i1 to i32
    %sign3A_94 = arith.constant 0 : i32
    %sign3A_95 = arith.cmpi slt, %sub3A_88, %sign3A_94 : i32
    %sign3A_96 = arith.extui %sign3A_95 : i1 to i32
    %sign3A_97 = arith.subi %sign3A_93, %sign3A_96 : i32
    %sign3A_98 = arith.constant 0 : i32
    %sign3A_99 = arith.cmpi sgt, %jit3A_89, %sign3A_98 : i32
    %sign3A_100 = arith.extui %sign3A_99 : i1 to i32
    %sign3A_101 = arith.constant 0 : i32
    %sign3A_102 = arith.cmpi slt, %jit3A_89, %sign3A_101 : i32
    %sign3A_103 = arith.extui %sign3A_102 : i1 to i32
    %sign3A_104 = arith.subi %sign3A_100, %sign3A_103 : i32
    %ne3A_105 = arith.cmpi ne, %sign3A_97, %sign3A_104 : i32
    %rem3A_106 = arith.remsi %sub3A_88, %jit3A_89 : i32
    %ne3A_107 = arith.constant 0 : i32
    %ne3A_108 = arith.cmpi ne, %rem3A_106, %ne3A_107 : i32
    %and3A_109 = arith.andi %ne3A_105, %ne3A_108 : i1
    %sub3A_110 = arith.constant 1 : i32
    %sub3A_111 = arith.subi %div3A_90, %sub3A_110 : i32
    %select_n3A_112 = arith.select %and3A_109, %sub3A_111, %div3A_90 : i32
    %broadcast_in_dim3A_113 = arith.constant 0.000000e+00 : f32
    %broadcast_in_dim3A_114 = vector.broadcast %broadcast_in_dim3A_113 : f32 to vector<16xf32>
    %broadcast_in_dim3A_115 = arith.constant 0.000000e+00 : f32
    %broadcast_in_dim3A_116 = vector.broadcast %broadcast_in_dim3A_115 : f32 to vector<16xf32>
    %while3A = arith.constant 0 : i32
    %while3A_117 = arith.constant -1 : i32
    %while3A_118 = arith.subi %select_n3A_112, %while3A : i32
    %while3A_119 = arith.addi %while3A, %while3A_118 : i32
    %while3A_120 = arith.constant 1 : i32
    %while3A_121 = arith.divsi %while3A_118, %while3A_120 : i32
    %while3A_122 = arith.muli %while3A_121, %while3A_120 : i32
    %while3A_123 = arith.addi %while3A, %while3A_122 : i32
    %while3A_124 = arith.constant 1 : i32
    %while3A_125:3 = scf.for %while3A_140 = %while3A to %while3A_123 step %while3A_124 iter_args(%while3A_141 = %while3A_117, %while3A_142 = %broadcast_in_dim3A_114, %while3A_143 = %broadcast_in_dim3A_116) -> (i32, vector<16xf32>, vector<16xf32>)  : i32 {
      %mul3A_144 = arith.constant 128 : i32
      %mul3A_145 = arith.muli %while3A_140, %mul3A_144 : i32
      %add3A_146 = arith.addi %mul3A_83, %mul3A_145 : i32
      "tpu.region"() ({
        %run_scoped3A = tpu.sem_alloc : memref<!tpu.dma_semaphore, #tpu.memory_space<semaphore_mem>>
        %dma_start3A = tpu.memref_slice %arg3[%add3A_146] : memref<640256xi32, #tpu.memory_space<hbm>> -> memref<128xi32, #tpu.memory_space<hbm>>
        %dma_start3A_153 = tpu.memref_slice %arg3[%add3A_146] : memref<640256xi32, #tpu.memory_space<hbm>> -> memref<128xi32, #tpu.memory_space<hbm>>
        tpu.enqueue_dma source(%dma_start3A_153 : memref<128xi32, #tpu.memory_space<hbm>>) target(%arg7 : memref<128xi32, #tpu.memory_space<vmem>>) target_semaphore(%run_scoped3A : memref<!tpu.dma_semaphore, #tpu.memory_space<semaphore_mem>>)
        %dma_wait3A = tpu.memref_slice %arg3[%add3A_146] : memref<640256xi32, #tpu.memory_space<hbm>> -> memref<128xi32, #tpu.memory_space<hbm>>
        %dma_wait3A_154 = tpu.memref_slice %arg3[%add3A_146] : memref<640256xi32, #tpu.memory_space<hbm>> -> memref<128xi32, #tpu.memory_space<hbm>>
        tpu.wait_dma2 semaphore(%run_scoped3A : memref<!tpu.dma_semaphore, #tpu.memory_space<semaphore_mem>>) src(%dma_wait3A_154 : memref<128xi32, #tpu.memory_space<hbm>>) dst(%arg7 : memref<128xi32, #tpu.memory_space<vmem>>)
        tpu.yield
      }) : () -> ()
      "tpu.region"() ({
        %run_scoped3A = tpu.sem_alloc : memref<!tpu.dma_semaphore, #tpu.memory_space<semaphore_mem>>
        %dma_start3A = arith.constant 0 : i32
        %dma_start3A_153 = tpu.memref_slice %arg8[%dma_start3A] : memref<144xi32, #tpu.memory_space<vmem>> -> memref<128xi32, #tpu.memory_space<vmem>>
        %dma_start3A_154 = tpu.memref_slice %arg4[%add3A_146] : memref<640256xi32, #tpu.memory_space<hbm>> -> memref<128xi32, #tpu.memory_space<hbm>>
        %dma_start3A_155 = arith.constant 0 : i32
        %dma_start3A_156 = tpu.memref_slice %arg8[%dma_start3A_155] : memref<144xi32, #tpu.memory_space<vmem>> -> memref<128xi32, #tpu.memory_space<vmem>>
        %dma_start3A_157 = tpu.memref_slice %arg4[%add3A_146] : memref<640256xi32, #tpu.memory_space<hbm>> -> memref<128xi32, #tpu.memory_space<hbm>>
        tpu.enqueue_dma source(%dma_start3A_157 : memref<128xi32, #tpu.memory_space<hbm>>) target(%dma_start3A_156 : memref<128xi32, #tpu.memory_space<vmem>>) target_semaphore(%run_scoped3A : memref<!tpu.dma_semaphore, #tpu.memory_space<semaphore_mem>>)
        %dma_wait3A = arith.constant 0 : i32
        %dma_wait3A_158 = tpu.memref_slice %arg8[%dma_wait3A] : memref<144xi32, #tpu.memory_space<vmem>> -> memref<128xi32, #tpu.memory_space<vmem>>
        %dma_wait3A_159 = tpu.memref_slice %arg4[%add3A_146] : memref<640256xi32, #tpu.memory_space<hbm>> -> memref<128xi32, #tpu.memory_space<hbm>>
        %dma_wait3A_160 = arith.constant 0 : i32
        %dma_wait3A_161 = tpu.memref_slice %arg8[%dma_wait3A_160] : memref<144xi32, #tpu.memory_space<vmem>> -> memref<128xi32, #tpu.memory_space<vmem>>
        %dma_wait3A_162 = tpu.memref_slice %arg4[%add3A_146] : memref<640256xi32, #tpu.memory_space<hbm>> -> memref<128xi32, #tpu.memory_space<hbm>>
        tpu.wait_dma2 semaphore(%run_scoped3A : memref<!tpu.dma_semaphore, #tpu.memory_space<semaphore_mem>>) src(%dma_wait3A_162 : memref<128xi32, #tpu.memory_space<hbm>>) dst(%dma_wait3A_161 : memref<128xi32, #tpu.memory_space<vmem>>)
        tpu.yield
      }) : () -> ()
      "tpu.region"() ({
        %run_scoped3A = tpu.sem_alloc : memref<!tpu.dma_semaphore, #tpu.memory_space<semaphore_mem>>
        %dma_start3A = arith.constant 0 : i32
        %dma_start3A_153 = arith.constant 0 : i32
        %dma_start3A_154 = tpu.memref_slice %arg2[%dma_start3A, %dma_start3A_153] : memref<20096x32xf32, #tpu.memory_space<hbm>> -> memref<20096x32xf32, #tpu.memory_space<hbm>>
        tpu.enqueue_indirect_dma source(%dma_start3A_154 : memref<20096x32xf32, #tpu.memory_space<hbm>>) target(%arg10 : memref<128x32xf32, #tpu.memory_space<vmem>>) offsets(%arg7 : memref<128xi32, #tpu.memory_space<vmem>>) semaphore(%run_scoped3A : memref<!tpu.dma_semaphore, #tpu.memory_space<semaphore_mem>>)
        %dma_wait3A = arith.constant 0 : i32
        %dma_wait3A_155 = arith.constant 0 : i32
        %dma_wait3A_156 = tpu.memref_slice %arg2[%dma_wait3A, %dma_wait3A_155] : memref<20096x32xf32, #tpu.memory_space<hbm>> -> memref<20096x32xf32, #tpu.memory_space<hbm>>
        tpu.wait_indirect_dma semaphore(%run_scoped3A : memref<!tpu.dma_semaphore, #tpu.memory_space<semaphore_mem>>) src(%dma_wait3A_156 : memref<20096x32xf32, #tpu.memory_space<hbm>>) dst(%arg10 : memref<128x32xf32, #tpu.memory_space<vmem>>)
        tpu.yield
      }) : () -> ()
      %scan3A_147 = arith.constant 0 : i32
      %scan3A_148 = arith.constant 128 : i32
      %scan3A_149 = arith.addi %scan3A_147, %scan3A_148 : i32
      %scan3A_150 = arith.constant 1 : i32
      %scan3A_151:3 = scf.for %scan3A_153 = %scan3A_147 to %scan3A_149 step %scan3A_150 iter_args(%scan3A_154 = %while3A_141, %scan3A_155 = %while3A_142, %scan3A_156 = %while3A_143) -> (i32, vector<16xf32>, vector<16xf32>)  : i32 {
        %get3A_157 = arith.index_cast %scan3A_153 : i32 to index
        %get3A_158 = tpu.vector_load %arg8[%get3A_157] {strides = array<i32>} : memref<144xi32, #tpu.memory_space<vmem>>, vector<16xi32>,
        %get3A_159 = vector.shape_cast %get3A_158 : vector<16xi32> to vector<16xi32>
        %slice3A_160 = vector.extract_strided_slice %get3A_159 {offsets = [0], sizes = [1], strides = [1]} : vector<16xi32> to vector<1xi32>
        %squeeze3A_161 = vector.extract %slice3A_160[0] : i32 from vector<1xi32>
        %ge3A_162 = arith.cmpi sge, %squeeze3A_161, %add3A_35 : i32
        %lt3A_163 = arith.cmpi slt, %squeeze3A_161, %min3A : i32
        %and3A_164 = arith.andi %ge3A_162, %lt3A_163 : i1
        %ne3A_165 = arith.cmpi ne, %squeeze3A_161, %scan3A_154 : i32
        %and3A_166 = arith.andi %and3A_164, %ne3A_165 : i1
        %ge3A_167 = arith.constant 0 : i32
        %ge3A_168 = arith.cmpi sge, %scan3A_154, %ge3A_167 : i32
        %and3A_169 = arith.andi %and3A_166, %ge3A_168 : i1
        %convert_element_type3A_170 = arith.extui %and3A_169 : i1 to i32
        %cond3A_171 = arith.constant 0 : i32
        %cond3A_172 = arith.cmpi ne, %convert_element_type3A_170, %cond3A_171 : i32
        scf.if %cond3A_172 {
          %sub3A_188 = arith.subi %scan3A_154, %add3A_35 : i32
          %mul3A_189 = arith.constant 32 : i32
          %mul3A_190 = arith.muli %sub3A_188, %mul3A_189 : i32
          %add3A_191 = arith.constant 0 : i32
          %add3A_192 = arith.addi %mul3A_190, %add3A_191 : i32
          %swap3A = arith.index_cast %add3A_192 : i32 to index
          %swap3A_193 = tpu.vector_load %arg11[%swap3A] {strides = array<i32>} : memref<20480xf32, #tpu.memory_space<vmem>>, vector<16xf32>,
          %swap3A_194 = vector.shape_cast %swap3A_193 : vector<16xf32> to vector<16xf32>
          %swap3A_195 = vector.shape_cast %scan3A_155 : vector<16xf32> to vector<16xf32>
          tpu.vector_store %arg11[%swap3A], %swap3A_195 {strides = array<i32>} : memref<20480xf32, #tpu.memory_space<vmem>>, vector<16xf32>,
          %sub3A_196 = arith.subi %scan3A_154, %add3A_35 : i32
          %mul3A_197 = arith.constant 32 : i32
          %mul3A_198 = arith.muli %sub3A_196, %mul3A_197 : i32
          %add3A_199 = arith.constant 16 : i32
          %add3A_200 = arith.addi %mul3A_198, %add3A_199 : i32
          %swap3A_201 = arith.index_cast %add3A_200 : i32 to index
          %swap3A_202 = tpu.vector_load %arg11[%swap3A_201] {strides = array<i32>} : memref<20480xf32, #tpu.memory_space<vmem>>, vector<16xf32>,
          %swap3A_203 = vector.shape_cast %swap3A_202 : vector<16xf32> to vector<16xf32>
          %swap3A_204 = vector.shape_cast %scan3A_156 : vector<16xf32> to vector<16xf32>
          tpu.vector_store %arg11[%swap3A_201], %swap3A_204 {strides = array<i32>} : memref<20480xf32, #tpu.memory_space<vmem>>, vector<16xf32>,
        } else {
        }
        %get3A_173 = arith.index_cast %scan3A_153 : i32 to index
        %get3A_174 = arith.constant 0 : index
        %get3A_175 = tpu.vector_load %arg10[%get3A_173, %get3A_174] {strides = array<i32>} : memref<128x32xf32, #tpu.memory_space<vmem>>, vector<1x16xf32>,
        %get3A_176 = vector.shape_cast %get3A_175 : vector<1x16xf32> to vector<16xf32>
        %add3A_177 = arith.addf %scan3A_155, %get3A_176 : vector<16xf32>
        %select_n3A_178 = arith.select %and3A_164, %add3A_177, %scan3A_155 : vector<16xf32>
        %select_n3A_179 = arith.select %and3A_166, %get3A_176, %select_n3A_178 : vector<16xf32>
        %get3A_180 = arith.index_cast %scan3A_153 : i32 to index
        %get3A_181 = arith.constant 16 : index
        %get3A_182 = tpu.vector_load %arg10[%get3A_180, %get3A_181] {strides = array<i32>} : memref<128x32xf32, #tpu.memory_space<vmem>>, vector<1x16xf32>,
        %get3A_183 = vector.shape_cast %get3A_182 : vector<1x16xf32> to vector<16xf32>
        %add3A_184 = arith.addf %scan3A_156, %get3A_183 : vector<16xf32>
        %select_n3A_185 = arith.select %and3A_164, %add3A_184, %scan3A_156 : vector<16xf32>
        %select_n3A_186 = arith.select %and3A_166, %get3A_183, %select_n3A_185 : vector<16xf32>
        %select_n3A_187 = arith.select %and3A_164, %squeeze3A_161, %scan3A_154 : i32
        scf.yield %select_n3A_187, %select_n3A_179, %select_n3A_186 : i32, vector<16xf32>, vector<16xf32>
      }
      %scan3A_152 = arith.constant 128 : i32
      scf.yield %scan3A_151#0, %scan3A_151#1, %scan3A_151#2 : i32, vector<16xf32>, vector<16xf32>
    }
    %while3A_126 = arith.constant 1 : i32
    %while3A_127:3 = scf.for %while3A_140 = %while3A_123 to %while3A_119 step %while3A_126 iter_args(%while3A_141 = %while3A_125#0, %while3A_142 = %while3A_125#1, %while3A_143 = %while3A_125#2) -> (i32, vector<16xf32>, vector<16xf32>)  : i32 {
      %mul3A_144 = arith.constant 128 : i32
      %mul3A_145 = arith.muli %while3A_140, %mul3A_144 : i32
      %add3A_146 = arith.addi %mul3A_83, %mul3A_145 : i32
      "tpu.region"() ({
        %run_scoped3A = tpu.sem_alloc : memref<!tpu.dma_semaphore, #tpu.memory_space<semaphore_mem>>
        %dma_start3A = tpu.memref_slice %arg3[%add3A_146] : memref<640256xi32, #tpu.memory_space<hbm>> -> memref<128xi32, #tpu.memory_space<hbm>>
        %dma_start3A_153 = tpu.memref_slice %arg3[%add3A_146] : memref<640256xi32, #tpu.memory_space<hbm>> -> memref<128xi32, #tpu.memory_space<hbm>>
        tpu.enqueue_dma source(%dma_start3A_153 : memref<128xi32, #tpu.memory_space<hbm>>) target(%arg7 : memref<128xi32, #tpu.memory_space<vmem>>) target_semaphore(%run_scoped3A : memref<!tpu.dma_semaphore, #tpu.memory_space<semaphore_mem>>)
        %dma_wait3A = tpu.memref_slice %arg3[%add3A_146] : memref<640256xi32, #tpu.memory_space<hbm>> -> memref<128xi32, #tpu.memory_space<hbm>>
        %dma_wait3A_154 = tpu.memref_slice %arg3[%add3A_146] : memref<640256xi32, #tpu.memory_space<hbm>> -> memref<128xi32, #tpu.memory_space<hbm>>
        tpu.wait_dma2 semaphore(%run_scoped3A : memref<!tpu.dma_semaphore, #tpu.memory_space<semaphore_mem>>) src(%dma_wait3A_154 : memref<128xi32, #tpu.memory_space<hbm>>) dst(%arg7 : memref<128xi32, #tpu.memory_space<vmem>>)
        tpu.yield
      }) : () -> ()
      "tpu.region"() ({
        %run_scoped3A = tpu.sem_alloc : memref<!tpu.dma_semaphore, #tpu.memory_space<semaphore_mem>>
        %dma_start3A = arith.constant 0 : i32
        %dma_start3A_153 = tpu.memref_slice %arg8[%dma_start3A] : memref<144xi32, #tpu.memory_space<vmem>> -> memref<128xi32, #tpu.memory_space<vmem>>
        %dma_start3A_154 = tpu.memref_slice %arg4[%add3A_146] : memref<640256xi32, #tpu.memory_space<hbm>> -> memref<128xi32, #tpu.memory_space<hbm>>
        %dma_start3A_155 = arith.constant 0 : i32
        %dma_start3A_156 = tpu.memref_slice %arg8[%dma_start3A_155] : memref<144xi32, #tpu.memory_space<vmem>> -> memref<128xi32, #tpu.memory_space<vmem>>
        %dma_start3A_157 = tpu.memref_slice %arg4[%add3A_146] : memref<640256xi32, #tpu.memory_space<hbm>> -> memref<128xi32, #tpu.memory_space<hbm>>
        tpu.enqueue_dma source(%dma_start3A_157 : memref<128xi32, #tpu.memory_space<hbm>>) target(%dma_start3A_156 : memref<128xi32, #tpu.memory_space<vmem>>) target_semaphore(%run_scoped3A : memref<!tpu.dma_semaphore, #tpu.memory_space<semaphore_mem>>)
        %dma_wait3A = arith.constant 0 : i32
        %dma_wait3A_158 = tpu.memref_slice %arg8[%dma_wait3A] : memref<144xi32, #tpu.memory_space<vmem>> -> memref<128xi32, #tpu.memory_space<vmem>>
        %dma_wait3A_159 = tpu.memref_slice %arg4[%add3A_146] : memref<640256xi32, #tpu.memory_space<hbm>> -> memref<128xi32, #tpu.memory_space<hbm>>
        %dma_wait3A_160 = arith.constant 0 : i32
        %dma_wait3A_161 = tpu.memref_slice %arg8[%dma_wait3A_160] : memref<144xi32, #tpu.memory_space<vmem>> -> memref<128xi32, #tpu.memory_space<vmem>>
        %dma_wait3A_162 = tpu.memref_slice %arg4[%add3A_146] : memref<640256xi32, #tpu.memory_space<hbm>> -> memref<128xi32, #tpu.memory_space<hbm>>
        tpu.wait_dma2 semaphore(%run_scoped3A : memref<!tpu.dma_semaphore, #tpu.memory_space<semaphore_mem>>) src(%dma_wait3A_162 : memref<128xi32, #tpu.memory_space<hbm>>) dst(%dma_wait3A_161 : memref<128xi32, #tpu.memory_space<vmem>>)
        tpu.yield
      }) : () -> ()
      "tpu.region"() ({
        %run_scoped3A = tpu.sem_alloc : memref<!tpu.dma_semaphore, #tpu.memory_space<semaphore_mem>>
        %dma_start3A = arith.constant 0 : i32
        %dma_start3A_153 = arith.constant 0 : i32
        %dma_start3A_154 = tpu.memref_slice %arg2[%dma_start3A, %dma_start3A_153] : memref<20096x32xf32, #tpu.memory_space<hbm>> -> memref<20096x32xf32, #tpu.memory_space<hbm>>
        tpu.enqueue_indirect_dma source(%dma_start3A_154 : memref<20096x32xf32, #tpu.memory_space<hbm>>) target(%arg10 : memref<128x32xf32, #tpu.memory_space<vmem>>) offsets(%arg7 : memref<128xi32, #tpu.memory_space<vmem>>) semaphore(%run_scoped3A : memref<!tpu.dma_semaphore, #tpu.memory_space<semaphore_mem>>)
        %dma_wait3A = arith.constant 0 : i32
        %dma_wait3A_155 = arith.constant 0 : i32
        %dma_wait3A_156 = tpu.memref_slice %arg2[%dma_wait3A, %dma_wait3A_155] : memref<20096x32xf32, #tpu.memory_space<hbm>> -> memref<20096x32xf32, #tpu.memory_space<hbm>>
        tpu.wait_indirect_dma semaphore(%run_scoped3A : memref<!tpu.dma_semaphore, #tpu.memory_space<semaphore_mem>>) src(%dma_wait3A_156 : memref<20096x32xf32, #tpu.memory_space<hbm>>) dst(%arg10 : memref<128x32xf32, #tpu.memory_space<vmem>>)
        tpu.yield
      }) : () -> ()
      %scan3A_147 = arith.constant 0 : i32
      %scan3A_148 = arith.constant 128 : i32
      %scan3A_149 = arith.addi %scan3A_147, %scan3A_148 : i32
      %scan3A_150 = arith.constant 1 : i32
      %scan3A_151:3 = scf.for %scan3A_153 = %scan3A_147 to %scan3A_149 step %scan3A_150 iter_args(%scan3A_154 = %while3A_141, %scan3A_155 = %while3A_142, %scan3A_156 = %while3A_143) -> (i32, vector<16xf32>, vector<16xf32>)  : i32 {
        %get3A_157 = arith.index_cast %scan3A_153 : i32 to index
        %get3A_158 = tpu.vector_load %arg8[%get3A_157] {strides = array<i32>} : memref<144xi32, #tpu.memory_space<vmem>>, vector<16xi32>,
        %get3A_159 = vector.shape_cast %get3A_158 : vector<16xi32> to vector<16xi32>
        %slice3A_160 = vector.extract_strided_slice %get3A_159 {offsets = [0], sizes = [1], strides = [1]} : vector<16xi32> to vector<1xi32>
        %squeeze3A_161 = vector.extract %slice3A_160[0] : i32 from vector<1xi32>
        %ge3A_162 = arith.cmpi sge, %squeeze3A_161, %add3A_35 : i32
        %lt3A_163 = arith.cmpi slt, %squeeze3A_161, %min3A : i32
        %and3A_164 = arith.andi %ge3A_162, %lt3A_163 : i1
        %ne3A_165 = arith.cmpi ne, %squeeze3A_161, %scan3A_154 : i32
        %and3A_166 = arith.andi %and3A_164, %ne3A_165 : i1
        %ge3A_167 = arith.constant 0 : i32
        %ge3A_168 = arith.cmpi sge, %scan3A_154, %ge3A_167 : i32
        %and3A_169 = arith.andi %and3A_166, %ge3A_168 : i1
        %convert_element_type3A_170 = arith.extui %and3A_169 : i1 to i32
        %cond3A_171 = arith.constant 0 : i32
        %cond3A_172 = arith.cmpi ne, %convert_element_type3A_170, %cond3A_171 : i32
        scf.if %cond3A_172 {
          %sub3A_188 = arith.subi %scan3A_154, %add3A_35 : i32
          %mul3A_189 = arith.constant 32 : i32
          %mul3A_190 = arith.muli %sub3A_188, %mul3A_189 : i32
          %add3A_191 = arith.constant 0 : i32
          %add3A_192 = arith.addi %mul3A_190, %add3A_191 : i32
          %swap3A = arith.index_cast %add3A_192 : i32 to index
          %swap3A_193 = tpu.vector_load %arg11[%swap3A] {strides = array<i32>} : memref<20480xf32, #tpu.memory_space<vmem>>, vector<16xf32>,
          %swap3A_194 = vector.shape_cast %swap3A_193 : vector<16xf32> to vector<16xf32>
          %swap3A_195 = vector.shape_cast %scan3A_155 : vector<16xf32> to vector<16xf32>
          tpu.vector_store %arg11[%swap3A], %swap3A_195 {strides = array<i32>} : memref<20480xf32, #tpu.memory_space<vmem>>, vector<16xf32>,
          %sub3A_196 = arith.subi %scan3A_154, %add3A_35 : i32
          %mul3A_197 = arith.constant 32 : i32
          %mul3A_198 = arith.muli %sub3A_196, %mul3A_197 : i32
          %add3A_199 = arith.constant 16 : i32
          %add3A_200 = arith.addi %mul3A_198, %add3A_199 : i32
          %swap3A_201 = arith.index_cast %add3A_200 : i32 to index
          %swap3A_202 = tpu.vector_load %arg11[%swap3A_201] {strides = array<i32>} : memref<20480xf32, #tpu.memory_space<vmem>>, vector<16xf32>,
          %swap3A_203 = vector.shape_cast %swap3A_202 : vector<16xf32> to vector<16xf32>
          %swap3A_204 = vector.shape_cast %scan3A_156 : vector<16xf32> to vector<16xf32>
          tpu.vector_store %arg11[%swap3A_201], %swap3A_204 {strides = array<i32>} : memref<20480xf32, #tpu.memory_space<vmem>>, vector<16xf32>,
        } else {
        }
        %get3A_173 = arith.index_cast %scan3A_153 : i32 to index
        %get3A_174 = arith.constant 0 : index
        %get3A_175 = tpu.vector_load %arg10[%get3A_173, %get3A_174] {strides = array<i32>} : memref<128x32xf32, #tpu.memory_space<vmem>>, vector<1x16xf32>,
        %get3A_176 = vector.shape_cast %get3A_175 : vector<1x16xf32> to vector<16xf32>
        %add3A_177 = arith.addf %scan3A_155, %get3A_176 : vector<16xf32>
        %select_n3A_178 = arith.select %and3A_164, %add3A_177, %scan3A_155 : vector<16xf32>
        %select_n3A_179 = arith.select %and3A_166, %get3A_176, %select_n3A_178 : vector<16xf32>
        %get3A_180 = arith.index_cast %scan3A_153 : i32 to index
        %get3A_181 = arith.constant 16 : index
        %get3A_182 = tpu.vector_load %arg10[%get3A_180, %get3A_181] {strides = array<i32>} : memref<128x32xf32, #tpu.memory_space<vmem>>, vector<1x16xf32>,
        %get3A_183 = vector.shape_cast %get3A_182 : vector<1x16xf32> to vector<16xf32>
        %add3A_184 = arith.addf %scan3A_156, %get3A_183 : vector<16xf32>
        %select_n3A_185 = arith.select %and3A_164, %add3A_184, %scan3A_156 : vector<16xf32>
        %select_n3A_186 = arith.select %and3A_166, %get3A_183, %select_n3A_185 : vector<16xf32>
        %select_n3A_187 = arith.select %and3A_164, %squeeze3A_161, %scan3A_154 : i32
        scf.yield %select_n3A_187, %select_n3A_179, %select_n3A_186 : i32, vector<16xf32>, vector<16xf32>
      }
      %scan3A_152 = arith.constant 128 : i32
      scf.yield %scan3A_151#0, %scan3A_151#1, %scan3A_151#2 : i32, vector<16xf32>, vector<16xf32>
    }
    %ge3A = arith.constant 0 : i32
    %ge3A_128 = arith.cmpi sge, %while3A_127#0, %ge3A : i32
    %convert_element_type3A = arith.extui %ge3A_128 : i1 to i32
    %cond3A = arith.constant 0 : i32
    %cond3A_129 = arith.cmpi ne, %convert_element_type3A, %cond3A : i32
    scf.if %cond3A_129 {
      %sub3A_140 = arith.subi %while3A_127#0, %add3A_35 : i32
      %mul3A_141 = arith.constant 32 : i32
      %mul3A_142 = arith.muli %sub3A_140, %mul3A_141 : i32
      %add3A_143 = arith.constant 0 : i32
      %add3A_144 = arith.addi %mul3A_142, %add3A_143 : i32
      %swap3A = arith.index_cast %add3A_144 : i32 to index
      %swap3A_145 = tpu.vector_load %arg11[%swap3A] {strides = array<i32>} : memref<20480xf32, #tpu.memory_space<vmem>>, vector<16xf32>,
      %swap3A_146 = vector.shape_cast %swap3A_145 : vector<16xf32> to vector<16xf32>
      %swap3A_147 = vector.shape_cast %while3A_127#1 : vector<16xf32> to vector<16xf32>
      tpu.vector_store %arg11[%swap3A], %swap3A_147 {strides = array<i32>} : memref<20480xf32, #tpu.memory_space<vmem>>, vector<16xf32>,
      %sub3A_148 = arith.subi %while3A_127#0, %add3A_35 : i32
      %mul3A_149 = arith.constant 32 : i32
      %mul3A_150 = arith.muli %sub3A_148, %mul3A_149 : i32
      %add3A_151 = arith.constant 16 : i32
      %add3A_152 = arith.addi %mul3A_150, %add3A_151 : i32
      %swap3A_153 = arith.index_cast %add3A_152 : i32 to index
      %swap3A_154 = tpu.vector_load %arg11[%swap3A_153] {strides = array<i32>} : memref<20480xf32, #tpu.memory_space<vmem>>, vector<16xf32>,
      %swap3A_155 = vector.shape_cast %swap3A_154 : vector<16xf32> to vector<16xf32>
      %swap3A_156 = vector.shape_cast %while3A_127#2 : vector<16xf32> to vector<16xf32>
      tpu.vector_store %arg11[%swap3A_153], %swap3A_156 {strides = array<i32>} : memref<20480xf32, #tpu.memory_space<vmem>>, vector<16xf32>,
    } else {
    }
    %eq3A_130 = arith.constant 640 : i32
    %eq3A_131 = arith.cmpi eq, %sub3A_47, %eq3A_130 : i32
    %convert_element_type3A_132 = arith.extui %eq3A_131 : i1 to i32
    %cond3A_133 = arith.constant 0 : i32
    %cond3A_134 = arith.cmpi ne, %convert_element_type3A_132, %cond3A_133 : i32
    scf.if %cond3A_134 {
      %mul3A_140 = arith.constant 32 : i32
      %mul3A_141 = arith.muli %add3A_35, %mul3A_140 : i32
      "tpu.region"() ({
        %run_scoped3A = tpu.sem_alloc : memref<!tpu.dma_semaphore, #tpu.memory_space<semaphore_mem>>
        %dma_start3A = tpu.memref_slice %arg6[%mul3A_141] : memref<643072xf32, #tpu.memory_space<hbm>> -> memref<20480xf32, #tpu.memory_space<hbm>>
        %dma_start3A_142 = tpu.memref_slice %arg6[%mul3A_141] : memref<643072xf32, #tpu.memory_space<hbm>> -> memref<20480xf32, #tpu.memory_space<hbm>>
        tpu.enqueue_dma source(%arg11 : memref<20480xf32, #tpu.memory_space<vmem>>) target(%dma_start3A_142 : memref<20480xf32, #tpu.memory_space<hbm>>) target_semaphore(%run_scoped3A : memref<!tpu.dma_semaphore, #tpu.memory_space<semaphore_mem>>)
        %dma_wait3A = tpu.memref_slice %arg6[%mul3A_141] : memref<643072xf32, #tpu.memory_space<hbm>> -> memref<20480xf32, #tpu.memory_space<hbm>>
        %dma_wait3A_143 = tpu.memref_slice %arg6[%mul3A_141] : memref<643072xf32, #tpu.memory_space<hbm>> -> memref<20480xf32, #tpu.memory_space<hbm>>
        tpu.wait_dma2 semaphore(%run_scoped3A : memref<!tpu.dma_semaphore, #tpu.memory_space<semaphore_mem>>) src(%arg11 : memref<20480xf32, #tpu.memory_space<vmem>>) dst(%dma_wait3A_143 : memref<20480xf32, #tpu.memory_space<hbm>>)
        tpu.yield
      }) : () -> ()
    } else {
    }
    %ne3A_135 = arith.constant 640 : i32
    %ne3A_136 = arith.cmpi ne, %sub3A_47, %ne3A_135 : i32
    %convert_element_type3A_137 = arith.extui %ne3A_136 : i1 to i32
    %cond3A_138 = arith.constant 0 : i32
    %cond3A_139 = arith.cmpi ne, %convert_element_type3A_137, %cond3A_138 : i32
    scf.if %cond3A_139 {
      %mul3A_140 = arith.constant 32 : i32
      %mul3A_141 = arith.muli %add3A_35, %mul3A_140 : i32
      "tpu.region"() ({
        %run_scoped3A = tpu.sem_alloc : memref<!tpu.dma_semaphore, #tpu.memory_space<semaphore_mem>>
        %dma_start3A = arith.constant 0 : i32
        %dma_start3A_142 = tpu.memref_slice %arg11[%dma_start3A] : memref<20480xf32, #tpu.memory_space<vmem>> -> memref<14336xf32, #tpu.memory_space<vmem>>
        %dma_start3A_143 = tpu.memref_slice %arg6[%mul3A_141] : memref<643072xf32, #tpu.memory_space<hbm>> -> memref<14336xf32, #tpu.memory_space<hbm>>
        %dma_start3A_144 = tpu.memref_slice %arg6[%mul3A_141] : memref<643072xf32, #tpu.memory_space<hbm>> -> memref<14336xf32, #tpu.memory_space<hbm>>
        %dma_start3A_145 = arith.constant 0 : i32
        %dma_start3A_146 = tpu.memref_slice %arg11[%dma_start3A_145] : memref<20480xf32, #tpu.memory_space<vmem>> -> memref<14336xf32, #tpu.memory_space<vmem>>
        tpu.enqueue_dma source(%dma_start3A_146 : memref<14336xf32, #tpu.memory_space<vmem>>) target(%dma_start3A_144 : memref<14336xf32, #tpu.memory_space<hbm>>) target_semaphore(%run_scoped3A : memref<!tpu.dma_semaphore, #tpu.memory_space<semaphore_mem>>)
        %dma_wait3A = arith.constant 0 : i32
        %dma_wait3A_147 = tpu.memref_slice %arg11[%dma_wait3A] : memref<20480xf32, #tpu.memory_space<vmem>> -> memref<14336xf32, #tpu.memory_space<vmem>>
        %dma_wait3A_148 = tpu.memref_slice %arg6[%mul3A_141] : memref<643072xf32, #tpu.memory_space<hbm>> -> memref<14336xf32, #tpu.memory_space<hbm>>
        %dma_wait3A_149 = tpu.memref_slice %arg6[%mul3A_141] : memref<643072xf32, #tpu.memory_space<hbm>> -> memref<14336xf32, #tpu.memory_space<hbm>>
        %dma_wait3A_150 = arith.constant 0 : i32
        %dma_wait3A_151 = tpu.memref_slice %arg11[%dma_wait3A_150] : memref<20480xf32, #tpu.memory_space<vmem>> -> memref<14336xf32, #tpu.memory_space<vmem>>
        tpu.wait_dma2 semaphore(%run_scoped3A : memref<!tpu.dma_semaphore, #tpu.memory_space<semaphore_mem>>) src(%dma_wait3A_151 : memref<14336xf32, #tpu.memory_space<vmem>>) dst(%dma_wait3A_149 : memref<14336xf32, #tpu.memory_space<hbm>>)
        tpu.yield
      }) : () -> ()
    } else {
    }
    return
  }
}

module attributes {stable_mosaic.version = 14 : i64} {
  func.func @_mid_body(%arg0: i32, %arg1: memref<1256x128xf32, #tpu.memory_space<vmem>>, %arg2: memref<1256x128xf32, #tpu.memory_space<vmem>>, %arg3: memref<1x128x32xf32, #tpu.memory_space<vmem>>, %arg4: memref<1x1x32xf32, #tpu.memory_space<vmem>>, %arg5: memref<1x32x32xf32, #tpu.memory_space<vmem>>, %arg6: memref<1x1x32xf32, #tpu.memory_space<vmem>>, %arg7: memref<1256x32xf32, #tpu.memory_space<vmem>>) attributes {dimension_semantics = [#tpu.dimension_semantics<arbitrary>], iteration_bounds = array<i64: 16>, scalar_prefetch = 0 : i64, scratch_operands = 0 : i64, tpu.core_type = #tpu.core_type<tc>, window_params = [{transform_indices = @transform_0, window_bounds = array<i64: 1256, 128>}, {transform_indices = @transform_1, window_bounds = array<i64: 1256, 128>}, {transform_indices = @transform_2, window_bounds = array<i64: 1, 128, 32>}, {transform_indices = @transform_3, window_bounds = array<i64: 1, 1, 32>}, {transform_indices = @transform_4, window_bounds = array<i64: 1, 32, 32>}, {transform_indices = @transform_5, window_bounds = array<i64: 1, 1, 32>}, {transform_indices = @transform_6, window_bounds = array<i64: 1256, 32>}]} {
    %get3A = arith.constant 0 : index
    %get3A_0 = arith.constant 0 : index
    %get3A_1 = vector.load %arg1[%get3A, %get3A_0] : memref<1256x128xf32, #tpu.memory_space<vmem>>, vector<1256x128xf32>
    %get3A_2 = arith.constant 0 : index
    %get3A_3 = arith.constant 0 : index
    %get3A_4 = vector.load %arg2[%get3A_2, %get3A_3] : memref<1256x128xf32, #tpu.memory_space<vmem>>, vector<1256x128xf32>
    %add3A = arith.addf %get3A_1, %get3A_4 : vector<1256x128xf32>
    %get3A_5 = arith.constant 0 : index
    %get3A_6 = arith.constant 0 : index
    %get3A_7 = arith.constant 0 : index
    %get3A_8 = vector.load %arg3[%get3A_5, %get3A_6, %get3A_7] : memref<1x128x32xf32, #tpu.memory_space<vmem>>, vector<1x128x32xf32>
    %get3A_9 = vector.shape_cast %get3A_8 : vector<1x128x32xf32> to vector<128x32xf32>
    %dot_general3A = arith.constant dense<0.000000e+00> : vector<1256x32xf32>
    %dot_general3A_10 = tpu.matmul %add3A, %get3A_9, %dot_general3A {dimension_numbers = #tpu.dot_dimension_numbers<[1], [0], [0], [1], [0, 0, 1, 1], [], []>, transpose_lhs_hint = false} : vector<1256x128xf32>, vector<128x32xf32>, vector<1256x32xf32> -> vector<1256x32xf32>
    %get3A_11 = arith.constant 0 : index
    %get3A_12 = arith.constant 0 : index
    %get3A_13 = arith.constant 0 : index
    %get3A_14 = vector.load %arg4[%get3A_11, %get3A_12, %get3A_13] : memref<1x1x32xf32, #tpu.memory_space<vmem>>, vector<1x1x32xf32>
    %get3A_15 = vector.shape_cast %get3A_14 : vector<1x1x32xf32> to vector<1x32xf32>
    %add3A_16 = vector.broadcast %get3A_15 : vector<1x32xf32> to vector<1256x32xf32>
    %add3A_17 = arith.addf %dot_general3A_10, %add3A_16 : vector<1256x32xf32>
    %max3A = arith.constant 0.000000e+00 : f32
    %max3A_18 = vector.broadcast %max3A : f32 to vector<1256x32xf32>
    %max3A_19 = arith.maximumf %add3A_17, %max3A_18 : vector<1256x32xf32>
    %get3A_20 = arith.constant 0 : index
    %get3A_21 = arith.constant 0 : index
    %get3A_22 = arith.constant 0 : index
    %get3A_23 = vector.load %arg5[%get3A_20, %get3A_21, %get3A_22] : memref<1x32x32xf32, #tpu.memory_space<vmem>>, vector<1x32x32xf32>
    %get3A_24 = vector.shape_cast %get3A_23 : vector<1x32x32xf32> to vector<32x32xf32>
    %dot_general3A_25 = arith.constant dense<0.000000e+00> : vector<1256x32xf32>
    %dot_general3A_26 = tpu.matmul %max3A_19, %get3A_24, %dot_general3A_25 {dimension_numbers = #tpu.dot_dimension_numbers<[1], [0], [0], [1], [0, 0, 1, 1], [], []>, transpose_lhs_hint = false} : vector<1256x32xf32>, vector<32x32xf32>, vector<1256x32xf32> -> vector<1256x32xf32>
    %get3A_27 = arith.constant 0 : index
    %get3A_28 = arith.constant 0 : index
    %get3A_29 = arith.constant 0 : index
    %get3A_30 = vector.load %arg6[%get3A_27, %get3A_28, %get3A_29] : memref<1x1x32xf32, #tpu.memory_space<vmem>>, vector<1x1x32xf32>
    %get3A_31 = vector.shape_cast %get3A_30 : vector<1x1x32xf32> to vector<1x32xf32>
    %add3A_32 = vector.broadcast %get3A_31 : vector<1x32xf32> to vector<1256x32xf32>
    %add3A_33 = arith.addf %dot_general3A_26, %add3A_32 : vector<1256x32xf32>
    %max3A_34 = arith.constant 0.000000e+00 : f32
    %max3A_35 = vector.broadcast %max3A_34 : f32 to vector<1256x32xf32>
    %max3A_36 = arith.maximumf %add3A_33, %max3A_35 : vector<1256x32xf32>
    %swap3A = arith.constant 0 : index
    %swap3A_37 = arith.constant 0 : index
    %swap3A_38 = vector.load %arg7[%swap3A, %swap3A_37] : memref<1256x32xf32, #tpu.memory_space<vmem>>, vector<1256x32xf32>
    tpu.vector_store %arg7[%swap3A, %swap3A_37], %max3A_36 {strides = array<i32>} : memref<1256x32xf32, #tpu.memory_space<vmem>>, vector<1256x32xf32>,
    return
  }
  func.func @transform_0(%arg0: i32) -> (i32, i32) {
    %c0_i32 = arith.constant 0 : i32
    %c0_i32_0 = arith.constant 0 : i32
    return %arg0, %c0_i32 : i32, i32
  }
  func.func @transform_1(%arg0: i32) -> (i32, i32) {
    %c0_i32 = arith.constant 0 : i32
    %c0_i32_0 = arith.constant 0 : i32
    return %arg0, %c0_i32 : i32, i32
  }
  func.func @transform_2(%arg0: i32) -> (i32, i32, i32) {
    %jit3A = arith.constant 8 : i32
    %div3A = arith.divsi %arg0, %jit3A : i32
    %sign3A = arith.constant 0 : i32
    %sign3A_0 = arith.cmpi sgt, %arg0, %sign3A : i32
    %sign3A_1 = arith.extui %sign3A_0 : i1 to i32
    %sign3A_2 = arith.constant 0 : i32
    %sign3A_3 = arith.cmpi slt, %arg0, %sign3A_2 : i32
    %sign3A_4 = arith.extui %sign3A_3 : i1 to i32
    %sign3A_5 = arith.subi %sign3A_1, %sign3A_4 : i32
    %sign3A_6 = arith.constant 0 : i32
    %sign3A_7 = arith.cmpi sgt, %jit3A, %sign3A_6 : i32
    %sign3A_8 = arith.extui %sign3A_7 : i1 to i32
    %sign3A_9 = arith.constant 0 : i32
    %sign3A_10 = arith.cmpi slt, %jit3A, %sign3A_9 : i32
    %sign3A_11 = arith.extui %sign3A_10 : i1 to i32
    %sign3A_12 = arith.subi %sign3A_8, %sign3A_11 : i32
    %ne3A = arith.cmpi ne, %sign3A_5, %sign3A_12 : i32
    %rem3A = arith.remsi %arg0, %jit3A : i32
    %ne3A_13 = arith.constant 0 : i32
    %ne3A_14 = arith.cmpi ne, %rem3A, %ne3A_13 : i32
    %and3A = arith.andi %ne3A, %ne3A_14 : i1
    %sub3A = arith.constant 1 : i32
    %sub3A_15 = arith.subi %div3A, %sub3A : i32
    %select_n3A = arith.select %and3A, %sub3A_15, %div3A : i32
    %c0_i32 = arith.constant 0 : i32
    %c0_i32_16 = arith.constant 0 : i32
    %c0_i32_17 = arith.constant 0 : i32
    return %select_n3A, %c0_i32, %c0_i32_16 : i32, i32, i32
  }
  func.func @transform_3(%arg0: i32) -> (i32, i32, i32) {
    %jit3A = arith.constant 8 : i32
    %div3A = arith.divsi %arg0, %jit3A : i32
    %sign3A = arith.constant 0 : i32
    %sign3A_0 = arith.cmpi sgt, %arg0, %sign3A : i32
    %sign3A_1 = arith.extui %sign3A_0 : i1 to i32
    %sign3A_2 = arith.constant 0 : i32
    %sign3A_3 = arith.cmpi slt, %arg0, %sign3A_2 : i32
    %sign3A_4 = arith.extui %sign3A_3 : i1 to i32
    %sign3A_5 = arith.subi %sign3A_1, %sign3A_4 : i32
    %sign3A_6 = arith.constant 0 : i32
    %sign3A_7 = arith.cmpi sgt, %jit3A, %sign3A_6 : i32
    %sign3A_8 = arith.extui %sign3A_7 : i1 to i32
    %sign3A_9 = arith.constant 0 : i32
    %sign3A_10 = arith.cmpi slt, %jit3A, %sign3A_9 : i32
    %sign3A_11 = arith.extui %sign3A_10 : i1 to i32
    %sign3A_12 = arith.subi %sign3A_8, %sign3A_11 : i32
    %ne3A = arith.cmpi ne, %sign3A_5, %sign3A_12 : i32
    %rem3A = arith.remsi %arg0, %jit3A : i32
    %ne3A_13 = arith.constant 0 : i32
    %ne3A_14 = arith.cmpi ne, %rem3A, %ne3A_13 : i32
    %and3A = arith.andi %ne3A, %ne3A_14 : i1
    %sub3A = arith.constant 1 : i32
    %sub3A_15 = arith.subi %div3A, %sub3A : i32
    %select_n3A = arith.select %and3A, %sub3A_15, %div3A : i32
    %c0_i32 = arith.constant 0 : i32
    %c0_i32_16 = arith.constant 0 : i32
    %c0_i32_17 = arith.constant 0 : i32
    return %select_n3A, %c0_i32, %c0_i32_16 : i32, i32, i32
  }
  func.func @transform_4(%arg0: i32) -> (i32, i32, i32) {
    %jit3A = arith.constant 8 : i32
    %div3A = arith.divsi %arg0, %jit3A : i32
    %sign3A = arith.constant 0 : i32
    %sign3A_0 = arith.cmpi sgt, %arg0, %sign3A : i32
    %sign3A_1 = arith.extui %sign3A_0 : i1 to i32
    %sign3A_2 = arith.constant 0 : i32
    %sign3A_3 = arith.cmpi slt, %arg0, %sign3A_2 : i32
    %sign3A_4 = arith.extui %sign3A_3 : i1 to i32
    %sign3A_5 = arith.subi %sign3A_1, %sign3A_4 : i32
    %sign3A_6 = arith.constant 0 : i32
    %sign3A_7 = arith.cmpi sgt, %jit3A, %sign3A_6 : i32
    %sign3A_8 = arith.extui %sign3A_7 : i1 to i32
    %sign3A_9 = arith.constant 0 : i32
    %sign3A_10 = arith.cmpi slt, %jit3A, %sign3A_9 : i32
    %sign3A_11 = arith.extui %sign3A_10 : i1 to i32
    %sign3A_12 = arith.subi %sign3A_8, %sign3A_11 : i32
    %ne3A = arith.cmpi ne, %sign3A_5, %sign3A_12 : i32
    %rem3A = arith.remsi %arg0, %jit3A : i32
    %ne3A_13 = arith.constant 0 : i32
    %ne3A_14 = arith.cmpi ne, %rem3A, %ne3A_13 : i32
    %and3A = arith.andi %ne3A, %ne3A_14 : i1
    %sub3A = arith.constant 1 : i32
    %sub3A_15 = arith.subi %div3A, %sub3A : i32
    %select_n3A = arith.select %and3A, %sub3A_15, %div3A : i32
    %c0_i32 = arith.constant 0 : i32
    %c0_i32_16 = arith.constant 0 : i32
    %c0_i32_17 = arith.constant 0 : i32
    return %select_n3A, %c0_i32, %c0_i32_16 : i32, i32, i32
  }
  func.func @transform_5(%arg0: i32) -> (i32, i32, i32) {
    %jit3A = arith.constant 8 : i32
    %div3A = arith.divsi %arg0, %jit3A : i32
    %sign3A = arith.constant 0 : i32
    %sign3A_0 = arith.cmpi sgt, %arg0, %sign3A : i32
    %sign3A_1 = arith.extui %sign3A_0 : i1 to i32
    %sign3A_2 = arith.constant 0 : i32
    %sign3A_3 = arith.cmpi slt, %arg0, %sign3A_2 : i32
    %sign3A_4 = arith.extui %sign3A_3 : i1 to i32
    %sign3A_5 = arith.subi %sign3A_1, %sign3A_4 : i32
    %sign3A_6 = arith.constant 0 : i32
    %sign3A_7 = arith.cmpi sgt, %jit3A, %sign3A_6 : i32
    %sign3A_8 = arith.extui %sign3A_7 : i1 to i32
    %sign3A_9 = arith.constant 0 : i32
    %sign3A_10 = arith.cmpi slt, %jit3A, %sign3A_9 : i32
    %sign3A_11 = arith.extui %sign3A_10 : i1 to i32
    %sign3A_12 = arith.subi %sign3A_8, %sign3A_11 : i32
    %ne3A = arith.cmpi ne, %sign3A_5, %sign3A_12 : i32
    %rem3A = arith.remsi %arg0, %jit3A : i32
    %ne3A_13 = arith.constant 0 : i32
    %ne3A_14 = arith.cmpi ne, %rem3A, %ne3A_13 : i32
    %and3A = arith.andi %ne3A, %ne3A_14 : i1
    %sub3A = arith.constant 1 : i32
    %sub3A_15 = arith.subi %div3A, %sub3A : i32
    %select_n3A = arith.select %and3A, %sub3A_15, %div3A : i32
    %c0_i32 = arith.constant 0 : i32
    %c0_i32_16 = arith.constant 0 : i32
    %c0_i32_17 = arith.constant 0 : i32
    return %select_n3A, %c0_i32, %c0_i32_16 : i32, i32, i32
  }
  func.func @transform_6(%arg0: i32) -> (i32, i32) {
    %c0_i32 = arith.constant 0 : i32
    %c0_i32_0 = arith.constant 0 : i32
    return %arg0, %c0_i32 : i32, i32
  }
}

module attributes {stable_mosaic.version = 14 : i64} {
  func.func @_mid_body(%arg0: i32, %arg1: memref<1256x32xf32, #tpu.memory_space<vmem>>, %arg2: memref<1256x32xf32, #tpu.memory_space<vmem>>, %arg3: memref<1x32x32xf32, #tpu.memory_space<vmem>>, %arg4: memref<1x1x32xf32, #tpu.memory_space<vmem>>, %arg5: memref<1x32x32xf32, #tpu.memory_space<vmem>>, %arg6: memref<1x1x32xf32, #tpu.memory_space<vmem>>, %arg7: memref<1256x32xf32, #tpu.memory_space<vmem>>) attributes {dimension_semantics = [#tpu.dimension_semantics<arbitrary>], iteration_bounds = array<i64: 16>, scalar_prefetch = 0 : i64, scratch_operands = 0 : i64, tpu.core_type = #tpu.core_type<tc>, window_params = [{transform_indices = @transform_0, window_bounds = array<i64: 1256, 32>}, {transform_indices = @transform_1, window_bounds = array<i64: 1256, 32>}, {transform_indices = @transform_2, window_bounds = array<i64: 1, 32, 32>}, {transform_indices = @transform_3, window_bounds = array<i64: 1, 1, 32>}, {transform_indices = @transform_4, window_bounds = array<i64: 1, 32, 32>}, {transform_indices = @transform_5, window_bounds = array<i64: 1, 1, 32>}, {transform_indices = @transform_6, window_bounds = array<i64: 1256, 32>}]} {
    %get3A = arith.constant 0 : index
    %get3A_0 = arith.constant 0 : index
    %get3A_1 = vector.load %arg1[%get3A, %get3A_0] : memref<1256x32xf32, #tpu.memory_space<vmem>>, vector<1256x32xf32>
    %get3A_2 = arith.constant 0 : index
    %get3A_3 = arith.constant 0 : index
    %get3A_4 = vector.load %arg2[%get3A_2, %get3A_3] : memref<1256x32xf32, #tpu.memory_space<vmem>>, vector<1256x32xf32>
    %add3A = arith.addf %get3A_1, %get3A_4 : vector<1256x32xf32>
    %get3A_5 = arith.constant 0 : index
    %get3A_6 = arith.constant 0 : index
    %get3A_7 = arith.constant 0 : index
    %get3A_8 = vector.load %arg3[%get3A_5, %get3A_6, %get3A_7] : memref<1x32x32xf32, #tpu.memory_space<vmem>>, vector<1x32x32xf32>
    %get3A_9 = vector.shape_cast %get3A_8 : vector<1x32x32xf32> to vector<32x32xf32>
    %dot_general3A = arith.constant dense<0.000000e+00> : vector<1256x32xf32>
    %dot_general3A_10 = tpu.matmul %add3A, %get3A_9, %dot_general3A {dimension_numbers = #tpu.dot_dimension_numbers<[1], [0], [0], [1], [0, 0, 1, 1], [], []>, transpose_lhs_hint = false} : vector<1256x32xf32>, vector<32x32xf32>, vector<1256x32xf32> -> vector<1256x32xf32>
    %get3A_11 = arith.constant 0 : index
    %get3A_12 = arith.constant 0 : index
    %get3A_13 = arith.constant 0 : index
    %get3A_14 = vector.load %arg4[%get3A_11, %get3A_12, %get3A_13] : memref<1x1x32xf32, #tpu.memory_space<vmem>>, vector<1x1x32xf32>
    %get3A_15 = vector.shape_cast %get3A_14 : vector<1x1x32xf32> to vector<1x32xf32>
    %add3A_16 = vector.broadcast %get3A_15 : vector<1x32xf32> to vector<1256x32xf32>
    %add3A_17 = arith.addf %dot_general3A_10, %add3A_16 : vector<1256x32xf32>
    %max3A = arith.constant 0.000000e+00 : f32
    %max3A_18 = vector.broadcast %max3A : f32 to vector<1256x32xf32>
    %max3A_19 = arith.maximumf %add3A_17, %max3A_18 : vector<1256x32xf32>
    %get3A_20 = arith.constant 0 : index
    %get3A_21 = arith.constant 0 : index
    %get3A_22 = arith.constant 0 : index
    %get3A_23 = vector.load %arg5[%get3A_20, %get3A_21, %get3A_22] : memref<1x32x32xf32, #tpu.memory_space<vmem>>, vector<1x32x32xf32>
    %get3A_24 = vector.shape_cast %get3A_23 : vector<1x32x32xf32> to vector<32x32xf32>
    %dot_general3A_25 = arith.constant dense<0.000000e+00> : vector<1256x32xf32>
    %dot_general3A_26 = tpu.matmul %max3A_19, %get3A_24, %dot_general3A_25 {dimension_numbers = #tpu.dot_dimension_numbers<[1], [0], [0], [1], [0, 0, 1, 1], [], []>, transpose_lhs_hint = false} : vector<1256x32xf32>, vector<32x32xf32>, vector<1256x32xf32> -> vector<1256x32xf32>
    %get3A_27 = arith.constant 0 : index
    %get3A_28 = arith.constant 0 : index
    %get3A_29 = arith.constant 0 : index
    %get3A_30 = vector.load %arg6[%get3A_27, %get3A_28, %get3A_29] : memref<1x1x32xf32, #tpu.memory_space<vmem>>, vector<1x1x32xf32>
    %get3A_31 = vector.shape_cast %get3A_30 : vector<1x1x32xf32> to vector<1x32xf32>
    %add3A_32 = vector.broadcast %get3A_31 : vector<1x32xf32> to vector<1256x32xf32>
    %add3A_33 = arith.addf %dot_general3A_26, %add3A_32 : vector<1256x32xf32>
    %max3A_34 = arith.constant 0.000000e+00 : f32
    %max3A_35 = vector.broadcast %max3A_34 : f32 to vector<1256x32xf32>
    %max3A_36 = arith.maximumf %add3A_33, %max3A_35 : vector<1256x32xf32>
    %swap3A = arith.constant 0 : index
    %swap3A_37 = arith.constant 0 : index
    %swap3A_38 = vector.load %arg7[%swap3A, %swap3A_37] : memref<1256x32xf32, #tpu.memory_space<vmem>>, vector<1256x32xf32>
    tpu.vector_store %arg7[%swap3A, %swap3A_37], %max3A_36 {strides = array<i32>} : memref<1256x32xf32, #tpu.memory_space<vmem>>, vector<1256x32xf32>,
    return
  }
  func.func @transform_0(%arg0: i32) -> (i32, i32) {
    %c0_i32 = arith.constant 0 : i32
    %c0_i32_0 = arith.constant 0 : i32
    return %arg0, %c0_i32 : i32, i32
  }
  func.func @transform_1(%arg0: i32) -> (i32, i32) {
    %c0_i32 = arith.constant 0 : i32
    %c0_i32_0 = arith.constant 0 : i32
    return %arg0, %c0_i32 : i32, i32
  }
  func.func @transform_2(%arg0: i32) -> (i32, i32, i32) {
    %jit3A = arith.constant 8 : i32
    %div3A = arith.divsi %arg0, %jit3A : i32
    %sign3A = arith.constant 0 : i32
    %sign3A_0 = arith.cmpi sgt, %arg0, %sign3A : i32
    %sign3A_1 = arith.extui %sign3A_0 : i1 to i32
    %sign3A_2 = arith.constant 0 : i32
    %sign3A_3 = arith.cmpi slt, %arg0, %sign3A_2 : i32
    %sign3A_4 = arith.extui %sign3A_3 : i1 to i32
    %sign3A_5 = arith.subi %sign3A_1, %sign3A_4 : i32
    %sign3A_6 = arith.constant 0 : i32
    %sign3A_7 = arith.cmpi sgt, %jit3A, %sign3A_6 : i32
    %sign3A_8 = arith.extui %sign3A_7 : i1 to i32
    %sign3A_9 = arith.constant 0 : i32
    %sign3A_10 = arith.cmpi slt, %jit3A, %sign3A_9 : i32
    %sign3A_11 = arith.extui %sign3A_10 : i1 to i32
    %sign3A_12 = arith.subi %sign3A_8, %sign3A_11 : i32
    %ne3A = arith.cmpi ne, %sign3A_5, %sign3A_12 : i32
    %rem3A = arith.remsi %arg0, %jit3A : i32
    %ne3A_13 = arith.constant 0 : i32
    %ne3A_14 = arith.cmpi ne, %rem3A, %ne3A_13 : i32
    %and3A = arith.andi %ne3A, %ne3A_14 : i1
    %sub3A = arith.constant 1 : i32
    %sub3A_15 = arith.subi %div3A, %sub3A : i32
    %select_n3A = arith.select %and3A, %sub3A_15, %div3A : i32
    %c0_i32 = arith.constant 0 : i32
    %c0_i32_16 = arith.constant 0 : i32
    %c0_i32_17 = arith.constant 0 : i32
    return %select_n3A, %c0_i32, %c0_i32_16 : i32, i32, i32
  }
  func.func @transform_3(%arg0: i32) -> (i32, i32, i32) {
    %jit3A = arith.constant 8 : i32
    %div3A = arith.divsi %arg0, %jit3A : i32
    %sign3A = arith.constant 0 : i32
    %sign3A_0 = arith.cmpi sgt, %arg0, %sign3A : i32
    %sign3A_1 = arith.extui %sign3A_0 : i1 to i32
    %sign3A_2 = arith.constant 0 : i32
    %sign3A_3 = arith.cmpi slt, %arg0, %sign3A_2 : i32
    %sign3A_4 = arith.extui %sign3A_3 : i1 to i32
    %sign3A_5 = arith.subi %sign3A_1, %sign3A_4 : i32
    %sign3A_6 = arith.constant 0 : i32
    %sign3A_7 = arith.cmpi sgt, %jit3A, %sign3A_6 : i32
    %sign3A_8 = arith.extui %sign3A_7 : i1 to i32
    %sign3A_9 = arith.constant 0 : i32
    %sign3A_10 = arith.cmpi slt, %jit3A, %sign3A_9 : i32
    %sign3A_11 = arith.extui %sign3A_10 : i1 to i32
    %sign3A_12 = arith.subi %sign3A_8, %sign3A_11 : i32
    %ne3A = arith.cmpi ne, %sign3A_5, %sign3A_12 : i32
    %rem3A = arith.remsi %arg0, %jit3A : i32
    %ne3A_13 = arith.constant 0 : i32
    %ne3A_14 = arith.cmpi ne, %rem3A, %ne3A_13 : i32
    %and3A = arith.andi %ne3A, %ne3A_14 : i1
    %sub3A = arith.constant 1 : i32
    %sub3A_15 = arith.subi %div3A, %sub3A : i32
    %select_n3A = arith.select %and3A, %sub3A_15, %div3A : i32
    %c0_i32 = arith.constant 0 : i32
    %c0_i32_16 = arith.constant 0 : i32
    %c0_i32_17 = arith.constant 0 : i32
    return %select_n3A, %c0_i32, %c0_i32_16 : i32, i32, i32
  }
  func.func @transform_4(%arg0: i32) -> (i32, i32, i32) {
    %jit3A = arith.constant 8 : i32
    %div3A = arith.divsi %arg0, %jit3A : i32
    %sign3A = arith.constant 0 : i32
    %sign3A_0 = arith.cmpi sgt, %arg0, %sign3A : i32
    %sign3A_1 = arith.extui %sign3A_0 : i1 to i32
    %sign3A_2 = arith.constant 0 : i32
    %sign3A_3 = arith.cmpi slt, %arg0, %sign3A_2 : i32
    %sign3A_4 = arith.extui %sign3A_3 : i1 to i32
    %sign3A_5 = arith.subi %sign3A_1, %sign3A_4 : i32
    %sign3A_6 = arith.constant 0 : i32
    %sign3A_7 = arith.cmpi sgt, %jit3A, %sign3A_6 : i32
    %sign3A_8 = arith.extui %sign3A_7 : i1 to i32
    %sign3A_9 = arith.constant 0 : i32
    %sign3A_10 = arith.cmpi slt, %jit3A, %sign3A_9 : i32
    %sign3A_11 = arith.extui %sign3A_10 : i1 to i32
    %sign3A_12 = arith.subi %sign3A_8, %sign3A_11 : i32
    %ne3A = arith.cmpi ne, %sign3A_5, %sign3A_12 : i32
    %rem3A = arith.remsi %arg0, %jit3A : i32
    %ne3A_13 = arith.constant 0 : i32
    %ne3A_14 = arith.cmpi ne, %rem3A, %ne3A_13 : i32
    %and3A = arith.andi %ne3A, %ne3A_14 : i1
    %sub3A = arith.constant 1 : i32
    %sub3A_15 = arith.subi %div3A, %sub3A : i32
    %select_n3A = arith.select %and3A, %sub3A_15, %div3A : i32
    %c0_i32 = arith.constant 0 : i32
    %c0_i32_16 = arith.constant 0 : i32
    %c0_i32_17 = arith.constant 0 : i32
    return %select_n3A, %c0_i32, %c0_i32_16 : i32, i32, i32
  }
  func.func @transform_5(%arg0: i32) -> (i32, i32, i32) {
    %jit3A = arith.constant 8 : i32
    %div3A = arith.divsi %arg0, %jit3A : i32
    %sign3A = arith.constant 0 : i32
    %sign3A_0 = arith.cmpi sgt, %arg0, %sign3A : i32
    %sign3A_1 = arith.extui %sign3A_0 : i1 to i32
    %sign3A_2 = arith.constant 0 : i32
    %sign3A_3 = arith.cmpi slt, %arg0, %sign3A_2 : i32
    %sign3A_4 = arith.extui %sign3A_3 : i1 to i32
    %sign3A_5 = arith.subi %sign3A_1, %sign3A_4 : i32
    %sign3A_6 = arith.constant 0 : i32
    %sign3A_7 = arith.cmpi sgt, %jit3A, %sign3A_6 : i32
    %sign3A_8 = arith.extui %sign3A_7 : i1 to i32
    %sign3A_9 = arith.constant 0 : i32
    %sign3A_10 = arith.cmpi slt, %jit3A, %sign3A_9 : i32
    %sign3A_11 = arith.extui %sign3A_10 : i1 to i32
    %sign3A_12 = arith.subi %sign3A_8, %sign3A_11 : i32
    %ne3A = arith.cmpi ne, %sign3A_5, %sign3A_12 : i32
    %rem3A = arith.remsi %arg0, %jit3A : i32
    %ne3A_13 = arith.constant 0 : i32
    %ne3A_14 = arith.cmpi ne, %rem3A, %ne3A_13 : i32
    %and3A = arith.andi %ne3A, %ne3A_14 : i1
    %sub3A = arith.constant 1 : i32
    %sub3A_15 = arith.subi %div3A, %sub3A : i32
    %select_n3A = arith.select %and3A, %sub3A_15, %div3A : i32
    %c0_i32 = arith.constant 0 : i32
    %c0_i32_16 = arith.constant 0 : i32
    %c0_i32_17 = arith.constant 0 : i32
    return %select_n3A, %c0_i32, %c0_i32_16 : i32, i32, i32
  }
  func.func @transform_6(%arg0: i32) -> (i32, i32) {
    %c0_i32 = arith.constant 0 : i32
    %c0_i32_0 = arith.constant 0 : i32
    return %arg0, %c0_i32 : i32, i32
  }
}

module attributes {stable_mosaic.version = 14 : i64} {
  func.func @_mid_body(%arg0: i32, %arg1: memref<1256x32xf32, #tpu.memory_space<vmem>>, %arg2: memref<1256x32xf32, #tpu.memory_space<vmem>>, %arg3: memref<1x32x32xf32, #tpu.memory_space<vmem>>, %arg4: memref<1x1x32xf32, #tpu.memory_space<vmem>>, %arg5: memref<1x32x32xf32, #tpu.memory_space<vmem>>, %arg6: memref<1x1x32xf32, #tpu.memory_space<vmem>>, %arg7: memref<1256x32xf32, #tpu.memory_space<vmem>>) attributes {dimension_semantics = [#tpu.dimension_semantics<arbitrary>], iteration_bounds = array<i64: 16>, scalar_prefetch = 0 : i64, scratch_operands = 0 : i64, tpu.core_type = #tpu.core_type<tc>, window_params = [{transform_indices = @transform_0, window_bounds = array<i64: 1256, 32>}, {transform_indices = @transform_1, window_bounds = array<i64: 1256, 32>}, {transform_indices = @transform_2, window_bounds = array<i64: 1, 32, 32>}, {transform_indices = @transform_3, window_bounds = array<i64: 1, 1, 32>}, {transform_indices = @transform_4, window_bounds = array<i64: 1, 32, 32>}, {transform_indices = @transform_5, window_bounds = array<i64: 1, 1, 32>}, {transform_indices = @transform_6, window_bounds = array<i64: 1256, 32>}]} {
    %get3A = arith.constant 0 : index
    %get3A_0 = arith.constant 0 : index
    %get3A_1 = vector.load %arg1[%get3A, %get3A_0] : memref<1256x32xf32, #tpu.memory_space<vmem>>, vector<1256x32xf32>
    %get3A_2 = arith.constant 0 : index
    %get3A_3 = arith.constant 0 : index
    %get3A_4 = vector.load %arg2[%get3A_2, %get3A_3] : memref<1256x32xf32, #tpu.memory_space<vmem>>, vector<1256x32xf32>
    %add3A = arith.addf %get3A_1, %get3A_4 : vector<1256x32xf32>
    %get3A_5 = arith.constant 0 : index
    %get3A_6 = arith.constant 0 : index
    %get3A_7 = arith.constant 0 : index
    %get3A_8 = vector.load %arg3[%get3A_5, %get3A_6, %get3A_7] : memref<1x32x32xf32, #tpu.memory_space<vmem>>, vector<1x32x32xf32>
    %get3A_9 = vector.shape_cast %get3A_8 : vector<1x32x32xf32> to vector<32x32xf32>
    %dot_general3A = arith.constant dense<0.000000e+00> : vector<1256x32xf32>
    %dot_general3A_10 = tpu.matmul %add3A, %get3A_9, %dot_general3A {dimension_numbers = #tpu.dot_dimension_numbers<[1], [0], [0], [1], [0, 0, 1, 1], [], []>, transpose_lhs_hint = false} : vector<1256x32xf32>, vector<32x32xf32>, vector<1256x32xf32> -> vector<1256x32xf32>
    %get3A_11 = arith.constant 0 : index
    %get3A_12 = arith.constant 0 : index
    %get3A_13 = arith.constant 0 : index
    %get3A_14 = vector.load %arg4[%get3A_11, %get3A_12, %get3A_13] : memref<1x1x32xf32, #tpu.memory_space<vmem>>, vector<1x1x32xf32>
    %get3A_15 = vector.shape_cast %get3A_14 : vector<1x1x32xf32> to vector<1x32xf32>
    %add3A_16 = vector.broadcast %get3A_15 : vector<1x32xf32> to vector<1256x32xf32>
    %add3A_17 = arith.addf %dot_general3A_10, %add3A_16 : vector<1256x32xf32>
    %max3A = arith.constant 0.000000e+00 : f32
    %max3A_18 = vector.broadcast %max3A : f32 to vector<1256x32xf32>
    %max3A_19 = arith.maximumf %add3A_17, %max3A_18 : vector<1256x32xf32>
    %get3A_20 = arith.constant 0 : index
    %get3A_21 = arith.constant 0 : index
    %get3A_22 = arith.constant 0 : index
    %get3A_23 = vector.load %arg5[%get3A_20, %get3A_21, %get3A_22] : memref<1x32x32xf32, #tpu.memory_space<vmem>>, vector<1x32x32xf32>
    %get3A_24 = vector.shape_cast %get3A_23 : vector<1x32x32xf32> to vector<32x32xf32>
    %dot_general3A_25 = arith.constant dense<0.000000e+00> : vector<1256x32xf32>
    %dot_general3A_26 = tpu.matmul %max3A_19, %get3A_24, %dot_general3A_25 {dimension_numbers = #tpu.dot_dimension_numbers<[1], [0], [0], [1], [0, 0, 1, 1], [], []>, transpose_lhs_hint = false} : vector<1256x32xf32>, vector<32x32xf32>, vector<1256x32xf32> -> vector<1256x32xf32>
    %get3A_27 = arith.constant 0 : index
    %get3A_28 = arith.constant 0 : index
    %get3A_29 = arith.constant 0 : index
    %get3A_30 = vector.load %arg6[%get3A_27, %get3A_28, %get3A_29] : memref<1x1x32xf32, #tpu.memory_space<vmem>>, vector<1x1x32xf32>
    %get3A_31 = vector.shape_cast %get3A_30 : vector<1x1x32xf32> to vector<1x32xf32>
    %add3A_32 = vector.broadcast %get3A_31 : vector<1x32xf32> to vector<1256x32xf32>
    %add3A_33 = arith.addf %dot_general3A_26, %add3A_32 : vector<1256x32xf32>
    %swap3A = arith.constant 0 : index
    %swap3A_34 = arith.constant 0 : index
    %swap3A_35 = vector.load %arg7[%swap3A, %swap3A_34] : memref<1256x32xf32, #tpu.memory_space<vmem>>, vector<1256x32xf32>
    tpu.vector_store %arg7[%swap3A, %swap3A_34], %add3A_33 {strides = array<i32>} : memref<1256x32xf32, #tpu.memory_space<vmem>>, vector<1256x32xf32>,
    return
  }
  func.func @transform_0(%arg0: i32) -> (i32, i32) {
    %c0_i32 = arith.constant 0 : i32
    %c0_i32_0 = arith.constant 0 : i32
    return %arg0, %c0_i32 : i32, i32
  }
  func.func @transform_1(%arg0: i32) -> (i32, i32) {
    %c0_i32 = arith.constant 0 : i32
    %c0_i32_0 = arith.constant 0 : i32
    return %arg0, %c0_i32 : i32, i32
  }
  func.func @transform_2(%arg0: i32) -> (i32, i32, i32) {
    %jit3A = arith.constant 8 : i32
    %div3A = arith.divsi %arg0, %jit3A : i32
    %sign3A = arith.constant 0 : i32
    %sign3A_0 = arith.cmpi sgt, %arg0, %sign3A : i32
    %sign3A_1 = arith.extui %sign3A_0 : i1 to i32
    %sign3A_2 = arith.constant 0 : i32
    %sign3A_3 = arith.cmpi slt, %arg0, %sign3A_2 : i32
    %sign3A_4 = arith.extui %sign3A_3 : i1 to i32
    %sign3A_5 = arith.subi %sign3A_1, %sign3A_4 : i32
    %sign3A_6 = arith.constant 0 : i32
    %sign3A_7 = arith.cmpi sgt, %jit3A, %sign3A_6 : i32
    %sign3A_8 = arith.extui %sign3A_7 : i1 to i32
    %sign3A_9 = arith.constant 0 : i32
    %sign3A_10 = arith.cmpi slt, %jit3A, %sign3A_9 : i32
    %sign3A_11 = arith.extui %sign3A_10 : i1 to i32
    %sign3A_12 = arith.subi %sign3A_8, %sign3A_11 : i32
    %ne3A = arith.cmpi ne, %sign3A_5, %sign3A_12 : i32
    %rem3A = arith.remsi %arg0, %jit3A : i32
    %ne3A_13 = arith.constant 0 : i32
    %ne3A_14 = arith.cmpi ne, %rem3A, %ne3A_13 : i32
    %and3A = arith.andi %ne3A, %ne3A_14 : i1
    %sub3A = arith.constant 1 : i32
    %sub3A_15 = arith.subi %div3A, %sub3A : i32
    %select_n3A = arith.select %and3A, %sub3A_15, %div3A : i32
    %c0_i32 = arith.constant 0 : i32
    %c0_i32_16 = arith.constant 0 : i32
    %c0_i32_17 = arith.constant 0 : i32
    return %select_n3A, %c0_i32, %c0_i32_16 : i32, i32, i32
  }
  func.func @transform_3(%arg0: i32) -> (i32, i32, i32) {
    %jit3A = arith.constant 8 : i32
    %div3A = arith.divsi %arg0, %jit3A : i32
    %sign3A = arith.constant 0 : i32
    %sign3A_0 = arith.cmpi sgt, %arg0, %sign3A : i32
    %sign3A_1 = arith.extui %sign3A_0 : i1 to i32
    %sign3A_2 = arith.constant 0 : i32
    %sign3A_3 = arith.cmpi slt, %arg0, %sign3A_2 : i32
    %sign3A_4 = arith.extui %sign3A_3 : i1 to i32
    %sign3A_5 = arith.subi %sign3A_1, %sign3A_4 : i32
    %sign3A_6 = arith.constant 0 : i32
    %sign3A_7 = arith.cmpi sgt, %jit3A, %sign3A_6 : i32
    %sign3A_8 = arith.extui %sign3A_7 : i1 to i32
    %sign3A_9 = arith.constant 0 : i32
    %sign3A_10 = arith.cmpi slt, %jit3A, %sign3A_9 : i32
    %sign3A_11 = arith.extui %sign3A_10 : i1 to i32
    %sign3A_12 = arith.subi %sign3A_8, %sign3A_11 : i32
    %ne3A = arith.cmpi ne, %sign3A_5, %sign3A_12 : i32
    %rem3A = arith.remsi %arg0, %jit3A : i32
    %ne3A_13 = arith.constant 0 : i32
    %ne3A_14 = arith.cmpi ne, %rem3A, %ne3A_13 : i32
    %and3A = arith.andi %ne3A, %ne3A_14 : i1
    %sub3A = arith.constant 1 : i32
    %sub3A_15 = arith.subi %div3A, %sub3A : i32
    %select_n3A = arith.select %and3A, %sub3A_15, %div3A : i32
    %c0_i32 = arith.constant 0 : i32
    %c0_i32_16 = arith.constant 0 : i32
    %c0_i32_17 = arith.constant 0 : i32
    return %select_n3A, %c0_i32, %c0_i32_16 : i32, i32, i32
  }
  func.func @transform_4(%arg0: i32) -> (i32, i32, i32) {
    %jit3A = arith.constant 8 : i32
    %div3A = arith.divsi %arg0, %jit3A : i32
    %sign3A = arith.constant 0 : i32
    %sign3A_0 = arith.cmpi sgt, %arg0, %sign3A : i32
    %sign3A_1 = arith.extui %sign3A_0 : i1 to i32
    %sign3A_2 = arith.constant 0 : i32
    %sign3A_3 = arith.cmpi slt, %arg0, %sign3A_2 : i32
    %sign3A_4 = arith.extui %sign3A_3 : i1 to i32
    %sign3A_5 = arith.subi %sign3A_1, %sign3A_4 : i32
    %sign3A_6 = arith.constant 0 : i32
    %sign3A_7 = arith.cmpi sgt, %jit3A, %sign3A_6 : i32
    %sign3A_8 = arith.extui %sign3A_7 : i1 to i32
    %sign3A_9 = arith.constant 0 : i32
    %sign3A_10 = arith.cmpi slt, %jit3A, %sign3A_9 : i32
    %sign3A_11 = arith.extui %sign3A_10 : i1 to i32
    %sign3A_12 = arith.subi %sign3A_8, %sign3A_11 : i32
    %ne3A = arith.cmpi ne, %sign3A_5, %sign3A_12 : i32
    %rem3A = arith.remsi %arg0, %jit3A : i32
    %ne3A_13 = arith.constant 0 : i32
    %ne3A_14 = arith.cmpi ne, %rem3A, %ne3A_13 : i32
    %and3A = arith.andi %ne3A, %ne3A_14 : i1
    %sub3A = arith.constant 1 : i32
    %sub3A_15 = arith.subi %div3A, %sub3A : i32
    %select_n3A = arith.select %and3A, %sub3A_15, %div3A : i32
    %c0_i32 = arith.constant 0 : i32
    %c0_i32_16 = arith.constant 0 : i32
    %c0_i32_17 = arith.constant 0 : i32
    return %select_n3A, %c0_i32, %c0_i32_16 : i32, i32, i32
  }
  func.func @transform_5(%arg0: i32) -> (i32, i32, i32) {
    %jit3A = arith.constant 8 : i32
    %div3A = arith.divsi %arg0, %jit3A : i32
    %sign3A = arith.constant 0 : i32
    %sign3A_0 = arith.cmpi sgt, %arg0, %sign3A : i32
    %sign3A_1 = arith.extui %sign3A_0 : i1 to i32
    %sign3A_2 = arith.constant 0 : i32
    %sign3A_3 = arith.cmpi slt, %arg0, %sign3A_2 : i32
    %sign3A_4 = arith.extui %sign3A_3 : i1 to i32
    %sign3A_5 = arith.subi %sign3A_1, %sign3A_4 : i32
    %sign3A_6 = arith.constant 0 : i32
    %sign3A_7 = arith.cmpi sgt, %jit3A, %sign3A_6 : i32
    %sign3A_8 = arith.extui %sign3A_7 : i1 to i32
    %sign3A_9 = arith.constant 0 : i32
    %sign3A_10 = arith.cmpi slt, %jit3A, %sign3A_9 : i32
    %sign3A_11 = arith.extui %sign3A_10 : i1 to i32
    %sign3A_12 = arith.subi %sign3A_8, %sign3A_11 : i32
    %ne3A = arith.cmpi ne, %sign3A_5, %sign3A_12 : i32
    %rem3A = arith.remsi %arg0, %jit3A : i32
    %ne3A_13 = arith.constant 0 : i32
    %ne3A_14 = arith.cmpi ne, %rem3A, %ne3A_13 : i32
    %and3A = arith.andi %ne3A, %ne3A_14 : i1
    %sub3A = arith.constant 1 : i32
    %sub3A_15 = arith.subi %div3A, %sub3A : i32
    %select_n3A = arith.select %and3A, %sub3A_15, %div3A : i32
    %c0_i32 = arith.constant 0 : i32
    %c0_i32_16 = arith.constant 0 : i32
    %c0_i32_17 = arith.constant 0 : i32
    return %select_n3A, %c0_i32, %c0_i32_16 : i32, i32, i32
  }
  func.func @transform_6(%arg0: i32) -> (i32, i32) {
    %c0_i32 = arith.constant 0 : i32
    %c0_i32_0 = arith.constant 0 : i32
    return %arg0, %c0_i32 : i32, i32
  }
}

module attributes {stable_mosaic.version = 14 : i64} {
  func.func @_pool_body(%arg0: i32, %arg1: memref<1256x32xf32, #tpu.memory_space<vmem>>, %arg2: memref<1x1x1256xi32, #tpu.memory_space<vmem>>, %arg3: memref<64x32xf32, #tpu.memory_space<vmem>>, %arg4: memref<1x32xf32, #tpu.memory_space<vmem>>, %arg5: memref<32x32xf32, #tpu.memory_space<vmem>>, %arg6: memref<1x32xf32, #tpu.memory_space<vmem>>, %arg7: memref<32x32xf32, #tpu.memory_space<vmem>>, %arg8: memref<1x32xf32, #tpu.memory_space<vmem>>, %arg9: memref<32x1xf32, #tpu.memory_space<vmem>>, %arg10: memref<1x1xf32, #tpu.memory_space<vmem>>, %arg11: memref<256x1xf32, #tpu.memory_space<vmem>>, %arg12: memref<512x32xf32, #tpu.memory_space<vmem>>, %arg13: memref<512x1xf32, #tpu.memory_space<vmem>>) attributes {dimension_semantics = [#tpu.dimension_semantics<arbitrary>], iteration_bounds = array<i64: 16>, scalar_prefetch = 0 : i64, scratch_operands = 2 : i64, tpu.core_type = #tpu.core_type<tc>, window_params = [{transform_indices = @transform_0, window_bounds = array<i64: 1256, 32>}, {transform_indices = @transform_1, window_bounds = array<i64: 1, 1, 1256>}, {pipeline_mode = #tpu.pipeline_mode<synchronous>, transform_indices = @transform_2, window_bounds = array<i64: 64, 32>}, {pipeline_mode = #tpu.pipeline_mode<synchronous>, transform_indices = @transform_3, window_bounds = array<i64: 1, 32>}, {pipeline_mode = #tpu.pipeline_mode<synchronous>, transform_indices = @transform_4, window_bounds = array<i64: 32, 32>}, {pipeline_mode = #tpu.pipeline_mode<synchronous>, transform_indices = @transform_5, window_bounds = array<i64: 1, 32>}, {pipeline_mode = #tpu.pipeline_mode<synchronous>, transform_indices = @transform_6, window_bounds = array<i64: 32, 32>}, {pipeline_mode = #tpu.pipeline_mode<synchronous>, transform_indices = @transform_7, window_bounds = array<i64: 1, 32>}, {pipeline_mode = #tpu.pipeline_mode<synchronous>, transform_indices = @transform_8, window_bounds = array<i64: 32, 1>}, {pipeline_mode = #tpu.pipeline_mode<synchronous>, transform_indices = @transform_9, window_bounds = array<i64: 1, 1>}, {pipeline_mode = #tpu.pipeline_mode<synchronous>, transform_indices = @transform_10, window_bounds = array<i64: 256, 1>}]} {
    %eq3A = arith.constant 0 : i32
    %eq3A_0 = arith.cmpi eq, %arg0, %eq3A : i32
    %convert_element_type3A = arith.extui %eq3A_0 : i1 to i32
    %cond3A = arith.constant 0 : i32
    %cond3A_1 = arith.cmpi ne, %convert_element_type3A, %cond3A : i32
    scf.if %cond3A_1 {
      %broadcast_in_dim3A_32 = arith.constant 0.000000e+00 : f32
      %broadcast_in_dim3A_33 = vector.broadcast %broadcast_in_dim3A_32 : f32 to vector<512x32xf32>
      %swap3A_34 = arith.constant 0 : index
      %swap3A_35 = arith.constant 0 : index
      %swap3A_36 = vector.load %arg12[%swap3A_34, %swap3A_35] : memref<512x32xf32, #tpu.memory_space<vmem>>, vector<512x32xf32>
      tpu.vector_store %arg12[%swap3A_34, %swap3A_35], %broadcast_in_dim3A_33 {strides = array<i32>} : memref<512x32xf32, #tpu.memory_space<vmem>>, vector<512x32xf32>,
      %broadcast_in_dim3A_37 = arith.constant 0.000000e+00 : f32
      %broadcast_in_dim3A_38 = vector.broadcast %broadcast_in_dim3A_37 : f32 to vector<512x1xf32>
      %swap3A_39 = arith.constant 0 : index
      %swap3A_40 = arith.constant 0 : index
      %swap3A_41 = vector.load %arg13[%swap3A_39, %swap3A_40] : memref<512x1xf32, #tpu.memory_space<vmem>>, vector<512x1xf32>
      tpu.vector_store %arg13[%swap3A_39, %swap3A_40], %broadcast_in_dim3A_38 {strides = array<i32>} : memref<512x1xf32, #tpu.memory_space<vmem>>, vector<512x1xf32>,
    } else {
    }
    %get3A = arith.constant 0 : index
    %get3A_2 = arith.constant 0 : index
    %get3A_3 = vector.load %arg1[%get3A, %get3A_2] : memref<1256x32xf32, #tpu.memory_space<vmem>>, vector<1256x32xf32>
    %get3A_4 = arith.constant 0 : index
    %get3A_5 = arith.constant 0 : index
    %get3A_6 = arith.constant 0 : index
    %get3A_7 = vector.load %arg2[%get3A_4, %get3A_5, %get3A_6] : memref<1x1x1256xi32, #tpu.memory_space<vmem>>, vector<1x1x1256xi32>
    %get3A_8 = vector.shape_cast %get3A_7 : vector<1x1x1256xi32> to vector<1x1256xi32>
    %iota3A = tpu.iota {dimensions = array<i32: 0>} : vector<512x1256xi32>
    %eq3A_9 = vector.broadcast %get3A_8 : vector<1x1256xi32> to vector<512x1256xi32>
    %eq3A_10 = arith.cmpi eq, %iota3A, %eq3A_9 : vector<512x1256xi32>
    %convert_element_type3A_11 = arith.extui %eq3A_10 : vector<512x1256xi1> to vector<512x1256xi32>
    %convert_element_type3A_12 = arith.sitofp %convert_element_type3A_11 : vector<512x1256xi32> to vector<512x1256xf32>
    %get3A_13 = arith.constant 0 : index
    %get3A_14 = arith.constant 0 : index
    %get3A_15 = vector.load %arg12[%get3A_13, %get3A_14] : memref<512x32xf32, #tpu.memory_space<vmem>>, vector<512x32xf32>
    %dot_general3A = arith.constant dense<0.000000e+00> : vector<512x32xf32>
    %dot_general3A_16 = tpu.matmul %convert_element_type3A_12, %get3A_3, %dot_general3A {dimension_numbers = #tpu.dot_dimension_numbers<[1], [0], [0], [1], [0, 0, 1, 1], [], []>, precision = #tpu.contract_precision<fp32>, transpose_lhs_hint = false} : vector<512x1256xf32>, vector<1256x32xf32>, vector<512x32xf32> -> vector<512x32xf32>
    %add3A = arith.addf %get3A_15, %dot_general3A_16 : vector<512x32xf32>
    %swap3A = arith.constant 0 : index
    %swap3A_17 = arith.constant 0 : index
    %swap3A_18 = vector.load %arg12[%swap3A, %swap3A_17] : memref<512x32xf32, #tpu.memory_space<vmem>>, vector<512x32xf32>
    tpu.vector_store %arg12[%swap3A, %swap3A_17], %add3A {strides = array<i32>} : memref<512x32xf32, #tpu.memory_space<vmem>>, vector<512x32xf32>,
    %get3A_19 = arith.constant 0 : index
    %get3A_20 = arith.constant 0 : index
    %get3A_21 = vector.load %arg13[%get3A_19, %get3A_20] : memref<512x1xf32, #tpu.memory_space<vmem>>, vector<512x1xf32>
    %reduce_sum3A = arith.constant dense<0.000000e+00> : vector<512xf32>
    %reduce_sum3A_22 = vector.multi_reduction <add>, %convert_element_type3A_12, %reduce_sum3A [1] : vector<512x1256xf32> to vector<512xf32>
    %broadcast_in_dim3A = vector.shape_cast %reduce_sum3A_22 : vector<512xf32> to vector<512x1xf32>
    %add3A_23 = arith.addf %get3A_21, %broadcast_in_dim3A : vector<512x1xf32>
    %swap3A_24 = arith.constant 0 : index
    %swap3A_25 = arith.constant 0 : index
    %swap3A_26 = vector.load %arg13[%swap3A_24, %swap3A_25] : memref<512x1xf32, #tpu.memory_space<vmem>>, vector<512x1xf32>
    tpu.vector_store %arg13[%swap3A_24, %swap3A_25], %add3A_23 {strides = array<i32>} : memref<512x1xf32, #tpu.memory_space<vmem>>, vector<512x1xf32>,
    %eq3A_27 = arith.constant 15 : i32
    %eq3A_28 = arith.cmpi eq, %arg0, %eq3A_27 : i32
    %convert_element_type3A_29 = arith.extui %eq3A_28 : i1 to i32
    %cond3A_30 = arith.constant 0 : i32
    %cond3A_31 = arith.cmpi ne, %convert_element_type3A_29, %cond3A_30 : i32
    scf.if %cond3A_31 {
      %get3A_32 = arith.constant 0 : index
      %get3A_33 = arith.constant 0 : index
      %get3A_34 = vector.load %arg12[%get3A_32, %get3A_33] : memref<512x32xf32, #tpu.memory_space<vmem>>, vector<512x32xf32>
      %get3A_35 = arith.constant 0 : index
      %get3A_36 = arith.constant 0 : index
      %get3A_37 = vector.load %arg13[%get3A_35, %get3A_36] : memref<512x1xf32, #tpu.memory_space<vmem>>, vector<512x1xf32>
      %max3A = arith.constant 1.000000e+00 : f32
      %max3A_38 = vector.broadcast %max3A : f32 to vector<512x1xf32>
      %max3A_39 = arith.maximumf %get3A_37, %max3A_38 : vector<512x1xf32>
      %div3A = vector.broadcast %max3A_39 : vector<512x1xf32> to vector<512x32xf32>
      %div3A_40 = arith.divf %get3A_34, %div3A : vector<512x32xf32>
      %slice3A = vector.extract_strided_slice %div3A_40 {offsets = [0, 0], sizes = [256, 32], strides = [1, 1]} : vector<512x32xf32> to vector<256x32xf32>
      %slice3A_41 = vector.extract_strided_slice %div3A_40 {offsets = [256, 0], sizes = [256, 32], strides = [1, 1]} : vector<512x32xf32> to vector<256x32xf32>
      %get3A_42 = arith.constant 0 : index
      %get3A_43 = arith.constant 0 : index
      %get3A_44 = vector.load %arg3[%get3A_42, %get3A_43] : memref<64x32xf32, #tpu.memory_space<vmem>>, vector<32x32xf32>
      %dot_general3A_45 = arith.constant dense<0.000000e+00> : vector<256x32xf32>
      %dot_general3A_46 = tpu.matmul %slice3A, %get3A_44, %dot_general3A_45 {dimension_numbers = #tpu.dot_dimension_numbers<[1], [0], [0], [1], [0, 0, 1, 1], [], []>, transpose_lhs_hint = false} : vector<256x32xf32>, vector<32x32xf32>, vector<256x32xf32> -> vector<256x32xf32>
      %get3A_47 = arith.constant 32 : index
      %get3A_48 = arith.constant 0 : index
      %get3A_49 = vector.load %arg3[%get3A_47, %get3A_48] : memref<64x32xf32, #tpu.memory_space<vmem>>, vector<32x32xf32>
      %dot_general3A_50 = arith.constant dense<0.000000e+00> : vector<256x32xf32>
      %dot_general3A_51 = tpu.matmul %slice3A_41, %get3A_49, %dot_general3A_50 {dimension_numbers = #tpu.dot_dimension_numbers<[1], [0], [0], [1], [0, 0, 1, 1], [], []>, transpose_lhs_hint = false} : vector<256x32xf32>, vector<32x32xf32>, vector<256x32xf32> -> vector<256x32xf32>
      %add3A_52 = arith.addf %dot_general3A_46, %dot_general3A_51 : vector<256x32xf32>
      %get3A_53 = arith.constant 0 : index
      %get3A_54 = arith.constant 0 : index
      %get3A_55 = vector.load %arg4[%get3A_53, %get3A_54] : memref<1x32xf32, #tpu.memory_space<vmem>>, vector<1x32xf32>
      %add3A_56 = vector.broadcast %get3A_55 : vector<1x32xf32> to vector<256x32xf32>
      %add3A_57 = arith.addf %add3A_52, %add3A_56 : vector<256x32xf32>
      %max3A_58 = arith.constant 0.000000e+00 : f32
      %max3A_59 = vector.broadcast %max3A_58 : f32 to vector<256x32xf32>
      %max3A_60 = arith.maximumf %add3A_57, %max3A_59 : vector<256x32xf32>
      %get3A_61 = arith.constant 0 : index
      %get3A_62 = arith.constant 0 : index
      %get3A_63 = vector.load %arg5[%get3A_61, %get3A_62] : memref<32x32xf32, #tpu.memory_space<vmem>>, vector<32x32xf32>
      %dot_general3A_64 = arith.constant dense<0.000000e+00> : vector<256x32xf32>
      %dot_general3A_65 = tpu.matmul %max3A_60, %get3A_63, %dot_general3A_64 {dimension_numbers = #tpu.dot_dimension_numbers<[1], [0], [0], [1], [0, 0, 1, 1], [], []>, transpose_lhs_hint = false} : vector<256x32xf32>, vector<32x32xf32>, vector<256x32xf32> -> vector<256x32xf32>
      %get3A_66 = arith.constant 0 : index
      %get3A_67 = arith.constant 0 : index
      %get3A_68 = vector.load %arg6[%get3A_66, %get3A_67] : memref<1x32xf32, #tpu.memory_space<vmem>>, vector<1x32xf32>
      %add3A_69 = vector.broadcast %get3A_68 : vector<1x32xf32> to vector<256x32xf32>
      %add3A_70 = arith.addf %dot_general3A_65, %add3A_69 : vector<256x32xf32>
      %max3A_71 = arith.constant 0.000000e+00 : f32
      %max3A_72 = vector.broadcast %max3A_71 : f32 to vector<256x32xf32>
      %max3A_73 = arith.maximumf %add3A_70, %max3A_72 : vector<256x32xf32>
      %get3A_74 = arith.constant 0 : index
      %get3A_75 = arith.constant 0 : index
      %get3A_76 = vector.load %arg7[%get3A_74, %get3A_75] : memref<32x32xf32, #tpu.memory_space<vmem>>, vector<32x32xf32>
      %dot_general3A_77 = arith.constant dense<0.000000e+00> : vector<256x32xf32>
      %dot_general3A_78 = tpu.matmul %max3A_73, %get3A_76, %dot_general3A_77 {dimension_numbers = #tpu.dot_dimension_numbers<[1], [0], [0], [1], [0, 0, 1, 1], [], []>, transpose_lhs_hint = false} : vector<256x32xf32>, vector<32x32xf32>, vector<256x32xf32> -> vector<256x32xf32>
      %get3A_79 = arith.constant 0 : index
      %get3A_80 = arith.constant 0 : index
      %get3A_81 = vector.load %arg8[%get3A_79, %get3A_80] : memref<1x32xf32, #tpu.memory_space<vmem>>, vector<1x32xf32>
      %add3A_82 = vector.broadcast %get3A_81 : vector<1x32xf32> to vector<256x32xf32>
      %add3A_83 = arith.addf %dot_general3A_78, %add3A_82 : vector<256x32xf32>
      %max3A_84 = arith.constant 0.000000e+00 : f32
      %max3A_85 = vector.broadcast %max3A_84 : f32 to vector<256x32xf32>
      %max3A_86 = arith.maximumf %add3A_83, %max3A_85 : vector<256x32xf32>
      %get3A_87 = arith.constant 0 : index
      %get3A_88 = arith.constant 0 : index
      %get3A_89 = vector.load %arg9[%get3A_87, %get3A_88] : memref<32x1xf32, #tpu.memory_space<vmem>>, vector<32x1xf32>
      %dot_general3A_90 = arith.constant dense<0.000000e+00> : vector<256x1xf32>
      %dot_general3A_91 = tpu.matmul %max3A_86, %get3A_89, %dot_general3A_90 {dimension_numbers = #tpu.dot_dimension_numbers<[1], [0], [0], [1], [0, 0, 1, 1], [], []>, transpose_lhs_hint = false} : vector<256x32xf32>, vector<32x1xf32>, vector<256x1xf32> -> vector<256x1xf32>
      %get3A_92 = arith.constant 0 : index
      %get3A_93 = arith.constant 0 : index
      %get3A_94 = vector.load %arg10[%get3A_92, %get3A_93] : memref<1x1xf32, #tpu.memory_space<vmem>>, vector<1x1xf32>
      %add3A_95 = vector.broadcast %get3A_94 : vector<1x1xf32> to vector<256x1xf32>
      %add3A_96 = arith.addf %dot_general3A_91, %add3A_95 : vector<256x1xf32>
      %swap3A_97 = arith.constant 0 : index
      %swap3A_98 = arith.constant 0 : index
      %swap3A_99 = vector.load %arg11[%swap3A_97, %swap3A_98] : memref<256x1xf32, #tpu.memory_space<vmem>>, vector<256x1xf32>
      tpu.vector_store %arg11[%swap3A_97, %swap3A_98], %add3A_96 {strides = array<i32>} : memref<256x1xf32, #tpu.memory_space<vmem>>, vector<256x1xf32>,
    } else {
    }
    return
  }
  func.func @transform_0(%arg0: i32) -> (i32, i32) {
    %c0_i32 = arith.constant 0 : i32
    %c0_i32_0 = arith.constant 0 : i32
    return %arg0, %c0_i32 : i32, i32
  }
  func.func @transform_1(%arg0: i32) -> (i32, i32, i32) {
    %c0_i32 = arith.constant 0 : i32
    %c0_i32_0 = arith.constant 0 : i32
    %c0_i32_1 = arith.constant 0 : i32
    return %arg0, %c0_i32, %c0_i32_0 : i32, i32, i32
  }
  func.func @transform_2(%arg0: i32) -> (i32, i32) {
    %c0_i32 = arith.constant 0 : i32
    %c0_i32_0 = arith.constant 0 : i32
    %c0_i32_1 = arith.constant 0 : i32
    return %c0_i32, %c0_i32_0 : i32, i32
  }
  func.func @transform_3(%arg0: i32) -> (i32, i32) {
    %c0_i32 = arith.constant 0 : i32
    %c0_i32_0 = arith.constant 0 : i32
    %c0_i32_1 = arith.constant 0 : i32
    return %c0_i32, %c0_i32_0 : i32, i32
  }
  func.func @transform_4(%arg0: i32) -> (i32, i32) {
    %c0_i32 = arith.constant 0 : i32
    %c0_i32_0 = arith.constant 0 : i32
    %c0_i32_1 = arith.constant 0 : i32
    return %c0_i32, %c0_i32_0 : i32, i32
  }
  func.func @transform_5(%arg0: i32) -> (i32, i32) {
    %c0_i32 = arith.constant 0 : i32
    %c0_i32_0 = arith.constant 0 : i32
    %c0_i32_1 = arith.constant 0 : i32
    return %c0_i32, %c0_i32_0 : i32, i32
  }
  func.func @transform_6(%arg0: i32) -> (i32, i32) {
    %c0_i32 = arith.constant 0 : i32
    %c0_i32_0 = arith.constant 0 : i32
    %c0_i32_1 = arith.constant 0 : i32
    return %c0_i32, %c0_i32_0 : i32, i32
  }
  func.func @transform_7(%arg0: i32) -> (i32, i32) {
    %c0_i32 = arith.constant 0 : i32
    %c0_i32_0 = arith.constant 0 : i32
    %c0_i32_1 = arith.constant 0 : i32
    return %c0_i32, %c0_i32_0 : i32, i32
  }
  func.func @transform_8(%arg0: i32) -> (i32, i32) {
    %c0_i32 = arith.constant 0 : i32
    %c0_i32_0 = arith.constant 0 : i32
    %c0_i32_1 = arith.constant 0 : i32
    return %c0_i32, %c0_i32_0 : i32, i32
  }
  func.func @transform_9(%arg0: i32) -> (i32, i32) {
    %c0_i32 = arith.constant 0 : i32
    %c0_i32_0 = arith.constant 0 : i32
    %c0_i32_1 = arith.constant 0 : i32
    return %c0_i32, %c0_i32_0 : i32, i32
  }
  func.func @transform_10(%arg0: i32) -> (i32, i32) {
    %c0_i32 = arith.constant 0 : i32
    %c0_i32_0 = arith.constant 0 : i32
    %c0_i32_1 = arith.constant 0 : i32
    return %c0_i32, %c0_i32_0 : i32, i32
  }
}

</mosaic_0001>

<sc_bundles>
// kernel: kernel.11.cloned.1.call-start
scs
__scs_entry_jumppad:
0x0: {  	(pc) =	sbr.rel $0x88, $3  }
0x1: {  	(tag) =	ssettag $0x0;
	lr =	simm.s32 $0x1  }
0x2: {  	[smem:$0x3F73] =	sst lr;
	_ =	strace $0xD0000000  }
0x3: {  	_ = 	snop  }
0x4: {  	_ = 	snop  }
0x5: {  	_ = 	snop  }
0x6: {  	_ = 	snop  }
0x7: {  	_ = 	snop  }
__scs_overlays_trampoline_lowered:
0x8: {  	[smem:$0x3F82] =	sst s0  }
0x9: {  	[smem:$0x3F83] =	sst s1  }
0xa: {  	[smem:$0x3F84] =	sst s2  }
0xb: {  	[smem:$0x3F85] =	sst s3  }
0xc: {  	[smem:$0x3F86] =	sst s4  }
0xd: {  	[smem:$0x3F87] =	sst s5  }
0xe: {  	[smem:$0x3F88] =	sst s6  }
0xf: {  	[smem:$0x3F89] =	sst s7  }
0x10: {  	[smem:$0x3F8A] =	sst s8  }
0x11: {  	[smem:$0x3F8B] =	sst s9;
	s0 =	simm.s32 @!p0 $0x0  }
0x12: {  	s1 =	sld [smem:$0x3F71];
	s0 =	simm.s32 @p0 $0x1  }
0x13: {  	[smem:$0x3F8C] =	sst s0;
	s0 =	simm.s32 @!p1 $0x0  }
0x14: {  	s2 =	sld [smem:$0x3F70];
	s0 =	simm.s32 @p1 $0x1  }
0x15: {  	[smem:$0x3F8D] =	sst s0;
	s0 =	simm.s32 @!p2 $0x0  }
0x16: {  	s3 =	sld [smem:$0x3FDB];
	s0 =	simm.s32 @p2 $0x1  }
0x17: {  	s4 =	simm.s32 $0x1BF5;
	[smem:$0x3F8F] =	sst s0  }
0x18: {  	s0 =	sld [smem:$0x3F72];
	_ =	swait.ge [sflag:s4], $0x0  }
0x19: {  	s7 =	sld [smem:$0x3F73]  }
0x1a: {  	s8 =	sadd.s32 $0xFFFFE003, lr  }
0x1b: {  	s9 =	sadd.s32 $0xFFFFFEF7, lr;
	s5 =	simm.s32 $0xFFFFFFFF;
	p2 =	slt.u32 s8, $0xFFFFF086  }
0x1c: {  	p1 =	slt.u32 s9, $0xF7A;
	s5 =	simm.s32 @!p2 $0x0  }
0x1d: {  	s5 =	simm.s32 @p1 $0x1;
	p0 =	seq.s32 s7, s2  }
0x1e: {  	s7 =	smul.u32 @!p0 $0xF7A, s2;
	p2 =	seq.s32 @!p0 s5, $0x0  }
0x1f: {  	s9 =	smul.u32 $0xF7A, s1;
	s8 =	simm.s32 @!p0 $0x1BF5;
	p2 =	por !p2, p0  }
0x20: {  	[sflag:s8] =	ssyncset.s32 @!p0 $0xFFFFF086;
	s6 =	sadd.s32 @!p0 s3, s7;
	s7 =	simm.s32 @!p0 $0x108  }
0x21: {  	s3 =	sadd.s32 s3, s9;
	s6 =	sadd.s32 @!p0 $0x88, s6;
	s7 =	simm.s32 @p2 $0x1082  }
0x22: {  	[simem:s7], [sflag:s8] =	dma.local @!p0 [hbm:s6], $0xF7A  }
0x23: {  	s9 =	sor.u32 $0xD0000000, s2;
	s6 =	simm.s32 $0x108;
	_ =	swait.ge @!p0 [sflag:s8], $0x0  }
0x24: {  	s3 =	sadd.s32 $0x88, s3;
	s6 =	simm.s32 @!p1 $0x1082;
	[sflag:s4] =	ssyncset.s32 $0xFFFFF086  }
0x25: {  	[simem:s6], [sflag:s4] =	dma.local [hbm:s3], $0xF7A  }
0x26: {  	[smem:$0x3F73] =	sst s1;
	(tag) =	ssettag s2;
	_ =	strace s9  }
0x27: {  	s1 =	sld [smem:$0x3F83]  }
0x28: {  	s2 =	sld [smem:$0x3F84]  }
0x29: {  	s4 =	sld [smem:$0x3F86]  }
0x2a: {  	p0 =	seq.s32 s5, $0x0;
	s5 =	sld [smem:$0x3F87]  }
0x2b: {  	s6 =	sld [smem:$0x3F88]  }
0x2c: {  	s7 =	sld [smem:$0x3F89]  }
0x2d: {  	s3 =	simm.s32 $0x108;
	s8 =	sld [smem:$0x3F8A]  }
0x2e: {  	s3 =	simm.s32 @!p0 $0x1082;
	s9 =	sld [smem:$0x3F8B]  }
0x2f: {  	lr =	sadd.s32 s0, s3;
	s0 =	sld [smem:$0x3F82]  }
0x30: {  	s3 =	sld [smem:$0x3F85]  }
0x31: {  	[smem:$0x3F8E] =	sst s10  }
0x32: {  	s10 =	sld [smem:$0x3F8C];
	_ =	sdelay $0x3  }
0x33: {  	p0 =	seq.s32 s10, $0x1;
	s10 =	sld [smem:$0x3F8E];
	_ =	sdelay $0x3  }
0x34: {  	[smem:$0x3F8E] =	sst s10  }
0x35: {  	s10 =	sld [smem:$0x3F8D];
	_ =	sdelay $0x3  }
0x36: {  	p1 =	seq.s32 s10, $0x1;
	s10 =	sld [smem:$0x3F8E];
	_ =	sdelay $0x3  }
0x37: {  	[smem:$0x3F8E] =	sst s10  }
0x38: {  	s10 =	sld [smem:$0x3F8F]  }
0x39: {  	_ = 	snop;
	(pc) =	sbr.ind lr, $3  }
0x3a: {  	_ = 	snop  }
0x3b: {  	_ = 	snop  }
0x3c: {  	p2 =	seq.s32 s10, $0x1;
	s10 =	sld [smem:$0x3F8E]  }
0x3d: {  	_ =	shalt  }
0x3e: {  	_ =	shalt  }
0x3f: {  	_ =	shalt  }
0x40: {  	_ =	shalt  }
0x41: {  	_ =	shalt  }
0x42: {  	_ =	shalt  }
0x43: {  	_ =	shalt  }
0x44: {  	_ =	shalt  }
0x45: {  	_ =	shalt  }
0x46: {  	_ =	shalt  }
0x47: {  	_ =	shalt  }
0x48: {  	_ =	shalt  }
0x49: {  	_ =	shalt  }
0x4a: {  	_ =	shalt  }
0x4b: {  	_ =	shalt  }
0x4c: {  	_ =	shalt  }
0x4d: {  	_ =	shalt  }
0x4e: {  	_ =	shalt  }
0x4f: {  	_ =	shalt  }
0x50: {  	_ =	shalt  }
0x51: {  	_ =	shalt  }
0x52: {  	_ =	shalt  }
0x53: {  	_ =	shalt  }
0x54: {  	_ =	shalt  }
0x55: {  	_ =	shalt  }
0x56: {  	_ =	shalt  }
0x57: {  	_ =	shalt  }
0x58: {  	_ =	shalt  }
0x59: {  	_ =	shalt  }
0x5a: {  	_ =	shalt  }
0x5b: {  	_ =	shalt  }
0x5c: {  	_ =	shalt  }
0x5d: {  	_ =	shalt  }
0x5e: {  	_ =	shalt  }
0x5f: {  	_ =	shalt  }
0x60: {  	_ =	shalt  }
0x61: {  	_ =	shalt  }
0x62: {  	_ =	shalt  }
0x63: {  	_ =	shalt  }
0x64: {  	_ =	shalt  }
0x65: {  	_ =	shalt  }
0x66: {  	_ =	shalt  }
0x67: {  	_ =	shalt  }
0x68: {  	_ =	shalt  }
0x69: {  	_ =	shalt  }
0x6a: {  	_ =	shalt  }
0x6b: {  	_ =	shalt  }
0x6c: {  	_ =	shalt  }
0x6d: {  	_ =	shalt  }
0x6e: {  	_ =	shalt  }
0x6f: {  	_ =	shalt  }
0x70: {  	_ =	shalt  }
0x71: {  	_ =	shalt  }
0x72: {  	_ =	shalt  }
0x73: {  	_ =	shalt  }
0x74: {  	_ =	shalt  }
0x75: {  	_ =	shalt  }
0x76: {  	_ =	shalt  }
0x77: {  	_ =	shalt  }
0x78: {  	_ =	shalt  }
0x79: {  	_ =	shalt  }
0x7a: {  	_ =	shalt  }
0x7b: {  	_ =	shalt  }
0x7c: {  	_ =	shalt  }
0x7d: {  	_ =	shalt  }
0x7e: {  	_ =	shalt  }
0x7f: {  	_ =	shalt  }
0x80: {  	_ =	shalt  }
0x81: {  	_ =	shalt  }
0x82: {  	_ =	shalt  }
0x83: {  	_ =	shalt  }
0x84: {  	_ =	shalt  }
0x85: {  	_ =	shalt  }
0x86: {  	_ =	shalt  }
0x87: {  	_ =	shalt  }
.Lfunc_end0:
.L_simem_size_0:
called_computation_lowered:
.L_overlay_start_0:
0x88: {  	s2 =	sld [smem:$0x3FD9]  }
0x89: {  	s3 =	sld [smem:$0x3FFE];
	_ =	sdelay $0x1  }
0x8a: {  	s1 =	srdreg.scid  }
0x8b: {  	s0 =	sand.u32 $0x1, s1  }
0x8c: {  	s17 =	sshll.u32 s0, $0xA;
	s2 =	sadd.s32 s3, s2  }
0x8d: {  	s2 =	sadd.s32 s2, s17  }
0x8e: {  	[smem:$0x3F9A] =	sst s2  }
0x8f: {  	_ = 	snop  }
0x90: {  	s2 =	sld [smem:$0x3FD0];
	(tm) =	ssettm $0x1  }
0x91: {  	s18 =	sld [smem:$0x3FFB];
	_ =	sdelay $0x3  }
0x92: {  	_ =	strace s18  }
0x93: {  	s3 =	sld [smem:$0x3FFC];
	_ =	sdelay $0x3  }
0x94: {  	_ =	strace s3  }
0x95: {  	s3 =	sld [smem:$0x3FFD];
	_ =	sdelay $0x3  }
0x96: {  	_ =	strace s3  }
0x97: {  	_ =	strace $0x8FFFFFFF  }
0x98: {  	s19 =	sld [smem:$0x3FDB];
	_ =	sdelay $0x1  }
0x99: {  	s4 =	simm.s32 $_scs_section_size  }
0x9a: {  	s5 =	simm.s32 $_size__tile_overlayer_lowered;
	s6 =	simm.s32 $_tile_overlayer_lowered  }
0x9b: {  	s22 =	simm.s32 $0x1BFF;
	s21 =	sshll.u32 s6, $0x1;
	s3 =	sadd.s32 s4, s19  }
0x9c: {  	s7 =	simm.s32 $0x0;
	s20 =	sshll.u32 s5, $0x1;
	s5 =	sadd.s32 s21, s3  }
0x9d: {  	[timem:s7], [sflag:s22] =	dma.local [hbm:s5], s20  }
0x9e: {  	_ =	swait.ge [sflag:s22], s20  }
0x9f: {  	s4 =	ssub.s32 $0x0, s20;
	[sflag:s22] =	ssyncset.done $0x0  }
0xa0: {  	[sflag:s22] =	ssyncadd.s32 s4;
	_ =	sdelay $0x1  }
0xa1: {  	s23 =	simm.s32 $0x1B8B  }
0xa2: {  	_ =	swait.ge [sflag:s23], $0x1  }
0xa3: {  	[sflag:s23] =	ssyncset.done $0x0  }
0xa4: {  	s25 =	simm.s32 $0x1B8E;
	s24 =	sld [smem:$0x3FFE];
	[sflag:s23] =	ssyncadd.s32 $0xFFFFFFFF  }
0xa5: {  	s26 =	simm.s32 $execute0_lowered;
	[smem:$0x3FD2] =	sst s25  }
0xa6: {  	s5 =	sshll.u32 s26, $0x1;
	_ =	strace $0x80000046;
	[dreg:$0x1] =	wrdreg $0xFFFFFFFF  }
0xa7: {  	s28 =	simm.s32 $_size_execute0_lowered;
	s3 =	sadd.s32 s3, s5;
	[dreg:$0x0] =	wrdreg $0x0  }
0xa8: {  	s5 =	sshll.u32 s28, $0x1;
	[dreg:$0x2] =	wrdreg s3  }
0xa9: {  	[dreg:$0x3] =	wrdreg s5  }
0xaa: {  	[dreg:$0x4] =	wrdreg $0xC0  }
0xab: {  	_ =	task [dreg:s7], $0x5FFFF  }
0xac: {  	[dreg:$0x1] =	wrdreg $0xFFFFFFFF  }
0xad: {  	[dreg:$0x0] =	wrdreg $0x60  }
0xae: {  	[dreg:$0x2] =	wrdreg s24  }
0xaf: {  	[dreg:$0x3] =	wrdreg s2  }
0xb0: {  	[dreg:$0x4] =	wrdreg $0x9  }
0xb1: {  	_ =	task.clear_ibuf [dreg:s7], $0x5FFFF;
	_ =	strace $0x90000046  }
0xb2: {  	s29 =	simm.s32 $0x9;
	_ =	strace $0x80000048  }
0xb3: {  	_ =	swait.ge [sflag:s29], $0x1  }
0xb4: {  	[sflag:s29] =	ssyncadd.s32 $0xFFFFFFFF  }
0xb5: {  	_ =	strace $0x90000048  }
0xb6: {  	_ =	sfence  }
0xb7: {  	s30 =	sld [smem:$0x0];
	_ =	sdelay $0x2  }
0xb8: {  	s31 =	sshll.u32 s1, $0xD;
	s1 =	sshrl.u32 s1, $0x2  }
0xb9: {  	s3 =	sand.u32 $0x4000, s31;
	s1 =	sadd.s32 s1, s30  }
0xba: {  	s0 =	sor.u32 s3, s0;
	s1 =	sshll.u32 s1, $0x11  }
0xbb: {  	s0 =	sor.u32 s1, s0  }
0xbc: {  	s0 =	sadd.s32 $0x8F2B, s0  }
0xbd: {  	[sflag:s0] =	ssyncadd.remote.s32 $0x1  }
0xbe: {  	_ =	sfence.sel $0xFFFF  }
0xbf: {  	[dreg:$0x0] =	wrdreg $0xFFFFFFFF;
	(pc) =	sbr.abs _section_cstart, $3  }
0xc0: {  	[dreg:$0x1] =	wrdreg $0xFFFFFFFF  }
0xc1: {  	_ =	task.clear_ibuf [dreg:s7], $0x2FFFF;
	_ =	strace $0x9FFFFFFF  }
0xc2: {  	(tm) =	ssettm $0x7FFFFFFF  }
0xc3: {  	_ =	shalt  }
tec
execute0_lowered:
.L_overlay_start_1:
0x0: {  	(tag) =	ssettag $0x1  }
0x1: {  	s0 =	rddreg [dreg:$0x0]  }
0x2: {  	s1 =	rddreg [dreg:$0x1]  }
0x3: {  	s2 =	srdreg.scid;
	s3 =	simm.s32 $0x0;
	s15 =	simm.s32 $0x140  }
0x4: {  	s19 =	simm.s32 $0x0;
	s9 =	sand.u32 $0x1, s2;
	s2 =	stileid.u32  }
0x5: {  	[smem:$0x7FF] =	sst s3;
	s4 =	sadd.s32 $0x18C00, s0;
	s8 =	smul.u32 $0x2740, s9  }
0x6: {  	s5 =	sadd.s32 $0x67400, s0;
	s6 =	sadd.s32 $0x5200, s0;
	s10 =	smul.u32 $0x280, s2  }
0x7: {  	_ =	strace $0x80000047;
	s11 =	ssub.s32 $0x2, s9;
	s9 =	sshll.u32 s9, $0x4  }
0x8: {  	s13 =	sshrl.u32 s11, $0x1;
	s9 =	sor.u32 s2, s9;
	s7 =	sadd.s32 s10, s8  }
.Ltmp0:
0x9: {  	s14 =	smin.u32 s10, $0x24C0;
	s11 =	ssub.s32 s11, s13;
	(pc) =	sbr.rel .LBB2_1-.Ltmp0, $4  }
0xa: {  	s13 =	simm.s32 $0x1;
	s12 =	sshll.u32 s7, $0x4;
	s31 =	sadd.s32 $0x280, s14  }
0xb: {  	s11 =	smax.u32 s11, $0x1;
	s14 =	simm.s32 $0x80;
	s0 =	sadd.s32 s12, s0  }
0xc: {  	s8 =	sadd.s32 s31, s8;
	s16 =	ssub.s32 s31, s10;
	s12 =	simm.s32 $0x110  }
0xd: {  	v0 =	vimm.f32 $0.0e+00;
	s10 =	sadd.s32 $0x7AE00, s0;
	p0 =	sne.s32 s16, $0x280;
	s16 =	simm.s32 $0x0  }
.LBB2_9:
0xe: {  	s0 =	simm.s32 @p0 $0x0;
	s17 =	simm.s32 @p0 $0x4140  }
0xf: {  	[hbm4b:s10+s0] =	stream.linear.scatter @p0 [tilespmem:s17], [sflag:$0x1], $0xE000, $0x38;
	[tilespmem:$0x18140] =	vst v63  }
0x10: {  	s0 =	simm.s32 @p0 $0x1  }
0x11: {  	_ =	swait.ge @p0 [sflag:s0], $0xE000  }
0x12: {  	s16 =	sadd.s32 $0x1, s16;
	s17 =	simm.s32 @!p0 $0x4140;
	[sflag:s0] =	ssyncset.done @p0 $0x0  }
0x13: {  	p1 =	sne.s32 s16, s11;
	[sflag:s0] =	ssyncadd.s32 @p0 $0xFFFF2000;
	s0 =	simm.s32 @!p0 $0x0  }
0x14: {  	[hbm4b:s10+s0] =	stream.linear.scatter @!p0 [tilespmem:s17], [sflag:$0x1], $0x14000, $0x38;
	[tilespmem:$0x18140] =	vst v63  }
.Ltmp1:
0x15: {  	_ = 	snop;
	(pc) =	sbr.rel @!p1 .LBB2_10-.Ltmp1, $4  }
0x16: {  	s0 =	simm.s32 @!p0 $0x1  }
0x17: {  	_ =	swait.ge @!p0 [sflag:s0], $0x14000  }
0x18: {  	[sflag:s0] =	ssyncset.done @!p0 $0x0  }
0x19: {  	[sflag:s0] =	ssyncadd.s32 @!p0 $0xFFFEC000  }
.LBB2_1:
0x1a: {  	[tilespmem:s12], [sflag:$0x1] =	stream.linear.gather [hbm4b:s1+s3], $0x30, $0x38;
	[tilespmem:$0x18140] =	vst v63  }
0x1b: {  	_ =	swait.ge [sflag:s13], $0x30  }
0x1c: {  	[sflag:s13] =	ssyncset.done $0x0  }
0x1d: {  	s0 =	simm.s32 $0x40;
	s17 =	simm.s32 $0x0;
	[sflag:s13] =	ssyncadd.s32 $0xFFFFFFD0  }
.LBB2_2:
0x1e: {  	p1 =	sne.s32 s0, $0x4FFC0;
	[tilespmem:s17+$0x4140] =	vst v0;
	s17 =	smov.u32 s0;
	s0 =	sadd.s32 $0x40, s0  }
.Ltmp2:
0x1f: {  	(pc) =	sbr.rel @p1 .LBB2_2-.Ltmp2, $2  }
0x20: {  	_ =	sdelay $0x2  }
0x21: {  	s17 =	sshra.s32 s17, $0x2  }
0x22: {  	[tilespmem:s17+$0x4140] =	vst v0  }
0x23: {  	v1 =	vld [tilespmem:s9+$0x110];
	_ =	sdelay $0x4  }
0x24: {  	(v2sf) =	vpush v1, $0x0;
	_ =	sdelay $0x6  }
0x25: {  	(v2sf) =	vpush v1, $0x1;
	_ =	sdelay $0x7  }
0x26: {  	s0 =	spop (v2sf)  }
0x27: {  	s26 =	sand.u32 $0x7, s0  }
0x28: {  	s18 =	sshra.s32 s0, $0x1F;
	p1 =	slt.s32 s0, $0x1;
	p2 =	sne.s32 s26, $0x0  }
0x29: {  	s28 =	sshrl.u32 s18, $0x1D;
	p1 =	por !p1, !p2  }
0x2a: {  	s17 =	simm.s32 $0x1;
	s0 =	sadd.s32 s28, s0;
	p1 =	por !p1, !p1  }
0x2b: {  	s0 =	sshrl.u32 s0, $0x3;
	s17 =	simm.s32 @!p1 $0x0  }
0x2c: {  	s0 =	ssub.s32 s0, s17  }
0x2d: {  	s29 =	spop (v2sf);
	s17 =	sshll.u32 s0, $0x3  }
0x2e: {  	s0 =	ssub.s32 s29, s17  }
0x2f: {  	s0 =	sadd.s32 $0x7F, s0  }
0x30: {  	s30 =	sand.u32 $0x7F, s0  }
0x31: {  	s31 =	sshra.s32 s0, $0x1F;
	p6 =	slt.s32 s0, $0x1;
	p5 =	sne.s32 s30, $0x0  }
0x32: {  	s18 =	sshrl.u32 s31, $0x19;
	p1 =	por !p6, !p5  }
0x33: {  	s0 =	sadd.s32 s18, s0;
	s18 =	simm.s32 $0x1;
	p1 =	por !p1, !p1  }
0x34: {  	s0 =	sshra.s32 s0, $0x7;
	s18 =	simm.s32 @!p1 $0x0  }
0x35: {  	s18 =	ssub.s32 s0, s18  }
0x36: {  	p1 =	slt.s32 s18, $0x1  }
.Ltmp3:
0x37: {  	_ = 	snop;
	(pc) =	sbr.rel @p1 .LBB2_9-.Ltmp3, $1  }
0x38: {  	_ =	sdelay $0x3  }
0x39: {  	v2 =	vimm.f32 $0.0e+00;
	v8 =	vimm.f32 $0.0e+00  }
0x3a: {  	v4 =	vimm.f32 $0.0e+00;
	v3 =	vimm.f32 $0.0e+00;
	v7 =	vimm.f32 $0.0e+00  }
0x3b: {  	s22 =	simm.s32 $0xFFFFFFFF;
	v6 =	vimm.f32 $0.0e+00;
	v5 =	vimm.f32 $0.0e+00;
	v1 =	vimm.f32 $0.0e+00;
	s20 =	simm.s32 $0x0  }
.LBB2_5:
0x3c: {  	s0 =	sshll.u32 s20, $0x7  }
0x3d: {  	s0 =	sadd.s32 s17, s0  }
0x3e: {  	s0 =	sshrl.u32 s0, $0x3  }
0x3f: {  	s21 =	sadd.s32 s5, s0  }
0x40: {  	[tilespmem:s19], [sflag:$0x1] =	stream.linear.gather [hbm4b:s21+s19], $0x80, $0x38;
	[tilespmem:$0x18140] =	vst v63  }
0x41: {  	_ =	swait.ge [sflag:s13], $0x80  }
0x42: {  	[sflag:s13] =	ssyncset.done $0x0  }
0x43: {  	s0 =	sadd.s32 s6, s0;
	[sflag:s13] =	ssyncadd.s32 $0xFFFFFF80  }
0x44: {  	[tilespmem:s14], [sflag:$0x1] =	stream.linear.gather [hbm4b:s0+s19], $0x80, $0x38;
	[tilespmem:$0x18140] =	vst v63  }
0x45: {  	_ =	swait.ge [sflag:s13], $0x80  }
0x46: {  	[sflag:s13] =	ssyncset.done $0x0  }
0x47: {  	[sflag:s13] =	ssyncadd.s32 $0xFFFFFF80  }
0x48: {  	[tilespmem:s15], [sflag:$0x1] =	stream.indirect.gather [hbm4b:s4+s14], $0x80, s19, s14, $0xb8;
	[tilespmem:$0x18140] =	vst v63  }
0x49: {  	_ =	swait.ge [sflag:s13], $0x4000  }
0x4a: {  	[sflag:s13] =	ssyncset.done $0x0  }
0x4b: {  	s30 =	simm.s32 $0x0;
	[sflag:s13] =	ssyncadd.s32 $0xFFFFC000  }
0x4c: {  	v9 =	vld [tilespmem:s30+$0x80];
	_ =	sdelay $0x4  }
0x4d: {  	(v2sf) =	vpush v9, $0x0;
	_ =	sdelay $0xe  }
0x4e: {  	s29 =	spop (v2sf)  }
0x4f: {  	p1 =	sge.s32 s29, s7;
	p2 =	slt.s32 s29, s8  }
0x50: {  	p1 =	por !p1, !p2;
	p2 =	slt.s32 s22, $0x0  }
0x51: {  	p1 =	por !p1, !p1;
	p3 =	seq.s32 @!p2 s29, s22  }
0x52: {  	p3 =	por @!p2 !p1, p3  }
0x53: {  	p3 =	por p3, p2  }
0x54: {  	s0 =	ssub.s32 @!p3 s22, s7  }
0x55: {  	s0 =	sshll.u32 @!p3 s0, $0x9  }
0x56: {  	s0 =	sshra.s32 @!p3 s0, $0x2  }
0x57: {  	[tilespmem:s0+$0x41B0] =	vst @!p3 v2  }
0x58: {  	[tilespmem:s0+$0x41A0] =	vst @!p3 v8  }
0x59: {  	[tilespmem:s0+$0x4190] =	vst @!p3 v4  }
0x5a: {  	[tilespmem:s0+$0x4180] =	vst @!p3 v3  }
0x5b: {  	s25 =	simm.s32 $0x180;
	s26 =	simm.s32 $0x1;
	[tilespmem:s0+$0x4170] =	vst @!p3 v7  }
0x5c: {  	s28 =	simm.s32 $0xC;
	s23 =	smov.u32 s22;
	s31 =	simm.s32 $0x2;
	[tilespmem:s0+$0x4160] =	vst @!p3 v6  }
0x5d: {  	s24 =	simm.s32 $0x200;
	s21 =	simm.s32 $0x200;
	s23 =	smov.u32 @p1 s29;
	[tilespmem:s0+$0x4140] =	vst @!p3 v1  }
.LBB2_6:
0x5e: {  	s21 =	sadd.s32 $0x80, s21;
	[tilespmem:s0+$0x4150] =	vst @!p3 v5;
	s30 =	smov.u32 s28;
	s28 =	sadd.s32 $0x4, s28  }
0x5f: {  	p2 =	sne.s32 s28, $0x200;
	v9 =	vld [tilespmem:s26+$0x80];
	s26 =	smov.u32 s31  }
0x60: {  	v10 =	vld [tilespmem:s25+$0x30]  }
0x61: {  	v11 =	vld [tilespmem:s25+$0xFFFFFFC0]  }
0x62: {  	v12 =	vld [tilespmem:s25+$0x20]  }
0x63: {  	v13 =	vld [tilespmem:s25+$0x10]  }
0x64: {  	(v2sf) =	vpush v9, $0x0;
	v9 =	vld [tilespmem:s25+$0xFFFFFFE0]  }
0x65: {  	v14 =	vld [tilespmem:s25+$0x0];
	v15 =	vadd.f32 v10, v2  }
0x66: {  	p3 =	sne.s32 s29, s22;
	s22 =	smov.u32 s23;
	v16 =	vadd.f32 v11, v1;
	v17 =	vld [tilespmem:s25+$0xFFFFFFF0]  }
0x67: {  	v18 =	vld [tilespmem:s25+$0xFFFFFFD0];
	v10 =	vpsel p3, v10, v15;
	s25 =	smov.u32 s24;
	s24 =	smov.u32 s21  }
0x68: {  	v11 =	vpsel p3, v11, v16;
	v2 =	vpsel p1, v10, v2  }
0x69: {  	v1 =	vpsel p1, v11, v1;
	v10 =	vadd.f32 v9, v6  }
0x6a: {  	v15 =	vadd.f32 v13, v4;
	v11 =	vadd.f32 v14, v3  }
0x6b: {  	v16 =	vadd.f32 v12, v8;
	v9 =	vpsel p3, v9, v10;
	v10 =	vadd.f32 v17, v7  }
0x6c: {  	v13 =	vpsel p3, v13, v15;
	v19 =	vadd.f32 v18, v5;
	v11 =	vpsel p3, v14, v11  }
0x6d: {  	v4 =	vpsel p1, v13, v4;
	v3 =	vpsel p1, v11, v3;
	v11 =	vpsel p3, v12, v16  }
0x6e: {  	v10 =	vpsel p3, v17, v10;
	v12 =	vpsel p3, v18, v19;
	v8 =	vpsel p1, v11, v8  }
0x6f: {  	v6 =	vpsel p1, v9, v6;
	v7 =	vpsel p1, v10, v7;
	v5 =	vpsel p1, v12, v5;
	_ =	sdelay $0x3  }
0x70: {  	s29 =	spop (v2sf)  }
0x71: {  	p1 =	sge.s32 s29, s7;
	p3 =	slt.s32 s29, s8  }
0x72: {  	p1 =	por !p1, !p3;
	p3 =	slt.s32 s23, $0x0  }
0x73: {  	p1 =	por !p1, !p1;
	p4 =	seq.s32 @!p3 s29, s23  }
0x74: {  	p4 =	por @!p3 !p1, p4;
	s23 =	smov.u32 @p1 s29  }
0x75: {  	p3 =	por p4, p3  }
0x76: {  	s0 =	ssub.s32 @!p3 s22, s7  }
0x77: {  	s0 =	sshll.u32 @!p3 s0, $0x9  }
0x78: {  	s0 =	sshra.s32 @!p3 s0, $0x2  }
0x79: {  	[tilespmem:s0+$0x41B0] =	vst @!p3 v2  }
0x7a: {  	[tilespmem:s0+$0x41A0] =	vst @!p3 v8  }
.Ltmp4:
0x7b: {  	[tilespmem:s0+$0x4190] =	vst @!p3 v4;
	(pc) =	sbr.rel @p2 .LBB2_6-.Ltmp4, $4  }
0x7c: {  	[tilespmem:s0+$0x4180] =	vst @!p3 v3  }
0x7d: {  	[tilespmem:s0+$0x4170] =	vst @!p3 v7  }
0x7e: {  	s31 =	sshra.s32 s30, $0x2;
	[tilespmem:s0+$0x4160] =	vst @!p3 v6  }
0x7f: {  	[tilespmem:s0+$0x4140] =	vst @!p3 v1  }
0x80: {  	[tilespmem:s0+$0x4150] =	vst @!p3 v5  }
0x81: {  	v9 =	vld [tilespmem:s26+$0x80];
	_ =	sdelay $0x4  }
0x82: {  	(v2sf) =	vpush v9, $0x0;
	_ =	sdelay $0xe  }
0x83: {  	v9 =	vld [tilespmem:s25+$0x30];
	s26 =	spop (v2sf)  }
0x84: {  	v10 =	vld [tilespmem:s25+$0x20];
	p2 =	sge.s32 s26, s7;
	p5 =	slt.s32 s26, s8  }
0x85: {  	p3 =	slt.s32 s23, $0x0;
	v11 =	vld [tilespmem:s25+$0x10];
	p2 =	por !p2, !p5  }
0x86: {  	v12 =	vld [tilespmem:s25+$0x0];
	p4 =	seq.s32 @!p3 s26, s23;
	p2 =	por !p2, !p2  }
0x87: {  	v13 =	vld [tilespmem:s25+$0xFFFFFFF0];
	p4 =	por @!p3 !p2, p4  }
0x88: {  	v14 =	vld [tilespmem:s25+$0xFFFFFFE0];
	v15 =	vadd.f32 v9, v2;
	p3 =	por p4, p3  }
0x89: {  	p6 =	sne.s32 s29, s22;
	v16 =	vld [tilespmem:s25+$0xFFFFFFC0];
	v17 =	vadd.f32 v10, v8;
	s0 =	ssub.s32 @!p3 s23, s7  }
0x8a: {  	v18 =	vld [tilespmem:s25+$0xFFFFFFD0];
	v40 =	vadd.f32 v11, v4;
	v9 =	vpsel p6, v9, v15;
	s0 =	sshll.u32 @!p3 s0, $0x9  }
0x8b: {  	v10 =	vpsel p6, v10, v17;
	v2 =	vpsel p1, v9, v2;
	v9 =	vadd.f32 v12, v3;
	s0 =	sshra.s32 @!p3 s0, $0x2  }
0x8c: {  	v41 =	vadd.f32 v13, v7;
	v11 =	vpsel p6, v11, v40;
	v8 =	vpsel p1, v10, v8;
	[tilespmem:s0+$0x41B0] =	vst @!p3 v2  }
0x8d: {  	v10 =	vadd.f32 v14, v6;
	v4 =	vpsel p1, v11, v4;
	v9 =	vpsel p6, v12, v9;
	[tilespmem:s0+$0x41A0] =	vst @!p3 v8  }
0x8e: {  	v11 =	vadd.f32 v16, v1;
	v3 =	vpsel p1, v9, v3;
	v9 =	vpsel p6, v13, v41;
	[tilespmem:s0+$0x4190] =	vst @!p3 v4  }
0x8f: {  	v42 =	vadd.f32 v18, v5;
	v10 =	vpsel p6, v14, v10;
	v7 =	vpsel p1, v9, v7;
	[tilespmem:s0+$0x4180] =	vst @!p3 v3  }
0x90: {  	v6 =	vpsel p1, v10, v6;
	v9 =	vpsel p6, v16, v11;
	[tilespmem:s0+$0x4170] =	vst @!p3 v7  }
0x91: {  	v1 =	vpsel p1, v9, v1;
	v9 =	vpsel p6, v18, v42;
	[tilespmem:s0+$0x4160] =	vst @!p3 v6  }
0x92: {  	v5 =	vpsel p1, v9, v5;
	[tilespmem:s0+$0x4140] =	vst @!p3 v1  }
0x93: {  	[tilespmem:s0+$0x4150] =	vst @!p3 v5  }
0x94: {  	v9 =	vld [tilespmem:s31+$0x80];
	_ =	sdelay $0x4  }
0x95: {  	(v2sf) =	vpush v9, $0x0;
	_ =	sdelay $0xe  }
0x96: {  	s22 =	smov.u32 s23;
	v9 =	vld [tilespmem:s24+$0x30];
	s25 =	spop (v2sf)  }
0x97: {  	s22 =	smov.u32 @p2 s26;
	v10 =	vld [tilespmem:s24+$0x20];
	p3 =	sge.s32 s25, s7;
	p4 =	slt.s32 s25, s8  }
0x98: {  	v11 =	vld [tilespmem:s24+$0x10];
	p1 =	por !p3, !p4;
	p3 =	slt.s32 s22, $0x0  }
0x99: {  	v43 =	vld [tilespmem:s24+$0x0];
	p1 =	por !p1, !p1;
	p4 =	seq.s32 @!p3 s25, s22  }
0x9a: {  	v44 =	vld [tilespmem:s24+$0xFFFFFFF0];
	p4 =	por @!p3 !p1, p4  }
0x9b: {  	v45 =	vld [tilespmem:s24+$0xFFFFFFE0];
	v46 =	vadd.f32 v9, v2;
	p3 =	por p4, p3  }
0x9c: {  	p5 =	sne.s32 s26, s23;
	v47 =	vld [tilespmem:s24+$0xFFFFFFC0];
	v48 =	vadd.f32 v10, v8;
	s0 =	ssub.s32 @!p3 s22, s7  }
0x9d: {  	v49 =	vld [tilespmem:s24+$0xFFFFFFD0];
	v50 =	vadd.f32 v11, v4;
	v9 =	vpsel p5, v9, v46;
	s0 =	sshll.u32 @!p3 s0, $0x9  }
0x9e: {  	v10 =	vpsel p5, v10, v48;
	v2 =	vpsel p2, v9, v2;
	v9 =	vadd.f32 v43, v3;
	s0 =	sshra.s32 @!p3 s0, $0x2  }
0x9f: {  	v51 =	vadd.f32 v44, v7;
	v11 =	vpsel p5, v11, v50;
	v8 =	vpsel p2, v10, v8;
	[tilespmem:s0+$0x41B0] =	vst @!p3 v2  }
0xa0: {  	v10 =	vadd.f32 v45, v6;
	v4 =	vpsel p2, v11, v4;
	v9 =	vpsel p5, v43, v9;
	[tilespmem:s0+$0x41A0] =	vst @!p3 v8  }
0xa1: {  	v11 =	vadd.f32 v47, v1;
	v3 =	vpsel p2, v9, v3;
	v9 =	vpsel p5, v44, v51;
	[tilespmem:s0+$0x4190] =	vst @!p3 v4  }
0xa2: {  	v52 =	vadd.f32 v49, v5;
	v10 =	vpsel p5, v45, v10;
	v7 =	vpsel p2, v9, v7;
	[tilespmem:s0+$0x4180] =	vst @!p3 v3  }
0xa3: {  	v6 =	vpsel p2, v10, v6;
	v9 =	vpsel p5, v47, v11;
	[tilespmem:s0+$0x4170] =	vst @!p3 v7  }
0xa4: {  	v10 =	vpsel p5, v49, v52;
	v1 =	vpsel p2, v9, v1;
	[tilespmem:s0+$0x4160] =	vst @!p3 v6  }
0xa5: {  	v5 =	vpsel p2, v10, v5;
	[tilespmem:s0+$0x4140] =	vst @!p3 v1  }
0xa6: {  	s21 =	sadd.s32 $0x80, s21;
	[tilespmem:s0+$0x4150] =	vst @!p3 v5  }
0xa7: {  	v9 =	vld [tilespmem:s21+$0x30]  }
0xa8: {  	v10 =	vld [tilespmem:s21+$0xFFFFFFC0]  }
0xa9: {  	v11 =	vld [tilespmem:s21+$0x20]  }
0xaa: {  	v53 =	vld [tilespmem:s21+$0x10]  }
0xab: {  	v57 =	vld [tilespmem:s21+$0xFFFFFFF0]  }
0xac: {  	v54 =	vld [tilespmem:s21+$0xFFFFFFE0]  }
0xad: {  	v55 =	vld [tilespmem:s21+$0x0]  }
0xae: {  	v59 =	vld [tilespmem:s21+$0xFFFFFFD0];
	v56 =	vadd.f32 v9, v2  }
0xaf: {  	p6 =	sne.s32 s25, s22;
	v58 =	vadd.f32 v10, v1;
	v60 =	vadd.f32 v53, v4  }
0xb0: {  	s20 =	sadd.s32 $0x1, s20;
	v61 =	vadd.f32 v57, v7;
	v62 =	vadd.f32 v11, v8;
	v9 =	vpsel p6, v9, v56  }
0xb1: {  	p2 =	sne.s32 s20, s18;
	v10 =	vpsel p6, v10, v58;
	v12 =	vpsel p6, v53, v60;
	v2 =	vpsel p1, v9, v2  }
.Ltmp5:
0xb2: {  	v9 =	vadd.f32 v54, v6;
	v1 =	vpsel p1, v10, v1;
	v10 =	vadd.f32 v55, v3;
	(pc) =	sbr.rel @p2 .LBB2_5-.Ltmp5, $4  }
0xb3: {  	v19 =	vadd.f32 v59, v5;
	v63 =	vpsel p6, v57, v61;
	v4 =	vpsel p1, v12, v4  }
0xb4: {  	v7 =	vpsel p1, v63, v7;
	v9 =	vpsel p6, v54, v9;
	v10 =	vpsel p6, v55, v10  }
0xb5: {  	v3 =	vpsel p1, v10, v3;
	v10 =	vpsel p6, v11, v62;
	v11 =	vpsel p6, v59, v19  }
0xb6: {  	s22 =	smov.u32 @p1 s25;
	v6 =	vpsel p1, v9, v6;
	v8 =	vpsel p1, v10, v8;
	v5 =	vpsel p1, v11, v5  }
0xb7: {  	p1 =	slt.s32 s22, $0x0  }
0xb8: {  	s0 =	ssub.s32 @!p1 s22, s7  }
0xb9: {  	s0 =	sshll.u32 @!p1 s0, $0x9  }
0xba: {  	s0 =	sshra.s32 @!p1 s0, $0x2  }
0xbb: {  	[tilespmem:s0+$0x4140] =	vst @!p1 v1  }
0xbc: {  	[tilespmem:s0+$0x4150] =	vst @!p1 v5  }
0xbd: {  	[tilespmem:s0+$0x4160] =	vst @!p1 v6  }
.Ltmp6:
0xbe: {  	[tilespmem:s0+$0x4170] =	vst @!p1 v7;
	(pc) =	sbr.rel .LBB2_9-.Ltmp6, $4  }
0xbf: {  	[tilespmem:s0+$0x4180] =	vst @!p1 v3  }
0xc0: {  	[tilespmem:s0+$0x4190] =	vst @!p1 v4  }
0xc1: {  	[tilespmem:s0+$0x41A0] =	vst @!p1 v8  }
0xc2: {  	[tilespmem:s0+$0x41B0] =	vst @!p1 v2  }
.LBB2_10:
0xc3: {  	_ =	sfence.sel $0x180000  }
0xc4: {  	[bflag:$0x0] =	sbarrier.arrive $0xFFFF  }
0xc5: {  	_ =	strace $0x90000047  }
0xc6: {  	[bflag:$0x2] =	sbarrier.arrive $0xFFFF  }
0xc7: {  	p0 =	sne.s32 s2, $0x0;
	s0 =	rddreg [dreg:$0x2]  }
0xc8: {  	s0 =	sadd.s32 @!p0 $0x100000, s0  }
0xc9: {  	[sflag:s0] =	ssyncadd.tile.s32 @!p0 $0x1;
	_ =	shalt  }
.Lfunc_end2:
_tile_overlayer_lowered:
.L_overlay_start_2:
0xca: {  	(tag) =	ssettag $0x2  }
0xcb: {  	s0 =	rddreg [dreg:$0x0];
	s2 =	stileid.u32  }
0xcc: {  	s1 =	rddreg [dreg:$0x1];
	p0 =	sne.s32 s2, $0x0  }
0xcd: {  	s3 =	rddreg [dreg:$0x2];
	[bflag:$0x3] =	sbarrier.arrive $0xFFFF;
	s2 =	simm.s32 @!p0 $0x1C01  }
0xce: {  	[timem:s3], [sflag:s2] =	dma.local @!p0 [hbm:s0], s1  }
0xcf: {  	s0 =	simm.s32 @!p0 $0x1  }
0xd0: {  	_ =	swait.ge @!p0 [sflag:s0], s1  }
0xd1: {  	s1 =	ssub.s32 @!p0 $0x0, s1;
	[sflag:s0] =	ssyncset.done @!p0 $0x0  }
0xd2: {  	[sflag:s0] =	ssyncadd.s32 @!p0 s1  }
0xd3: {  	[bflag:$0x3] =	sbarrier.arrive $0xFFFF  }
0xd4: {  	_ =	shalt  }

// kernel: kernel.14.cloned.1.call-start
scs
__scs_entry_jumppad:
0x0: {  	(pc) =	sbr.rel $0x88, $3  }
0x1: {  	(tag) =	ssettag $0x0;
	lr =	simm.s32 $0x1  }
0x2: {  	[smem:$0x3F73] =	sst lr;
	_ =	strace $0xD0000000  }
0x3: {  	_ = 	snop  }
0x4: {  	_ = 	snop  }
0x5: {  	_ = 	snop  }
0x6: {  	_ = 	snop  }
0x7: {  	_ = 	snop  }
__scs_overlays_trampoline_lowered:
0x8: {  	[smem:$0x3F82] =	sst s0  }
0x9: {  	[smem:$0x3F83] =	sst s1  }
0xa: {  	[smem:$0x3F84] =	sst s2  }
0xb: {  	[smem:$0x3F85] =	sst s3  }
0xc: {  	[smem:$0x3F86] =	sst s4  }
0xd: {  	[smem:$0x3F87] =	sst s5  }
0xe: {  	[smem:$0x3F88] =	sst s6  }
0xf: {  	[smem:$0x3F89] =	sst s7  }
0x10: {  	[smem:$0x3F8A] =	sst s8  }
0x11: {  	[smem:$0x3F8B] =	sst s9;
	s0 =	simm.s32 @!p0 $0x0  }
0x12: {  	s1 =	sld [smem:$0x3F71];
	s0 =	simm.s32 @p0 $0x1  }
0x13: {  	[smem:$0x3F8C] =	sst s0;
	s0 =	simm.s32 @!p1 $0x0  }
0x14: {  	s2 =	sld [smem:$0x3F70];
	s0 =	simm.s32 @p1 $0x1  }
0x15: {  	[smem:$0x3F8D] =	sst s0;
	s0 =	simm.s32 @!p2 $0x0  }
0x16: {  	s3 =	sld [smem:$0x3FDB];
	s0 =	simm.s32 @p2 $0x1  }
0x17: {  	s4 =	simm.s32 $0x1BF5;
	[smem:$0x3F8F] =	sst s0  }
0x18: {  	s0 =	sld [smem:$0x3F72];
	_ =	swait.ge [sflag:s4], $0x0  }
0x19: {  	s7 =	sld [smem:$0x3F73]  }
0x1a: {  	s8 =	sadd.s32 $0xFFFFE003, lr  }
0x1b: {  	s9 =	sadd.s32 $0xFFFFFEF7, lr;
	s5 =	simm.s32 $0xFFFFFFFF;
	p2 =	slt.u32 s8, $0xFFFFF086  }
0x1c: {  	p1 =	slt.u32 s9, $0xF7A;
	s5 =	simm.s32 @!p2 $0x0  }
0x1d: {  	s5 =	simm.s32 @p1 $0x1;
	p0 =	seq.s32 s7, s2  }
0x1e: {  	s7 =	smul.u32 @!p0 $0xF7A, s2;
	p2 =	seq.s32 @!p0 s5, $0x0  }
0x1f: {  	s9 =	smul.u32 $0xF7A, s1;
	s8 =	simm.s32 @!p0 $0x1BF5;
	p2 =	por !p2, p0  }
0x20: {  	[sflag:s8] =	ssyncset.s32 @!p0 $0xFFFFF086;
	s6 =	sadd.s32 @!p0 s3, s7;
	s7 =	simm.s32 @!p0 $0x108  }
0x21: {  	s3 =	sadd.s32 s3, s9;
	s6 =	sadd.s32 @!p0 $0x88, s6;
	s7 =	simm.s32 @p2 $0x1082  }
0x22: {  	[simem:s7], [sflag:s8] =	dma.local @!p0 [hbm:s6], $0xF7A  }
0x23: {  	s9 =	sor.u32 $0xD0000000, s2;
	s6 =	simm.s32 $0x108;
	_ =	swait.ge @!p0 [sflag:s8], $0x0  }
0x24: {  	s3 =	sadd.s32 $0x88, s3;
	s6 =	simm.s32 @!p1 $0x1082;
	[sflag:s4] =	ssyncset.s32 $0xFFFFF086  }
0x25: {  	[simem:s6], [sflag:s4] =	dma.local [hbm:s3], $0xF7A  }
0x26: {  	[smem:$0x3F73] =	sst s1;
	(tag) =	ssettag s2;
	_ =	strace s9  }
0x27: {  	s1 =	sld [smem:$0x3F83]  }
0x28: {  	s2 =	sld [smem:$0x3F84]  }
0x29: {  	s4 =	sld [smem:$0x3F86]  }
0x2a: {  	p0 =	seq.s32 s5, $0x0;
	s5 =	sld [smem:$0x3F87]  }
0x2b: {  	s6 =	sld [smem:$0x3F88]  }
0x2c: {  	s7 =	sld [smem:$0x3F89]  }
0x2d: {  	s3 =	simm.s32 $0x108;
	s8 =	sld [smem:$0x3F8A]  }
0x2e: {  	s3 =	simm.s32 @!p0 $0x1082;
	s9 =	sld [smem:$0x3F8B]  }
0x2f: {  	lr =	sadd.s32 s0, s3;
	s0 =	sld [smem:$0x3F82]  }
0x30: {  	s3 =	sld [smem:$0x3F85]  }
0x31: {  	[smem:$0x3F8E] =	sst s10  }
0x32: {  	s10 =	sld [smem:$0x3F8C];
	_ =	sdelay $0x3  }
0x33: {  	p0 =	seq.s32 s10, $0x1;
	s10 =	sld [smem:$0x3F8E];
	_ =	sdelay $0x3  }
0x34: {  	[smem:$0x3F8E] =	sst s10  }
0x35: {  	s10 =	sld [smem:$0x3F8D];
	_ =	sdelay $0x3  }
0x36: {  	p1 =	seq.s32 s10, $0x1;
	s10 =	sld [smem:$0x3F8E];
	_ =	sdelay $0x3  }
0x37: {  	[smem:$0x3F8E] =	sst s10  }
0x38: {  	s10 =	sld [smem:$0x3F8F]  }
0x39: {  	_ = 	snop;
	(pc) =	sbr.ind lr, $3  }
0x3a: {  	_ = 	snop  }
0x3b: {  	_ = 	snop  }
0x3c: {  	p2 =	seq.s32 s10, $0x1;
	s10 =	sld [smem:$0x3F8E]  }
0x3d: {  	_ =	shalt  }
0x3e: {  	_ =	shalt  }
0x3f: {  	_ =	shalt  }
0x40: {  	_ =	shalt  }
0x41: {  	_ =	shalt  }
0x42: {  	_ =	shalt  }
0x43: {  	_ =	shalt  }
0x44: {  	_ =	shalt  }
0x45: {  	_ =	shalt  }
0x46: {  	_ =	shalt  }
0x47: {  	_ =	shalt  }
0x48: {  	_ =	shalt  }
0x49: {  	_ =	shalt  }
0x4a: {  	_ =	shalt  }
0x4b: {  	_ =	shalt  }
0x4c: {  	_ =	shalt  }
0x4d: {  	_ =	shalt  }
0x4e: {  	_ =	shalt  }
0x4f: {  	_ =	shalt  }
0x50: {  	_ =	shalt  }
0x51: {  	_ =	shalt  }
0x52: {  	_ =	shalt  }
0x53: {  	_ =	shalt  }
0x54: {  	_ =	shalt  }
0x55: {  	_ =	shalt  }
0x56: {  	_ =	shalt  }
0x57: {  	_ =	shalt  }
0x58: {  	_ =	shalt  }
0x59: {  	_ =	shalt  }
0x5a: {  	_ =	shalt  }
0x5b: {  	_ =	shalt  }
0x5c: {  	_ =	shalt  }
0x5d: {  	_ =	shalt  }
0x5e: {  	_ =	shalt  }
0x5f: {  	_ =	shalt  }
0x60: {  	_ =	shalt  }
0x61: {  	_ =	shalt  }
0x62: {  	_ =	shalt  }
0x63: {  	_ =	shalt  }
0x64: {  	_ =	shalt  }
0x65: {  	_ =	shalt  }
0x66: {  	_ =	shalt  }
0x67: {  	_ =	shalt  }
0x68: {  	_ =	shalt  }
0x69: {  	_ =	shalt  }
0x6a: {  	_ =	shalt  }
0x6b: {  	_ =	shalt  }
0x6c: {  	_ =	shalt  }
0x6d: {  	_ =	shalt  }
0x6e: {  	_ =	shalt  }
0x6f: {  	_ =	shalt  }
0x70: {  	_ =	shalt  }
0x71: {  	_ =	shalt  }
0x72: {  	_ =	shalt  }
0x73: {  	_ =	shalt  }
0x74: {  	_ =	shalt  }
0x75: {  	_ =	shalt  }
0x76: {  	_ =	shalt  }
0x77: {  	_ =	shalt  }
0x78: {  	_ =	shalt  }
0x79: {  	_ =	shalt  }
0x7a: {  	_ =	shalt  }
0x7b: {  	_ =	shalt  }
0x7c: {  	_ =	shalt  }
0x7d: {  	_ =	shalt  }
0x7e: {  	_ =	shalt  }
0x7f: {  	_ =	shalt  }
0x80: {  	_ =	shalt  }
0x81: {  	_ =	shalt  }
0x82: {  	_ =	shalt  }
0x83: {  	_ =	shalt  }
0x84: {  	_ =	shalt  }
0x85: {  	_ =	shalt  }
0x86: {  	_ =	shalt  }
0x87: {  	_ =	shalt  }
.Lfunc_end0:
.L_simem_size_0:
called_computation.1_lowered:
.L_overlay_start_0:
0x88: {  	s2 =	sld [smem:$0x3FD9]  }
0x89: {  	s3 =	sld [smem:$0x3FFE];
	_ =	sdelay $0x1  }
0x8a: {  	s1 =	srdreg.scid  }
0x8b: {  	s0 =	sand.u32 $0x1, s1  }
0x8c: {  	s17 =	sshll.u32 s0, $0xA;
	s2 =	sadd.s32 s3, s2  }
0x8d: {  	s2 =	sadd.s32 s2, s17  }
0x8e: {  	[smem:$0x3F9A] =	sst s2  }
0x8f: {  	_ = 	snop  }
0x90: {  	s2 =	sld [smem:$0x3FD0];
	(tm) =	ssettm $0x1  }
0x91: {  	s18 =	sld [smem:$0x3FFB];
	_ =	sdelay $0x3  }
0x92: {  	_ =	strace s18  }
0x93: {  	s3 =	sld [smem:$0x3FFC];
	_ =	sdelay $0x3  }
0x94: {  	_ =	strace s3  }
0x95: {  	s3 =	sld [smem:$0x3FFD];
	_ =	sdelay $0x3  }
0x96: {  	_ =	strace s3  }
0x97: {  	_ =	strace $0x8FFFFFFF  }
0x98: {  	s19 =	sld [smem:$0x3FDB];
	_ =	sdelay $0x1  }
0x99: {  	s4 =	simm.s32 $_scs_section_size  }
0x9a: {  	s5 =	simm.s32 $_size__tile_overlayer_lowered;
	s6 =	simm.s32 $_tile_overlayer_lowered  }
0x9b: {  	s22 =	simm.s32 $0x1BFF;
	s21 =	sshll.u32 s6, $0x1;
	s3 =	sadd.s32 s4, s19  }
0x9c: {  	s7 =	simm.s32 $0x0;
	s20 =	sshll.u32 s5, $0x1;
	s5 =	sadd.s32 s21, s3  }
0x9d: {  	[timem:s7], [sflag:s22] =	dma.local [hbm:s5], s20  }
0x9e: {  	_ =	swait.ge [sflag:s22], s20  }
0x9f: {  	s4 =	ssub.s32 $0x0, s20;
	[sflag:s22] =	ssyncset.done $0x0  }
0xa0: {  	[sflag:s22] =	ssyncadd.s32 s4;
	_ =	sdelay $0x1  }
0xa1: {  	s23 =	simm.s32 $0x1B8B  }
0xa2: {  	_ =	swait.ge [sflag:s23], $0x1  }
0xa3: {  	[sflag:s23] =	ssyncset.done $0x0  }
0xa4: {  	s25 =	simm.s32 $0x1B8E;
	s24 =	sld [smem:$0x3FFE];
	[sflag:s23] =	ssyncadd.s32 $0xFFFFFFFF  }
0xa5: {  	s26 =	simm.s32 $execute0_lowered;
	[smem:$0x3FD2] =	sst s25  }
0xa6: {  	s5 =	sshll.u32 s26, $0x1;
	_ =	strace $0x80000049;
	[dreg:$0x1] =	wrdreg $0xFFFFFFFF  }
0xa7: {  	s28 =	simm.s32 $_size_execute0_lowered;
	s3 =	sadd.s32 s3, s5;
	[dreg:$0x0] =	wrdreg $0x0  }
0xa8: {  	s5 =	sshll.u32 s28, $0x1;
	[dreg:$0x2] =	wrdreg s3  }
0xa9: {  	[dreg:$0x3] =	wrdreg s5  }
0xaa: {  	[dreg:$0x4] =	wrdreg $0xC0  }
0xab: {  	_ =	task [dreg:s7], $0x5FFFF  }
0xac: {  	[dreg:$0x1] =	wrdreg $0xFFFFFFFF  }
0xad: {  	[dreg:$0x0] =	wrdreg $0x60  }
0xae: {  	[dreg:$0x2] =	wrdreg s24  }
0xaf: {  	[dreg:$0x3] =	wrdreg s2  }
0xb0: {  	[dreg:$0x4] =	wrdreg $0x9  }
0xb1: {  	_ =	task.clear_ibuf [dreg:s7], $0x5FFFF;
	_ =	strace $0x90000049  }
0xb2: {  	s29 =	simm.s32 $0x9;
	_ =	strace $0x8000004B  }
0xb3: {  	_ =	swait.ge [sflag:s29], $0x1  }
0xb4: {  	[sflag:s29] =	ssyncadd.s32 $0xFFFFFFFF  }
0xb5: {  	_ =	strace $0x9000004B  }
0xb6: {  	_ =	sfence  }
0xb7: {  	s30 =	sld [smem:$0x0];
	_ =	sdelay $0x2  }
0xb8: {  	s31 =	sshll.u32 s1, $0xD;
	s1 =	sshrl.u32 s1, $0x2  }
0xb9: {  	s3 =	sand.u32 $0x4000, s31;
	s1 =	sadd.s32 s1, s30  }
0xba: {  	s0 =	sor.u32 s3, s0;
	s1 =	sshll.u32 s1, $0x11  }
0xbb: {  	s0 =	sor.u32 s1, s0  }
0xbc: {  	s0 =	sadd.s32 $0x8F2B, s0  }
0xbd: {  	[sflag:s0] =	ssyncadd.remote.s32 $0x1  }
0xbe: {  	_ =	sfence.sel $0xFFFF  }
0xbf: {  	[dreg:$0x0] =	wrdreg $0xFFFFFFFF;
	(pc) =	sbr.abs _section_cstart, $3  }
0xc0: {  	[dreg:$0x1] =	wrdreg $0xFFFFFFFF  }
0xc1: {  	_ =	task.clear_ibuf [dreg:s7], $0x2FFFF;
	_ =	strace $0x9FFFFFFF  }
0xc2: {  	(tm) =	ssettm $0x7FFFFFFF  }
0xc3: {  	_ =	shalt  }
tec
execute0_lowered:
.L_overlay_start_1:
0x0: {  	(tag) =	ssettag $0x1  }
0x1: {  	s8 =	rddreg [dreg:$0x0]  }
0x2: {  	s1 =	rddreg [dreg:$0x1];
	s2 =	srdreg.scid  }
0x3: {  	s0 =	rddreg [dreg:$0x2];
	s3 =	simm.s32 $0x0;
	s20 =	simm.s32 $0x0  }
0x4: {  	s9 =	sand.u32 $0x1, s2;
	s2 =	stileid.u32;
	[smem:$0x7FF] =	sst s3  }
0x5: {  	s4 =	sadd.s32 $0x18C00, s8;
	s5 =	sadd.s32 $0x67400, s8;
	s10 =	smul.u32 $0x2740, s9  }
0x6: {  	s6 =	sadd.s32 $0x5200, s8;
	s11 =	smul.u32 $0x280, s2;
	s12 =	ssub.s32 $0x2, s9  }
0x7: {  	_ =	strace $0x8000004A;
	s9 =	sshll.u32 s9, $0x4;
	s14 =	sshrl.u32 s12, $0x1  }
0x8: {  	s9 =	sor.u32 s2, s9;
	s7 =	sadd.s32 s11, s10;
	s15 =	smin.u32 s11, $0x24C0  }
.Ltmp0:
0x9: {  	s12 =	ssub.s32 s12, s14;
	s14 =	simm.s32 $0x80;
	(pc) =	sbr.rel .LBB2_1-.Ltmp0, $4  }
0xa: {  	s13 =	sshll.u32 s7, $0x2;
	s31 =	sadd.s32 $0x280, s15;
	s15 =	simm.s32 $0x140  }
0xb: {  	s13 =	sadd.s32 s13, s8;
	s8 =	sadd.s32 s31, s10;
	s16 =	ssub.s32 s31, s11  }
0xc: {  	s11 =	smax.u32 s12, $0x1;
	s12 =	simm.s32 $0x110;
	s10 =	sadd.s32 $0x2C600, s13  }
0xd: {  	v0 =	vimm.f32 $0.0e+00;
	s13 =	simm.s32 $0x1;
	p0 =	sne.s32 s16, $0x280;
	s16 =	simm.s32 $0x0  }
.LBB2_9:
0xe: {  	s17 =	simm.s32 @p0 $0x0;
	s18 =	simm.s32 @p0 $0x1140  }
0xf: {  	[hbm4b:s10+s17] =	stream.linear.scatter @p0 [tilespmem:s18], [sflag:$0x1], $0x3800, $0x38;
	[tilespmem:$0x6140] =	vst v63  }
0x10: {  	s17 =	simm.s32 @p0 $0x1  }
0x11: {  	_ =	swait.ge @p0 [sflag:s17], $0x3800  }
0x12: {  	s16 =	sadd.s32 $0x1, s16;
	s18 =	simm.s32 @!p0 $0x1140;
	[sflag:s17] =	ssyncset.done @p0 $0x0  }
0x13: {  	p1 =	sne.s32 s16, s11;
	[sflag:s17] =	ssyncadd.s32 @p0 $0xFFFFC800;
	s17 =	simm.s32 @!p0 $0x0  }
0x14: {  	[hbm4b:s10+s17] =	stream.linear.scatter @!p0 [tilespmem:s18], [sflag:$0x1], $0x5000, $0x38;
	[tilespmem:$0x6140] =	vst v63  }
.Ltmp1:
0x15: {  	_ = 	snop;
	(pc) =	sbr.rel @!p1 .LBB2_10-.Ltmp1, $4  }
0x16: {  	s17 =	simm.s32 @!p0 $0x1  }
0x17: {  	_ =	swait.ge @!p0 [sflag:s17], $0x5000  }
0x18: {  	[sflag:s17] =	ssyncset.done @!p0 $0x0  }
0x19: {  	[sflag:s17] =	ssyncadd.s32 @!p0 $0xFFFFB000  }
.LBB2_1:
0x1a: {  	[tilespmem:s12], [sflag:$0x1] =	stream.linear.gather [hbm4b:s1+s3], $0x30, $0x38;
	[tilespmem:$0x6140] =	vst v63  }
0x1b: {  	_ =	swait.ge [sflag:s13], $0x30  }
0x1c: {  	[sflag:s13] =	ssyncset.done $0x0  }
0x1d: {  	s17 =	simm.s32 $0x40;
	s18 =	simm.s32 $0x0;
	[sflag:s13] =	ssyncadd.s32 $0xFFFFFFD0  }
.LBB2_2:
0x1e: {  	p1 =	sne.s32 s17, $0x13FC0;
	[tilespmem:s18+$0x1140] =	vst v0;
	s18 =	smov.u32 s17;
	s17 =	sadd.s32 $0x40, s17  }
.Ltmp2:
0x1f: {  	(pc) =	sbr.rel @p1 .LBB2_2-.Ltmp2, $2  }
0x20: {  	_ =	sdelay $0x2  }
0x21: {  	s18 =	sshra.s32 s18, $0x2  }
0x22: {  	[tilespmem:s18+$0x1140] =	vst v0  }
0x23: {  	v1 =	vld [tilespmem:s9+$0x110];
	_ =	sdelay $0x4  }
0x24: {  	(v2sf) =	vpush v1, $0x0;
	_ =	sdelay $0x6  }
0x25: {  	(v2sf) =	vpush v1, $0x1;
	_ =	sdelay $0x7  }
0x26: {  	s17 =	spop (v2sf)  }
0x27: {  	s26 =	sand.u32 $0x7, s17  }
0x28: {  	s19 =	sshra.s32 s17, $0x1F;
	p1 =	slt.s32 s17, $0x1;
	p2 =	sne.s32 s26, $0x0  }
0x29: {  	s28 =	sshrl.u32 s19, $0x1D;
	p1 =	por !p1, !p2  }
0x2a: {  	s18 =	simm.s32 $0x1;
	s17 =	sadd.s32 s28, s17;
	p1 =	por !p1, !p1  }
0x2b: {  	s17 =	sshrl.u32 s17, $0x3;
	s18 =	simm.s32 @!p1 $0x0  }
0x2c: {  	s17 =	ssub.s32 s17, s18  }
0x2d: {  	s29 =	spop (v2sf);
	s17 =	sshll.u32 s17, $0x3  }
0x2e: {  	s18 =	ssub.s32 s29, s17  }
0x2f: {  	s18 =	sadd.s32 $0x7F, s18  }
0x30: {  	s30 =	sand.u32 $0x7F, s18  }
0x31: {  	s31 =	sshra.s32 s18, $0x1F;
	p6 =	slt.s32 s18, $0x1;
	p5 =	sne.s32 s30, $0x0  }
0x32: {  	s19 =	sshrl.u32 s31, $0x19;
	p1 =	por !p6, !p5  }
0x33: {  	s18 =	sadd.s32 s19, s18;
	s19 =	simm.s32 $0x1;
	p1 =	por !p1, !p1  }
0x34: {  	s18 =	sshra.s32 s18, $0x7;
	s19 =	simm.s32 @!p1 $0x0  }
0x35: {  	s18 =	ssub.s32 s18, s19  }
0x36: {  	p1 =	slt.s32 s18, $0x1  }
.Ltmp3:
0x37: {  	_ = 	snop;
	(pc) =	sbr.rel @p1 .LBB2_9-.Ltmp3, $1  }
0x38: {  	_ =	sdelay $0x3  }
0x39: {  	s19 =	simm.s32 $0xFFFFFFFF;
	v1 =	vimm.f32 $0.0e+00;
	v2 =	vimm.f32 $0.0e+00;
	s21 =	simm.s32 $0x0  }
.LBB2_5:
0x3a: {  	s22 =	sshll.u32 s21, $0x7  }
0x3b: {  	s22 =	sadd.s32 s17, s22  }
0x3c: {  	s22 =	sshrl.u32 s22, $0x3  }
0x3d: {  	s23 =	sadd.s32 s5, s22  }
0x3e: {  	[tilespmem:s20], [sflag:$0x1] =	stream.linear.gather [hbm4b:s23+s20], $0x80, $0x38;
	[tilespmem:$0x6140] =	vst v63  }
0x3f: {  	_ =	swait.ge [sflag:s13], $0x80  }
0x40: {  	[sflag:s13] =	ssyncset.done $0x0  }
0x41: {  	s22 =	sadd.s32 s6, s22;
	[sflag:s13] =	ssyncadd.s32 $0xFFFFFF80  }
0x42: {  	[tilespmem:s14], [sflag:$0x1] =	stream.linear.gather [hbm4b:s22+s20], $0x80, $0x38;
	[tilespmem:$0x6140] =	vst v63  }
0x43: {  	_ =	swait.ge [sflag:s13], $0x80  }
0x44: {  	[sflag:s13] =	ssyncset.done $0x0  }
0x45: {  	[sflag:s13] =	ssyncadd.s32 $0xFFFFFF80  }
0x46: {  	[tilespmem:s15], [sflag:$0x1] =	stream.indirect.gather [hbm4b:s4+s14], $0x20, s20, s14, $0xb8;
	[tilespmem:$0x6140] =	vst v63  }
0x47: {  	_ =	swait.ge [sflag:s13], $0x1000  }
0x48: {  	[sflag:s13] =	ssyncset.done $0x0  }
0x49: {  	s31 =	simm.s32 $0x0;
	[sflag:s13] =	ssyncadd.s32 $0xFFFFF000  }
0x4a: {  	v3 =	vld [tilespmem:s31+$0x80];
	_ =	sdelay $0x4  }
0x4b: {  	(v2sf) =	vpush v3, $0x0;
	_ =	sdelay $0xe  }
0x4c: {  	s24 =	spop (v2sf)  }
0x4d: {  	p1 =	sge.s32 s24, s7;
	p2 =	slt.s32 s24, s8  }
0x4e: {  	p1 =	por !p1, !p2;
	p2 =	slt.s32 s19, $0x0  }
0x4f: {  	p1 =	por !p1, !p1;
	p3 =	seq.s32 @!p2 s24, s19  }
0x50: {  	p3 =	por @!p2 !p1, p3  }
0x51: {  	p3 =	por p3, p2  }
0x52: {  	s22 =	ssub.s32 @!p3 s19, s7  }
0x53: {  	s22 =	sshll.u32 @!p3 s22, $0x7  }
0x54: {  	s25 =	sshra.s32 @!p3 s22, $0x2  }
0x55: {  	s23 =	simm.s32 $0x4;
	[tilespmem:s25+$0x1140] =	vst @!p3 v2  }
0x56: {  	p2 =	sne.s32 s24, s19;
	s19 =	smov.u32 @p1 s24;
	s22 =	simm.s32 $0x150;
	[tilespmem:s25+$0x1150] =	vst @!p3 v1  }
.LBB2_6:
0x57: {  	s24 =	sshra.s32 s23, $0x2;
	v3 =	vld [tilespmem:s22+$0xFFFFFFF0];
	s25 =	smov.u32 s19  }
0x58: {  	s23 =	sadd.s32 $0x4, s23;
	v4 =	vld [tilespmem:s24+$0x80]  }
0x59: {  	p3 =	sne.s32 s23, $0x200;
	v5 =	vld [tilespmem:s22+$0x0];
	_ =	sdelay $0x2  }
0x5a: {  	v6 =	vadd.f32 v3, v2  }
0x5b: {  	(v2sf) =	vpush v4, $0x0  }
0x5c: {  	v3 =	vpsel p2, v3, v6;
	v4 =	vadd.f32 v5, v1  }
0x5d: {  	v2 =	vpsel p1, v3, v2  }
0x5e: {  	v3 =	vpsel p2, v5, v4  }
0x5f: {  	v1 =	vpsel p1, v3, v1;
	_ =	sdelay $0xa  }
0x60: {  	s24 =	spop (v2sf)  }
0x61: {  	p1 =	sge.s32 s24, s7;
	p4 =	slt.s32 s24, s8;
	p2 =	sne.s32 s24, s19  }
0x62: {  	p1 =	por !p1, !p4;
	p4 =	slt.s32 s19, $0x0  }
0x63: {  	p1 =	por !p1, !p1;
	p5 =	seq.s32 @!p4 s24, s19  }
0x64: {  	p5 =	por @!p4 !p1, p5;
	s19 =	smov.u32 @p1 s24  }
0x65: {  	p4 =	por p5, p4  }
.Ltmp4:
0x66: {  	s24 =	ssub.s32 @!p4 s25, s7;
	(pc) =	sbr.rel @p3 .LBB2_6-.Ltmp4, $4  }
0x67: {  	s24 =	sshll.u32 @!p4 s24, $0x7  }
0x68: {  	s24 =	sshra.s32 @!p4 s24, $0x2  }
0x69: {  	[tilespmem:s24+$0x1140] =	vst @!p4 v2  }
0x6a: {  	s22 =	sadd.s32 $0x20, s22;
	[tilespmem:s24+$0x1150] =	vst @!p4 v1  }
0x6b: {  	v3 =	vld [tilespmem:s22+$0xFFFFFFF0]  }
0x6c: {  	v4 =	vld [tilespmem:s22+$0x0];
	_ =	sdelay $0x4  }
0x6d: {  	v5 =	vadd.f32 v3, v2;
	v6 =	vadd.f32 v4, v1  }
0x6e: {  	s21 =	sadd.s32 $0x1, s21  }
0x6f: {  	v3 =	vpsel p2, v3, v5;
	v4 =	vpsel p2, v4, v6;
	p2 =	sne.s32 s21, s18  }
.Ltmp5:
0x70: {  	_ = 	snop;
	(pc) =	sbr.rel @p2 .LBB2_5-.Ltmp5, $2  }
0x71: {  	_ =	sdelay $0x2  }
0x72: {  	v2 =	vpsel p1, v3, v2;
	v1 =	vpsel p1, v4, v1  }
0x73: {  	p1 =	slt.s32 s19, $0x0  }
.Ltmp6:
0x74: {  	s17 =	ssub.s32 @!p1 s19, s7;
	(pc) =	sbr.rel .LBB2_9-.Ltmp6, $4  }
0x75: {  	s17 =	sshll.u32 @!p1 s17, $0x7  }
0x76: {  	s17 =	sshra.s32 @!p1 s17, $0x2  }
0x77: {  	[tilespmem:s17+$0x1140] =	vst @!p1 v2  }
0x78: {  	[tilespmem:s17+$0x1150] =	vst @!p1 v1  }
.LBB2_10:
0x79: {  	_ =	sfence.sel $0x180000  }
0x7a: {  	[bflag:$0x0] =	sbarrier.arrive $0xFFFF  }
0x7b: {  	p0 =	sne.s32 s2, $0x0;
	_ =	strace $0x9000004A  }
0x7c: {  	s0 =	sadd.s32 @!p0 $0x100000, s0;
	[bflag:$0x2] =	sbarrier.arrive $0xFFFF  }
0x7d: {  	[sflag:s0] =	ssyncadd.tile.s32 @!p0 $0x1;
	_ =	shalt  }
.Lfunc_end2:
_tile_overlayer_lowered:
.L_overlay_start_2:
0x7e: {  	(tag) =	ssettag $0x2  }
0x7f: {  	s0 =	rddreg [dreg:$0x0];
	s2 =	stileid.u32  }
0x80: {  	s1 =	rddreg [dreg:$0x1];
	p0 =	sne.s32 s2, $0x0  }
0x81: {  	s3 =	rddreg [dreg:$0x2];
	[bflag:$0x3] =	sbarrier.arrive $0xFFFF;
	s2 =	simm.s32 @!p0 $0x1C01  }
0x82: {  	[timem:s3], [sflag:s2] =	dma.local @!p0 [hbm:s0], s1  }
0x83: {  	s0 =	simm.s32 @!p0 $0x1  }
0x84: {  	_ =	swait.ge @!p0 [sflag:s0], s1  }
0x85: {  	s1 =	ssub.s32 @!p0 $0x0, s1;
	[sflag:s0] =	ssyncset.done @!p0 $0x0  }
0x86: {  	[sflag:s0] =	ssyncadd.s32 @!p0 s1  }
0x87: {  	[bflag:$0x3] =	sbarrier.arrive $0xFFFF  }
0x88: {  	_ =	shalt  }

// kernel: kernel.17.cloned.1.call-start
scs
__scs_entry_jumppad:
0x0: {  	(pc) =	sbr.rel $0x88, $3  }
0x1: {  	(tag) =	ssettag $0x0;
	lr =	simm.s32 $0x1  }
0x2: {  	[smem:$0x3F73] =	sst lr;
	_ =	strace $0xD0000000  }
0x3: {  	_ = 	snop  }
0x4: {  	_ = 	snop  }
0x5: {  	_ = 	snop  }
0x6: {  	_ = 	snop  }
0x7: {  	_ = 	snop  }
__scs_overlays_trampoline_lowered:
0x8: {  	[smem:$0x3F82] =	sst s0  }
0x9: {  	[smem:$0x3F83] =	sst s1  }
0xa: {  	[smem:$0x3F84] =	sst s2  }
0xb: {  	[smem:$0x3F85] =	sst s3  }
0xc: {  	[smem:$0x3F86] =	sst s4  }
0xd: {  	[smem:$0x3F87] =	sst s5  }
0xe: {  	[smem:$0x3F88] =	sst s6  }
0xf: {  	[smem:$0x3F89] =	sst s7  }
0x10: {  	[smem:$0x3F8A] =	sst s8  }
0x11: {  	[smem:$0x3F8B] =	sst s9;
	s0 =	simm.s32 @!p0 $0x0  }
0x12: {  	s1 =	sld [smem:$0x3F71];
	s0 =	simm.s32 @p0 $0x1  }
0x13: {  	[smem:$0x3F8C] =	sst s0;
	s0 =	simm.s32 @!p1 $0x0  }
0x14: {  	s2 =	sld [smem:$0x3F70];
	s0 =	simm.s32 @p1 $0x1  }
0x15: {  	[smem:$0x3F8D] =	sst s0;
	s0 =	simm.s32 @!p2 $0x0  }
0x16: {  	s3 =	sld [smem:$0x3FDB];
	s0 =	simm.s32 @p2 $0x1  }
0x17: {  	s4 =	simm.s32 $0x1BF5;
	[smem:$0x3F8F] =	sst s0  }
0x18: {  	s0 =	sld [smem:$0x3F72];
	_ =	swait.ge [sflag:s4], $0x0  }
0x19: {  	s7 =	sld [smem:$0x3F73]  }
0x1a: {  	s8 =	sadd.s32 $0xFFFFE003, lr  }
0x1b: {  	s9 =	sadd.s32 $0xFFFFFEF7, lr;
	s5 =	simm.s32 $0xFFFFFFFF;
	p2 =	slt.u32 s8, $0xFFFFF086  }
0x1c: {  	p1 =	slt.u32 s9, $0xF7A;
	s5 =	simm.s32 @!p2 $0x0  }
0x1d: {  	s5 =	simm.s32 @p1 $0x1;
	p0 =	seq.s32 s7, s2  }
0x1e: {  	s7 =	smul.u32 @!p0 $0xF7A, s2;
	p2 =	seq.s32 @!p0 s5, $0x0  }
0x1f: {  	s9 =	smul.u32 $0xF7A, s1;
	s8 =	simm.s32 @!p0 $0x1BF5;
	p2 =	por !p2, p0  }
0x20: {  	[sflag:s8] =	ssyncset.s32 @!p0 $0xFFFFF086;
	s6 =	sadd.s32 @!p0 s3, s7;
	s7 =	simm.s32 @!p0 $0x108  }
0x21: {  	s3 =	sadd.s32 s3, s9;
	s6 =	sadd.s32 @!p0 $0x88, s6;
	s7 =	simm.s32 @p2 $0x1082  }
0x22: {  	[simem:s7], [sflag:s8] =	dma.local @!p0 [hbm:s6], $0xF7A  }
0x23: {  	s9 =	sor.u32 $0xD0000000, s2;
	s6 =	simm.s32 $0x108;
	_ =	swait.ge @!p0 [sflag:s8], $0x0  }
0x24: {  	s3 =	sadd.s32 $0x88, s3;
	s6 =	simm.s32 @!p1 $0x1082;
	[sflag:s4] =	ssyncset.s32 $0xFFFFF086  }
0x25: {  	[simem:s6], [sflag:s4] =	dma.local [hbm:s3], $0xF7A  }
0x26: {  	[smem:$0x3F73] =	sst s1;
	(tag) =	ssettag s2;
	_ =	strace s9  }
0x27: {  	s1 =	sld [smem:$0x3F83]  }
0x28: {  	s2 =	sld [smem:$0x3F84]  }
0x29: {  	s4 =	sld [smem:$0x3F86]  }
0x2a: {  	p0 =	seq.s32 s5, $0x0;
	s5 =	sld [smem:$0x3F87]  }
0x2b: {  	s6 =	sld [smem:$0x3F88]  }
0x2c: {  	s7 =	sld [smem:$0x3F89]  }
0x2d: {  	s3 =	simm.s32 $0x108;
	s8 =	sld [smem:$0x3F8A]  }
0x2e: {  	s3 =	simm.s32 @!p0 $0x1082;
	s9 =	sld [smem:$0x3F8B]  }
0x2f: {  	lr =	sadd.s32 s0, s3;
	s0 =	sld [smem:$0x3F82]  }
0x30: {  	s3 =	sld [smem:$0x3F85]  }
0x31: {  	[smem:$0x3F8E] =	sst s10  }
0x32: {  	s10 =	sld [smem:$0x3F8C];
	_ =	sdelay $0x3  }
0x33: {  	p0 =	seq.s32 s10, $0x1;
	s10 =	sld [smem:$0x3F8E];
	_ =	sdelay $0x3  }
0x34: {  	[smem:$0x3F8E] =	sst s10  }
0x35: {  	s10 =	sld [smem:$0x3F8D];
	_ =	sdelay $0x3  }
0x36: {  	p1 =	seq.s32 s10, $0x1;
	s10 =	sld [smem:$0x3F8E];
	_ =	sdelay $0x3  }
0x37: {  	[smem:$0x3F8E] =	sst s10  }
0x38: {  	s10 =	sld [smem:$0x3F8F]  }
0x39: {  	_ = 	snop;
	(pc) =	sbr.ind lr, $3  }
0x3a: {  	_ = 	snop  }
0x3b: {  	_ = 	snop  }
0x3c: {  	p2 =	seq.s32 s10, $0x1;
	s10 =	sld [smem:$0x3F8E]  }
0x3d: {  	_ =	shalt  }
0x3e: {  	_ =	shalt  }
0x3f: {  	_ =	shalt  }
0x40: {  	_ =	shalt  }
0x41: {  	_ =	shalt  }
0x42: {  	_ =	shalt  }
0x43: {  	_ =	shalt  }
0x44: {  	_ =	shalt  }
0x45: {  	_ =	shalt  }
0x46: {  	_ =	shalt  }
0x47: {  	_ =	shalt  }
0x48: {  	_ =	shalt  }
0x49: {  	_ =	shalt  }
0x4a: {  	_ =	shalt  }
0x4b: {  	_ =	shalt  }
0x4c: {  	_ =	shalt  }
0x4d: {  	_ =	shalt  }
0x4e: {  	_ =	shalt  }
0x4f: {  	_ =	shalt  }
0x50: {  	_ =	shalt  }
0x51: {  	_ =	shalt  }
0x52: {  	_ =	shalt  }
0x53: {  	_ =	shalt  }
0x54: {  	_ =	shalt  }
0x55: {  	_ =	shalt  }
0x56: {  	_ =	shalt  }
0x57: {  	_ =	shalt  }
0x58: {  	_ =	shalt  }
0x59: {  	_ =	shalt  }
0x5a: {  	_ =	shalt  }
0x5b: {  	_ =	shalt  }
0x5c: {  	_ =	shalt  }
0x5d: {  	_ =	shalt  }
0x5e: {  	_ =	shalt  }
0x5f: {  	_ =	shalt  }
0x60: {  	_ =	shalt  }
0x61: {  	_ =	shalt  }
0x62: {  	_ =	shalt  }
0x63: {  	_ =	shalt  }
0x64: {  	_ =	shalt  }
0x65: {  	_ =	shalt  }
0x66: {  	_ =	shalt  }
0x67: {  	_ =	shalt  }
0x68: {  	_ =	shalt  }
0x69: {  	_ =	shalt  }
0x6a: {  	_ =	shalt  }
0x6b: {  	_ =	shalt  }
0x6c: {  	_ =	shalt  }
0x6d: {  	_ =	shalt  }
0x6e: {  	_ =	shalt  }
0x6f: {  	_ =	shalt  }
0x70: {  	_ =	shalt  }
0x71: {  	_ =	shalt  }
0x72: {  	_ =	shalt  }
0x73: {  	_ =	shalt  }
0x74: {  	_ =	shalt  }
0x75: {  	_ =	shalt  }
0x76: {  	_ =	shalt  }
0x77: {  	_ =	shalt  }
0x78: {  	_ =	shalt  }
0x79: {  	_ =	shalt  }
0x7a: {  	_ =	shalt  }
0x7b: {  	_ =	shalt  }
0x7c: {  	_ =	shalt  }
0x7d: {  	_ =	shalt  }
0x7e: {  	_ =	shalt  }
0x7f: {  	_ =	shalt  }
0x80: {  	_ =	shalt  }
0x81: {  	_ =	shalt  }
0x82: {  	_ =	shalt  }
0x83: {  	_ =	shalt  }
0x84: {  	_ =	shalt  }
0x85: {  	_ =	shalt  }
0x86: {  	_ =	shalt  }
0x87: {  	_ =	shalt  }
.Lfunc_end0:
.L_simem_size_0:
called_computation.2_lowered:
.L_overlay_start_0:
0x88: {  	s2 =	sld [smem:$0x3FD9]  }
0x89: {  	s3 =	sld [smem:$0x3FFE];
	_ =	sdelay $0x1  }
0x8a: {  	s1 =	srdreg.scid  }
0x8b: {  	s0 =	sand.u32 $0x1, s1  }
0x8c: {  	s17 =	sshll.u32 s0, $0xA;
	s2 =	sadd.s32 s3, s2  }
0x8d: {  	s2 =	sadd.s32 s2, s17  }
0x8e: {  	[smem:$0x3F9A] =	sst s2  }
0x8f: {  	_ = 	snop  }
0x90: {  	s2 =	sld [smem:$0x3FD0];
	(tm) =	ssettm $0x1  }
0x91: {  	s18 =	sld [smem:$0x3FFB];
	_ =	sdelay $0x3  }
0x92: {  	_ =	strace s18  }
0x93: {  	s3 =	sld [smem:$0x3FFC];
	_ =	sdelay $0x3  }
0x94: {  	_ =	strace s3  }
0x95: {  	s3 =	sld [smem:$0x3FFD];
	_ =	sdelay $0x3  }
0x96: {  	_ =	strace s3  }
0x97: {  	_ =	strace $0x8FFFFFFF  }
0x98: {  	s19 =	sld [smem:$0x3FDB];
	_ =	sdelay $0x1  }
0x99: {  	s4 =	simm.s32 $_scs_section_size  }
0x9a: {  	s5 =	simm.s32 $_size__tile_overlayer_lowered;
	s6 =	simm.s32 $_tile_overlayer_lowered  }
0x9b: {  	s22 =	simm.s32 $0x1BFF;
	s21 =	sshll.u32 s6, $0x1;
	s3 =	sadd.s32 s4, s19  }
0x9c: {  	s7 =	simm.s32 $0x0;
	s20 =	sshll.u32 s5, $0x1;
	s5 =	sadd.s32 s21, s3  }
0x9d: {  	[timem:s7], [sflag:s22] =	dma.local [hbm:s5], s20  }
0x9e: {  	_ =	swait.ge [sflag:s22], s20  }
0x9f: {  	s4 =	ssub.s32 $0x0, s20;
	[sflag:s22] =	ssyncset.done $0x0  }
0xa0: {  	[sflag:s22] =	ssyncadd.s32 s4;
	_ =	sdelay $0x1  }
0xa1: {  	s23 =	simm.s32 $0x1B8B  }
0xa2: {  	_ =	swait.ge [sflag:s23], $0x1  }
0xa3: {  	[sflag:s23] =	ssyncset.done $0x0  }
0xa4: {  	s25 =	simm.s32 $0x1B8E;
	s24 =	sld [smem:$0x3FFE];
	[sflag:s23] =	ssyncadd.s32 $0xFFFFFFFF  }
0xa5: {  	s26 =	simm.s32 $execute0_lowered;
	[smem:$0x3FD2] =	sst s25  }
0xa6: {  	s5 =	sshll.u32 s26, $0x1;
	_ =	strace $0x8000004C;
	[dreg:$0x1] =	wrdreg $0xFFFFFFFF  }
0xa7: {  	s28 =	simm.s32 $_size_execute0_lowered;
	s3 =	sadd.s32 s3, s5;
	[dreg:$0x0] =	wrdreg $0x0  }
0xa8: {  	s5 =	sshll.u32 s28, $0x1;
	[dreg:$0x2] =	wrdreg s3  }
0xa9: {  	[dreg:$0x3] =	wrdreg s5  }
0xaa: {  	[dreg:$0x4] =	wrdreg $0xC0  }
0xab: {  	_ =	task [dreg:s7], $0x5FFFF  }
0xac: {  	[dreg:$0x1] =	wrdreg $0xFFFFFFFF  }
0xad: {  	[dreg:$0x0] =	wrdreg $0x60  }
0xae: {  	[dreg:$0x2] =	wrdreg s24  }
0xaf: {  	[dreg:$0x3] =	wrdreg s2  }
0xb0: {  	[dreg:$0x4] =	wrdreg $0x9  }
0xb1: {  	_ =	task.clear_ibuf [dreg:s7], $0x5FFFF;
	_ =	strace $0x9000004C  }
0xb2: {  	s29 =	simm.s32 $0x9;
	_ =	strace $0x8000004E  }
0xb3: {  	_ =	swait.ge [sflag:s29], $0x1  }
0xb4: {  	[sflag:s29] =	ssyncadd.s32 $0xFFFFFFFF  }
0xb5: {  	_ =	strace $0x9000004E  }
0xb6: {  	_ =	sfence  }
0xb7: {  	s30 =	sld [smem:$0x0];
	_ =	sdelay $0x2  }
0xb8: {  	s31 =	sshll.u32 s1, $0xD;
	s1 =	sshrl.u32 s1, $0x2  }
0xb9: {  	s3 =	sand.u32 $0x4000, s31;
	s1 =	sadd.s32 s1, s30  }
0xba: {  	s0 =	sor.u32 s3, s0;
	s1 =	sshll.u32 s1, $0x11  }
0xbb: {  	s0 =	sor.u32 s1, s0  }
0xbc: {  	s0 =	sadd.s32 $0x8F2B, s0  }
0xbd: {  	[sflag:s0] =	ssyncadd.remote.s32 $0x1  }
0xbe: {  	_ =	sfence.sel $0xFFFF  }
0xbf: {  	[dreg:$0x0] =	wrdreg $0xFFFFFFFF;
	(pc) =	sbr.abs _section_cstart, $3  }
0xc0: {  	[dreg:$0x1] =	wrdreg $0xFFFFFFFF  }
0xc1: {  	_ =	task.clear_ibuf [dreg:s7], $0x2FFFF;
	_ =	strace $0x9FFFFFFF  }
0xc2: {  	(tm) =	ssettm $0x7FFFFFFF  }
0xc3: {  	_ =	shalt  }
tec
execute0_lowered:
.L_overlay_start_1:
0x0: {  	(tag) =	ssettag $0x1  }
0x1: {  	s8 =	rddreg [dreg:$0x0]  }
0x2: {  	s1 =	rddreg [dreg:$0x1];
	s2 =	srdreg.scid  }
0x3: {  	s0 =	rddreg [dreg:$0x2];
	s3 =	simm.s32 $0x0;
	s20 =	simm.s32 $0x0  }
0x4: {  	s9 =	sand.u32 $0x1, s2;
	s2 =	stileid.u32;
	[smem:$0x7FF] =	sst s3  }
0x5: {  	s4 =	sadd.s32 $0x18C00, s8;
	s5 =	sadd.s32 $0x67400, s8;
	s10 =	smul.u32 $0x2740, s9  }
0x6: {  	s6 =	sadd.s32 $0x5200, s8;
	s11 =	smul.u32 $0x280, s2;
	s12 =	ssub.s32 $0x2, s9  }
0x7: {  	_ =	strace $0x8000004D;
	s9 =	sshll.u32 s9, $0x4;
	s14 =	sshrl.u32 s12, $0x1  }
0x8: {  	s9 =	sor.u32 s2, s9;
	s7 =	sadd.s32 s11, s10;
	s15 =	smin.u32 s11, $0x24C0  }
.Ltmp0:
0x9: {  	s12 =	ssub.s32 s12, s14;
	s14 =	simm.s32 $0x80;
	(pc) =	sbr.rel .LBB2_1-.Ltmp0, $4  }
0xa: {  	s13 =	sshll.u32 s7, $0x2;
	s31 =	sadd.s32 $0x280, s15;
	s15 =	simm.s32 $0x140  }
0xb: {  	s13 =	sadd.s32 s13, s8;
	s8 =	sadd.s32 s31, s10;
	s16 =	ssub.s32 s31, s11  }
0xc: {  	s11 =	smax.u32 s12, $0x1;
	s12 =	simm.s32 $0x110;
	s10 =	sadd.s32 $0x2C600, s13  }
0xd: {  	v0 =	vimm.f32 $0.0e+00;
	s13 =	simm.s32 $0x1;
	p0 =	sne.s32 s16, $0x280;
	s16 =	simm.s32 $0x0  }
.LBB2_9:
0xe: {  	s17 =	simm.s32 @p0 $0x0;
	s18 =	simm.s32 @p0 $0x1140  }
0xf: {  	[hbm4b:s10+s17] =	stream.linear.scatter @p0 [tilespmem:s18], [sflag:$0x1], $0x3800, $0x38;
	[tilespmem:$0x6140] =	vst v63  }
0x10: {  	s17 =	simm.s32 @p0 $0x1  }
0x11: {  	_ =	swait.ge @p0 [sflag:s17], $0x3800  }
0x12: {  	s16 =	sadd.s32 $0x1, s16;
	s18 =	simm.s32 @!p0 $0x1140;
	[sflag:s17] =	ssyncset.done @p0 $0x0  }
0x13: {  	p1 =	sne.s32 s16, s11;
	[sflag:s17] =	ssyncadd.s32 @p0 $0xFFFFC800;
	s17 =	simm.s32 @!p0 $0x0  }
0x14: {  	[hbm4b:s10+s17] =	stream.linear.scatter @!p0 [tilespmem:s18], [sflag:$0x1], $0x5000, $0x38;
	[tilespmem:$0x6140] =	vst v63  }
.Ltmp1:
0x15: {  	_ = 	snop;
	(pc) =	sbr.rel @!p1 .LBB2_10-.Ltmp1, $4  }
0x16: {  	s17 =	simm.s32 @!p0 $0x1  }
0x17: {  	_ =	swait.ge @!p0 [sflag:s17], $0x5000  }
0x18: {  	[sflag:s17] =	ssyncset.done @!p0 $0x0  }
0x19: {  	[sflag:s17] =	ssyncadd.s32 @!p0 $0xFFFFB000  }
.LBB2_1:
0x1a: {  	[tilespmem:s12], [sflag:$0x1] =	stream.linear.gather [hbm4b:s1+s3], $0x30, $0x38;
	[tilespmem:$0x6140] =	vst v63  }
0x1b: {  	_ =	swait.ge [sflag:s13], $0x30  }
0x1c: {  	[sflag:s13] =	ssyncset.done $0x0  }
0x1d: {  	s17 =	simm.s32 $0x40;
	s18 =	simm.s32 $0x0;
	[sflag:s13] =	ssyncadd.s32 $0xFFFFFFD0  }
.LBB2_2:
0x1e: {  	p1 =	sne.s32 s17, $0x13FC0;
	[tilespmem:s18+$0x1140] =	vst v0;
	s18 =	smov.u32 s17;
	s17 =	sadd.s32 $0x40, s17  }
.Ltmp2:
0x1f: {  	(pc) =	sbr.rel @p1 .LBB2_2-.Ltmp2, $2  }
0x20: {  	_ =	sdelay $0x2  }
0x21: {  	s18 =	sshra.s32 s18, $0x2  }
0x22: {  	[tilespmem:s18+$0x1140] =	vst v0  }
0x23: {  	v1 =	vld [tilespmem:s9+$0x110];
	_ =	sdelay $0x4  }
0x24: {  	(v2sf) =	vpush v1, $0x0;
	_ =	sdelay $0x6  }
0x25: {  	(v2sf) =	vpush v1, $0x1;
	_ =	sdelay $0x7  }
0x26: {  	s17 =	spop (v2sf)  }
0x27: {  	s26 =	sand.u32 $0x7, s17  }
0x28: {  	s19 =	sshra.s32 s17, $0x1F;
	p1 =	slt.s32 s17, $0x1;
	p2 =	sne.s32 s26, $0x0  }
0x29: {  	s28 =	sshrl.u32 s19, $0x1D;
	p1 =	por !p1, !p2  }
0x2a: {  	s18 =	simm.s32 $0x1;
	s17 =	sadd.s32 s28, s17;
	p1 =	por !p1, !p1  }
0x2b: {  	s17 =	sshrl.u32 s17, $0x3;
	s18 =	simm.s32 @!p1 $0x0  }
0x2c: {  	s17 =	ssub.s32 s17, s18  }
0x2d: {  	s29 =	spop (v2sf);
	s17 =	sshll.u32 s17, $0x3  }
0x2e: {  	s18 =	ssub.s32 s29, s17  }
0x2f: {  	s18 =	sadd.s32 $0x7F, s18  }
0x30: {  	s30 =	sand.u32 $0x7F, s18  }
0x31: {  	s31 =	sshra.s32 s18, $0x1F;
	p6 =	slt.s32 s18, $0x1;
	p5 =	sne.s32 s30, $0x0  }
0x32: {  	s19 =	sshrl.u32 s31, $0x19;
	p1 =	por !p6, !p5  }
0x33: {  	s18 =	sadd.s32 s19, s18;
	s19 =	simm.s32 $0x1;
	p1 =	por !p1, !p1  }
0x34: {  	s18 =	sshra.s32 s18, $0x7;
	s19 =	simm.s32 @!p1 $0x0  }
0x35: {  	s18 =	ssub.s32 s18, s19  }
0x36: {  	p1 =	slt.s32 s18, $0x1  }
.Ltmp3:
0x37: {  	_ = 	snop;
	(pc) =	sbr.rel @p1 .LBB2_9-.Ltmp3, $1  }
0x38: {  	_ =	sdelay $0x3  }
0x39: {  	s19 =	simm.s32 $0xFFFFFFFF;
	v1 =	vimm.f32 $0.0e+00;
	v2 =	vimm.f32 $0.0e+00;
	s21 =	simm.s32 $0x0  }
.LBB2_5:
0x3a: {  	s22 =	sshll.u32 s21, $0x7  }
0x3b: {  	s22 =	sadd.s32 s17, s22  }
0x3c: {  	s22 =	sshrl.u32 s22, $0x3  }
0x3d: {  	s23 =	sadd.s32 s5, s22  }
0x3e: {  	[tilespmem:s20], [sflag:$0x1] =	stream.linear.gather [hbm4b:s23+s20], $0x80, $0x38;
	[tilespmem:$0x6140] =	vst v63  }
0x3f: {  	_ =	swait.ge [sflag:s13], $0x80  }
0x40: {  	[sflag:s13] =	ssyncset.done $0x0  }
0x41: {  	s22 =	sadd.s32 s6, s22;
	[sflag:s13] =	ssyncadd.s32 $0xFFFFFF80  }
0x42: {  	[tilespmem:s14], [sflag:$0x1] =	stream.linear.gather [hbm4b:s22+s20], $0x80, $0x38;
	[tilespmem:$0x6140] =	vst v63  }
0x43: {  	_ =	swait.ge [sflag:s13], $0x80  }
0x44: {  	[sflag:s13] =	ssyncset.done $0x0  }
0x45: {  	[sflag:s13] =	ssyncadd.s32 $0xFFFFFF80  }
0x46: {  	[tilespmem:s15], [sflag:$0x1] =	stream.indirect.gather [hbm4b:s4+s14], $0x20, s20, s14, $0xb8;
	[tilespmem:$0x6140] =	vst v63  }
0x47: {  	_ =	swait.ge [sflag:s13], $0x1000  }
0x48: {  	[sflag:s13] =	ssyncset.done $0x0  }
0x49: {  	s31 =	simm.s32 $0x0;
	[sflag:s13] =	ssyncadd.s32 $0xFFFFF000  }
0x4a: {  	v3 =	vld [tilespmem:s31+$0x80];
	_ =	sdelay $0x4  }
0x4b: {  	(v2sf) =	vpush v3, $0x0;
	_ =	sdelay $0xe  }
0x4c: {  	s24 =	spop (v2sf)  }
0x4d: {  	p1 =	sge.s32 s24, s7;
	p2 =	slt.s32 s24, s8  }
0x4e: {  	p1 =	por !p1, !p2;
	p2 =	slt.s32 s19, $0x0  }
0x4f: {  	p1 =	por !p1, !p1;
	p3 =	seq.s32 @!p2 s24, s19  }
0x50: {  	p3 =	por @!p2 !p1, p3  }
0x51: {  	p3 =	por p3, p2  }
0x52: {  	s22 =	ssub.s32 @!p3 s19, s7  }
0x53: {  	s22 =	sshll.u32 @!p3 s22, $0x7  }
0x54: {  	s25 =	sshra.s32 @!p3 s22, $0x2  }
0x55: {  	s23 =	simm.s32 $0x4;
	[tilespmem:s25+$0x1140] =	vst @!p3 v2  }
0x56: {  	p2 =	sne.s32 s24, s19;
	s19 =	smov.u32 @p1 s24;
	s22 =	simm.s32 $0x150;
	[tilespmem:s25+$0x1150] =	vst @!p3 v1  }
.LBB2_6:
0x57: {  	s24 =	sshra.s32 s23, $0x2;
	v3 =	vld [tilespmem:s22+$0xFFFFFFF0];
	s25 =	smov.u32 s19  }
0x58: {  	s23 =	sadd.s32 $0x4, s23;
	v4 =	vld [tilespmem:s24+$0x80]  }
0x59: {  	p3 =	sne.s32 s23, $0x200;
	v5 =	vld [tilespmem:s22+$0x0];
	_ =	sdelay $0x2  }
0x5a: {  	v6 =	vadd.f32 v3, v2  }
0x5b: {  	(v2sf) =	vpush v4, $0x0  }
0x5c: {  	v3 =	vpsel p2, v3, v6;
	v4 =	vadd.f32 v5, v1  }
0x5d: {  	v2 =	vpsel p1, v3, v2  }
0x5e: {  	v3 =	vpsel p2, v5, v4  }
0x5f: {  	v1 =	vpsel p1, v3, v1;
	_ =	sdelay $0xa  }
0x60: {  	s24 =	spop (v2sf)  }
0x61: {  	p1 =	sge.s32 s24, s7;
	p4 =	slt.s32 s24, s8;
	p2 =	sne.s32 s24, s19  }
0x62: {  	p1 =	por !p1, !p4;
	p4 =	slt.s32 s19, $0x0  }
0x63: {  	p1 =	por !p1, !p1;
	p5 =	seq.s32 @!p4 s24, s19  }
0x64: {  	p5 =	por @!p4 !p1, p5;
	s19 =	smov.u32 @p1 s24  }
0x65: {  	p4 =	por p5, p4  }
.Ltmp4:
0x66: {  	s24 =	ssub.s32 @!p4 s25, s7;
	(pc) =	sbr.rel @p3 .LBB2_6-.Ltmp4, $4  }
0x67: {  	s24 =	sshll.u32 @!p4 s24, $0x7  }
0x68: {  	s24 =	sshra.s32 @!p4 s24, $0x2  }
0x69: {  	[tilespmem:s24+$0x1140] =	vst @!p4 v2  }
0x6a: {  	s22 =	sadd.s32 $0x20, s22;
	[tilespmem:s24+$0x1150] =	vst @!p4 v1  }
0x6b: {  	v3 =	vld [tilespmem:s22+$0xFFFFFFF0]  }
0x6c: {  	v4 =	vld [tilespmem:s22+$0x0];
	_ =	sdelay $0x4  }
0x6d: {  	v5 =	vadd.f32 v3, v2;
	v6 =	vadd.f32 v4, v1  }
0x6e: {  	s21 =	sadd.s32 $0x1, s21  }
0x6f: {  	v3 =	vpsel p2, v3, v5;
	v4 =	vpsel p2, v4, v6;
	p2 =	sne.s32 s21, s18  }
.Ltmp5:
0x70: {  	_ = 	snop;
	(pc) =	sbr.rel @p2 .LBB2_5-.Ltmp5, $2  }
0x71: {  	_ =	sdelay $0x2  }
0x72: {  	v2 =	vpsel p1, v3, v2;
	v1 =	vpsel p1, v4, v1  }
0x73: {  	p1 =	slt.s32 s19, $0x0  }
.Ltmp6:
0x74: {  	s17 =	ssub.s32 @!p1 s19, s7;
	(pc) =	sbr.rel .LBB2_9-.Ltmp6, $4  }
0x75: {  	s17 =	sshll.u32 @!p1 s17, $0x7  }
0x76: {  	s17 =	sshra.s32 @!p1 s17, $0x2  }
0x77: {  	[tilespmem:s17+$0x1140] =	vst @!p1 v2  }
0x78: {  	[tilespmem:s17+$0x1150] =	vst @!p1 v1  }
.LBB2_10:
0x79: {  	_ =	sfence.sel $0x180000  }
0x7a: {  	[bflag:$0x0] =	sbarrier.arrive $0xFFFF  }
0x7b: {  	p0 =	sne.s32 s2, $0x0;
	_ =	strace $0x9000004D  }
0x7c: {  	s0 =	sadd.s32 @!p0 $0x100000, s0;
	[bflag:$0x2] =	sbarrier.arrive $0xFFFF  }
0x7d: {  	[sflag:s0] =	ssyncadd.tile.s32 @!p0 $0x1;
	_ =	shalt  }
.Lfunc_end2:
_tile_overlayer_lowered:
.L_overlay_start_2:
0x7e: {  	(tag) =	ssettag $0x2  }
0x7f: {  	s0 =	rddreg [dreg:$0x0];
	s2 =	stileid.u32  }
0x80: {  	s1 =	rddreg [dreg:$0x1];
	p0 =	sne.s32 s2, $0x0  }
0x81: {  	s3 =	rddreg [dreg:$0x2];
	[bflag:$0x3] =	sbarrier.arrive $0xFFFF;
	s2 =	simm.s32 @!p0 $0x1C01  }
0x82: {  	[timem:s3], [sflag:s2] =	dma.local @!p0 [hbm:s0], s1  }
0x83: {  	s0 =	simm.s32 @!p0 $0x1  }
0x84: {  	_ =	swait.ge @!p0 [sflag:s0], s1  }
0x85: {  	s1 =	ssub.s32 @!p0 $0x0, s1;
	[sflag:s0] =	ssyncset.done @!p0 $0x0  }
0x86: {  	[sflag:s0] =	ssyncadd.s32 @!p0 s1  }
0x87: {  	[bflag:$0x3] =	sbarrier.arrive $0xFFFF  }
0x88: {  	_ =	shalt  }

// kernel: kernel.20.cloned.1.call-start
scs
__scs_entry_jumppad:
0x0: {  	(pc) =	sbr.rel $0x88, $3  }
0x1: {  	(tag) =	ssettag $0x0;
	lr =	simm.s32 $0x1  }
0x2: {  	[smem:$0x3F73] =	sst lr;
	_ =	strace $0xD0000000  }
0x3: {  	_ = 	snop  }
0x4: {  	_ = 	snop  }
0x5: {  	_ = 	snop  }
0x6: {  	_ = 	snop  }
0x7: {  	_ = 	snop  }
__scs_overlays_trampoline_lowered:
0x8: {  	[smem:$0x3F82] =	sst s0  }
0x9: {  	[smem:$0x3F83] =	sst s1  }
0xa: {  	[smem:$0x3F84] =	sst s2  }
0xb: {  	[smem:$0x3F85] =	sst s3  }
0xc: {  	[smem:$0x3F86] =	sst s4  }
0xd: {  	[smem:$0x3F87] =	sst s5  }
0xe: {  	[smem:$0x3F88] =	sst s6  }
0xf: {  	[smem:$0x3F89] =	sst s7  }
0x10: {  	[smem:$0x3F8A] =	sst s8  }
0x11: {  	[smem:$0x3F8B] =	sst s9;
	s0 =	simm.s32 @!p0 $0x0  }
0x12: {  	s1 =	sld [smem:$0x3F71];
	s0 =	simm.s32 @p0 $0x1  }
0x13: {  	[smem:$0x3F8C] =	sst s0;
	s0 =	simm.s32 @!p1 $0x0  }
0x14: {  	s2 =	sld [smem:$0x3F70];
	s0 =	simm.s32 @p1 $0x1  }
0x15: {  	[smem:$0x3F8D] =	sst s0;
	s0 =	simm.s32 @!p2 $0x0  }
0x16: {  	s3 =	sld [smem:$0x3FDB];
	s0 =	simm.s32 @p2 $0x1  }
0x17: {  	s4 =	simm.s32 $0x1BF5;
	[smem:$0x3F8F] =	sst s0  }
0x18: {  	s0 =	sld [smem:$0x3F72];
	_ =	swait.ge [sflag:s4], $0x0  }
0x19: {  	s7 =	sld [smem:$0x3F73]  }
0x1a: {  	s8 =	sadd.s32 $0xFFFFE003, lr  }
0x1b: {  	s9 =	sadd.s32 $0xFFFFFEF7, lr;
	s5 =	simm.s32 $0xFFFFFFFF;
	p2 =	slt.u32 s8, $0xFFFFF086  }
0x1c: {  	p1 =	slt.u32 s9, $0xF7A;
	s5 =	simm.s32 @!p2 $0x0  }
0x1d: {  	s5 =	simm.s32 @p1 $0x1;
	p0 =	seq.s32 s7, s2  }
0x1e: {  	s7 =	smul.u32 @!p0 $0xF7A, s2;
	p2 =	seq.s32 @!p0 s5, $0x0  }
0x1f: {  	s9 =	smul.u32 $0xF7A, s1;
	s8 =	simm.s32 @!p0 $0x1BF5;
	p2 =	por !p2, p0  }
0x20: {  	[sflag:s8] =	ssyncset.s32 @!p0 $0xFFFFF086;
	s6 =	sadd.s32 @!p0 s3, s7;
	s7 =	simm.s32 @!p0 $0x108  }
0x21: {  	s3 =	sadd.s32 s3, s9;
	s6 =	sadd.s32 @!p0 $0x88, s6;
	s7 =	simm.s32 @p2 $0x1082  }
0x22: {  	[simem:s7], [sflag:s8] =	dma.local @!p0 [hbm:s6], $0xF7A  }
0x23: {  	s9 =	sor.u32 $0xD0000000, s2;
	s6 =	simm.s32 $0x108;
	_ =	swait.ge @!p0 [sflag:s8], $0x0  }
0x24: {  	s3 =	sadd.s32 $0x88, s3;
	s6 =	simm.s32 @!p1 $0x1082;
	[sflag:s4] =	ssyncset.s32 $0xFFFFF086  }
0x25: {  	[simem:s6], [sflag:s4] =	dma.local [hbm:s3], $0xF7A  }
0x26: {  	[smem:$0x3F73] =	sst s1;
	(tag) =	ssettag s2;
	_ =	strace s9  }
0x27: {  	s1 =	sld [smem:$0x3F83]  }
0x28: {  	s2 =	sld [smem:$0x3F84]  }
0x29: {  	s4 =	sld [smem:$0x3F86]  }
0x2a: {  	p0 =	seq.s32 s5, $0x0;
	s5 =	sld [smem:$0x3F87]  }
0x2b: {  	s6 =	sld [smem:$0x3F88]  }
0x2c: {  	s7 =	sld [smem:$0x3F89]  }
0x2d: {  	s3 =	simm.s32 $0x108;
	s8 =	sld [smem:$0x3F8A]  }
0x2e: {  	s3 =	simm.s32 @!p0 $0x1082;
	s9 =	sld [smem:$0x3F8B]  }
0x2f: {  	lr =	sadd.s32 s0, s3;
	s0 =	sld [smem:$0x3F82]  }
0x30: {  	s3 =	sld [smem:$0x3F85]  }
0x31: {  	[smem:$0x3F8E] =	sst s10  }
0x32: {  	s10 =	sld [smem:$0x3F8C];
	_ =	sdelay $0x3  }
0x33: {  	p0 =	seq.s32 s10, $0x1;
	s10 =	sld [smem:$0x3F8E];
	_ =	sdelay $0x3  }
0x34: {  	[smem:$0x3F8E] =	sst s10  }
0x35: {  	s10 =	sld [smem:$0x3F8D];
	_ =	sdelay $0x3  }
0x36: {  	p1 =	seq.s32 s10, $0x1;
	s10 =	sld [smem:$0x3F8E];
	_ =	sdelay $0x3  }
0x37: {  	[smem:$0x3F8E] =	sst s10  }
0x38: {  	s10 =	sld [smem:$0x3F8F]  }
0x39: {  	_ = 	snop;
	(pc) =	sbr.ind lr, $3  }
0x3a: {  	_ = 	snop  }
0x3b: {  	_ = 	snop  }
0x3c: {  	p2 =	seq.s32 s10, $0x1;
	s10 =	sld [smem:$0x3F8E]  }
0x3d: {  	_ =	shalt  }
0x3e: {  	_ =	shalt  }
0x3f: {  	_ =	shalt  }
0x40: {  	_ =	shalt  }
0x41: {  	_ =	shalt  }
0x42: {  	_ =	shalt  }
0x43: {  	_ =	shalt  }
0x44: {  	_ =	shalt  }
0x45: {  	_ =	shalt  }
0x46: {  	_ =	shalt  }
0x47: {  	_ =	shalt  }
0x48: {  	_ =	shalt  }
0x49: {  	_ =	shalt  }
0x4a: {  	_ =	shalt  }
0x4b: {  	_ =	shalt  }
0x4c: {  	_ =	shalt  }
0x4d: {  	_ =	shalt  }
0x4e: {  	_ =	shalt  }
0x4f: {  	_ =	shalt  }
0x50: {  	_ =	shalt  }
0x51: {  	_ =	shalt  }
0x52: {  	_ =	shalt  }
0x53: {  	_ =	shalt  }
0x54: {  	_ =	shalt  }
0x55: {  	_ =	shalt  }
0x56: {  	_ =	shalt  }
0x57: {  	_ =	shalt  }
0x58: {  	_ =	shalt  }
0x59: {  	_ =	shalt  }
0x5a: {  	_ =	shalt  }
0x5b: {  	_ =	shalt  }
0x5c: {  	_ =	shalt  }
0x5d: {  	_ =	shalt  }
0x5e: {  	_ =	shalt  }
0x5f: {  	_ =	shalt  }
0x60: {  	_ =	shalt  }
0x61: {  	_ =	shalt  }
0x62: {  	_ =	shalt  }
0x63: {  	_ =	shalt  }
0x64: {  	_ =	shalt  }
0x65: {  	_ =	shalt  }
0x66: {  	_ =	shalt  }
0x67: {  	_ =	shalt  }
0x68: {  	_ =	shalt  }
0x69: {  	_ =	shalt  }
0x6a: {  	_ =	shalt  }
0x6b: {  	_ =	shalt  }
0x6c: {  	_ =	shalt  }
0x6d: {  	_ =	shalt  }
0x6e: {  	_ =	shalt  }
0x6f: {  	_ =	shalt  }
0x70: {  	_ =	shalt  }
0x71: {  	_ =	shalt  }
0x72: {  	_ =	shalt  }
0x73: {  	_ =	shalt  }
0x74: {  	_ =	shalt  }
0x75: {  	_ =	shalt  }
0x76: {  	_ =	shalt  }
0x77: {  	_ =	shalt  }
0x78: {  	_ =	shalt  }
0x79: {  	_ =	shalt  }
0x7a: {  	_ =	shalt  }
0x7b: {  	_ =	shalt  }
0x7c: {  	_ =	shalt  }
0x7d: {  	_ =	shalt  }
0x7e: {  	_ =	shalt  }
0x7f: {  	_ =	shalt  }
0x80: {  	_ =	shalt  }
0x81: {  	_ =	shalt  }
0x82: {  	_ =	shalt  }
0x83: {  	_ =	shalt  }
0x84: {  	_ =	shalt  }
0x85: {  	_ =	shalt  }
0x86: {  	_ =	shalt  }
0x87: {  	_ =	shalt  }
.Lfunc_end0:
.L_simem_size_0:
called_computation.3_lowered:
.L_overlay_start_0:
0x88: {  	s2 =	sld [smem:$0x3FD9]  }
0x89: {  	s3 =	sld [smem:$0x3FFE];
	_ =	sdelay $0x1  }
0x8a: {  	s1 =	srdreg.scid  }
0x8b: {  	s0 =	sand.u32 $0x1, s1  }
0x8c: {  	s17 =	sshll.u32 s0, $0xA;
	s2 =	sadd.s32 s3, s2  }
0x8d: {  	s2 =	sadd.s32 s2, s17  }
0x8e: {  	[smem:$0x3F9A] =	sst s2  }
0x8f: {  	_ = 	snop  }
0x90: {  	s2 =	sld [smem:$0x3FD0];
	(tm) =	ssettm $0x1  }
0x91: {  	s18 =	sld [smem:$0x3FFB];
	_ =	sdelay $0x3  }
0x92: {  	_ =	strace s18  }
0x93: {  	s3 =	sld [smem:$0x3FFC];
	_ =	sdelay $0x3  }
0x94: {  	_ =	strace s3  }
0x95: {  	s3 =	sld [smem:$0x3FFD];
	_ =	sdelay $0x3  }
0x96: {  	_ =	strace s3  }
0x97: {  	_ =	strace $0x8FFFFFFF  }
0x98: {  	s19 =	sld [smem:$0x3FDB];
	_ =	sdelay $0x1  }
0x99: {  	s4 =	simm.s32 $_scs_section_size  }
0x9a: {  	s5 =	simm.s32 $_size__tile_overlayer_lowered;
	s6 =	simm.s32 $_tile_overlayer_lowered  }
0x9b: {  	s22 =	simm.s32 $0x1BFF;
	s21 =	sshll.u32 s6, $0x1;
	s3 =	sadd.s32 s4, s19  }
0x9c: {  	s7 =	simm.s32 $0x0;
	s20 =	sshll.u32 s5, $0x1;
	s5 =	sadd.s32 s21, s3  }
0x9d: {  	[timem:s7], [sflag:s22] =	dma.local [hbm:s5], s20  }
0x9e: {  	_ =	swait.ge [sflag:s22], s20  }
0x9f: {  	s4 =	ssub.s32 $0x0, s20;
	[sflag:s22] =	ssyncset.done $0x0  }
0xa0: {  	[sflag:s22] =	ssyncadd.s32 s4;
	_ =	sdelay $0x1  }
0xa1: {  	s23 =	simm.s32 $0x1B8B  }
0xa2: {  	_ =	swait.ge [sflag:s23], $0x1  }
0xa3: {  	[sflag:s23] =	ssyncset.done $0x0  }
0xa4: {  	s25 =	simm.s32 $0x1B8E;
	s24 =	sld [smem:$0x3FFE];
	[sflag:s23] =	ssyncadd.s32 $0xFFFFFFFF  }
0xa5: {  	s26 =	simm.s32 $execute0_lowered;
	[smem:$0x3FD2] =	sst s25  }
0xa6: {  	s5 =	sshll.u32 s26, $0x1;
	_ =	strace $0x8000004F;
	[dreg:$0x1] =	wrdreg $0xFFFFFFFF  }
0xa7: {  	s28 =	simm.s32 $_size_execute0_lowered;
	s3 =	sadd.s32 s3, s5;
	[dreg:$0x0] =	wrdreg $0x0  }
0xa8: {  	s5 =	sshll.u32 s28, $0x1;
	[dreg:$0x2] =	wrdreg s3  }
0xa9: {  	[dreg:$0x3] =	wrdreg s5  }
0xaa: {  	[dreg:$0x4] =	wrdreg $0xC0  }
0xab: {  	_ =	task [dreg:s7], $0x5FFFF  }
0xac: {  	[dreg:$0x1] =	wrdreg $0xFFFFFFFF  }
0xad: {  	[dreg:$0x0] =	wrdreg $0x60  }
0xae: {  	[dreg:$0x2] =	wrdreg s24  }
0xaf: {  	[dreg:$0x3] =	wrdreg s2  }
0xb0: {  	[dreg:$0x4] =	wrdreg $0x9  }
0xb1: {  	_ =	task.clear_ibuf [dreg:s7], $0x5FFFF;
	_ =	strace $0x9000004F  }
0xb2: {  	s29 =	simm.s32 $0x9;
	_ =	strace $0x80000051  }
0xb3: {  	_ =	swait.ge [sflag:s29], $0x1  }
0xb4: {  	[sflag:s29] =	ssyncadd.s32 $0xFFFFFFFF  }
0xb5: {  	_ =	strace $0x90000051  }
0xb6: {  	_ =	sfence  }
0xb7: {  	s30 =	sld [smem:$0x0];
	_ =	sdelay $0x2  }
0xb8: {  	s31 =	sshll.u32 s1, $0xD;
	s1 =	sshrl.u32 s1, $0x2  }
0xb9: {  	s3 =	sand.u32 $0x4000, s31;
	s1 =	sadd.s32 s1, s30  }
0xba: {  	s0 =	sor.u32 s3, s0;
	s1 =	sshll.u32 s1, $0x11  }
0xbb: {  	s0 =	sor.u32 s1, s0  }
0xbc: {  	s0 =	sadd.s32 $0x8F2B, s0  }
0xbd: {  	[sflag:s0] =	ssyncadd.remote.s32 $0x1  }
0xbe: {  	_ =	sfence.sel $0xFFFF  }
0xbf: {  	[dreg:$0x0] =	wrdreg $0xFFFFFFFF;
	(pc) =	sbr.abs _section_cstart, $3  }
0xc0: {  	[dreg:$0x1] =	wrdreg $0xFFFFFFFF  }
0xc1: {  	_ =	task.clear_ibuf [dreg:s7], $0x2FFFF;
	_ =	strace $0x9FFFFFFF  }
0xc2: {  	(tm) =	ssettm $0x7FFFFFFF  }
0xc3: {  	_ =	shalt  }
tec
execute0_lowered:
.L_overlay_start_1:
0x0: {  	(tag) =	ssettag $0x1  }
0x1: {  	s8 =	rddreg [dreg:$0x0]  }
0x2: {  	s1 =	rddreg [dreg:$0x1];
	s2 =	srdreg.scid  }
0x3: {  	s0 =	rddreg [dreg:$0x2];
	s3 =	simm.s32 $0x0;
	s20 =	simm.s32 $0x0  }
0x4: {  	s9 =	sand.u32 $0x1, s2;
	s2 =	stileid.u32;
	[smem:$0x7FF] =	sst s3  }
0x5: {  	s4 =	sadd.s32 $0x18C00, s8;
	s5 =	sadd.s32 $0x67400, s8;
	s10 =	smul.u32 $0x2740, s9  }
0x6: {  	s6 =	sadd.s32 $0x5200, s8;
	s11 =	smul.u32 $0x280, s2;
	s12 =	ssub.s32 $0x2, s9  }
0x7: {  	_ =	strace $0x80000050;
	s9 =	sshll.u32 s9, $0x4;
	s14 =	sshrl.u32 s12, $0x1  }
0x8: {  	s9 =	sor.u32 s2, s9;
	s7 =	sadd.s32 s11, s10;
	s15 =	smin.u32 s11, $0x24C0  }
.Ltmp0:
0x9: {  	s12 =	ssub.s32 s12, s14;
	s14 =	simm.s32 $0x80;
	(pc) =	sbr.rel .LBB2_1-.Ltmp0, $4  }
0xa: {  	s13 =	sshll.u32 s7, $0x2;
	s31 =	sadd.s32 $0x280, s15;
	s15 =	simm.s32 $0x140  }
0xb: {  	s13 =	sadd.s32 s13, s8;
	s8 =	sadd.s32 s31, s10;
	s16 =	ssub.s32 s31, s11  }
0xc: {  	s11 =	smax.u32 s12, $0x1;
	s12 =	simm.s32 $0x110;
	s10 =	sadd.s32 $0x2C600, s13  }
0xd: {  	v0 =	vimm.f32 $0.0e+00;
	s13 =	simm.s32 $0x1;
	p0 =	sne.s32 s16, $0x280;
	s16 =	simm.s32 $0x0  }
.LBB2_9:
0xe: {  	s17 =	simm.s32 @p0 $0x0;
	s18 =	simm.s32 @p0 $0x1140  }
0xf: {  	[hbm4b:s10+s17] =	stream.linear.scatter @p0 [tilespmem:s18], [sflag:$0x1], $0x3800, $0x38;
	[tilespmem:$0x6140] =	vst v63  }
0x10: {  	s17 =	simm.s32 @p0 $0x1  }
0x11: {  	_ =	swait.ge @p0 [sflag:s17], $0x3800  }
0x12: {  	s16 =	sadd.s32 $0x1, s16;
	s18 =	simm.s32 @!p0 $0x1140;
	[sflag:s17] =	ssyncset.done @p0 $0x0  }
0x13: {  	p1 =	sne.s32 s16, s11;
	[sflag:s17] =	ssyncadd.s32 @p0 $0xFFFFC800;
	s17 =	simm.s32 @!p0 $0x0  }
0x14: {  	[hbm4b:s10+s17] =	stream.linear.scatter @!p0 [tilespmem:s18], [sflag:$0x1], $0x5000, $0x38;
	[tilespmem:$0x6140] =	vst v63  }
.Ltmp1:
0x15: {  	_ = 	snop;
	(pc) =	sbr.rel @!p1 .LBB2_10-.Ltmp1, $4  }
0x16: {  	s17 =	simm.s32 @!p0 $0x1  }
0x17: {  	_ =	swait.ge @!p0 [sflag:s17], $0x5000  }
0x18: {  	[sflag:s17] =	ssyncset.done @!p0 $0x0  }
0x19: {  	[sflag:s17] =	ssyncadd.s32 @!p0 $0xFFFFB000  }
.LBB2_1:
0x1a: {  	[tilespmem:s12], [sflag:$0x1] =	stream.linear.gather [hbm4b:s1+s3], $0x30, $0x38;
	[tilespmem:$0x6140] =	vst v63  }
0x1b: {  	_ =	swait.ge [sflag:s13], $0x30  }
0x1c: {  	[sflag:s13] =	ssyncset.done $0x0  }
0x1d: {  	s17 =	simm.s32 $0x40;
	s18 =	simm.s32 $0x0;
	[sflag:s13] =	ssyncadd.s32 $0xFFFFFFD0  }
.LBB2_2:
0x1e: {  	p1 =	sne.s32 s17, $0x13FC0;
	[tilespmem:s18+$0x1140] =	vst v0;
	s18 =	smov.u32 s17;
	s17 =	sadd.s32 $0x40, s17  }
.Ltmp2:
0x1f: {  	(pc) =	sbr.rel @p1 .LBB2_2-.Ltmp2, $2  }
0x20: {  	_ =	sdelay $0x2  }
0x21: {  	s18 =	sshra.s32 s18, $0x2  }
0x22: {  	[tilespmem:s18+$0x1140] =	vst v0  }
0x23: {  	v1 =	vld [tilespmem:s9+$0x110];
	_ =	sdelay $0x4  }
0x24: {  	(v2sf) =	vpush v1, $0x0;
	_ =	sdelay $0x6  }
0x25: {  	(v2sf) =	vpush v1, $0x1;
	_ =	sdelay $0x7  }
0x26: {  	s17 =	spop (v2sf)  }
0x27: {  	s26 =	sand.u32 $0x7, s17  }
0x28: {  	s19 =	sshra.s32 s17, $0x1F;
	p1 =	slt.s32 s17, $0x1;
	p2 =	sne.s32 s26, $0x0  }
0x29: {  	s28 =	sshrl.u32 s19, $0x1D;
	p1 =	por !p1, !p2  }
0x2a: {  	s18 =	simm.s32 $0x1;
	s17 =	sadd.s32 s28, s17;
	p1 =	por !p1, !p1  }
0x2b: {  	s17 =	sshrl.u32 s17, $0x3;
	s18 =	simm.s32 @!p1 $0x0  }
0x2c: {  	s17 =	ssub.s32 s17, s18  }
0x2d: {  	s29 =	spop (v2sf);
	s17 =	sshll.u32 s17, $0x3  }
0x2e: {  	s18 =	ssub.s32 s29, s17  }
0x2f: {  	s18 =	sadd.s32 $0x7F, s18  }
0x30: {  	s30 =	sand.u32 $0x7F, s18  }
0x31: {  	s31 =	sshra.s32 s18, $0x1F;
	p6 =	slt.s32 s18, $0x1;
	p5 =	sne.s32 s30, $0x0  }
0x32: {  	s19 =	sshrl.u32 s31, $0x19;
	p1 =	por !p6, !p5  }
0x33: {  	s18 =	sadd.s32 s19, s18;
	s19 =	simm.s32 $0x1;
	p1 =	por !p1, !p1  }
0x34: {  	s18 =	sshra.s32 s18, $0x7;
	s19 =	simm.s32 @!p1 $0x0  }
0x35: {  	s18 =	ssub.s32 s18, s19  }
0x36: {  	p1 =	slt.s32 s18, $0x1  }
.Ltmp3:
0x37: {  	_ = 	snop;
	(pc) =	sbr.rel @p1 .LBB2_9-.Ltmp3, $1  }
0x38: {  	_ =	sdelay $0x3  }
0x39: {  	s19 =	simm.s32 $0xFFFFFFFF;
	v1 =	vimm.f32 $0.0e+00;
	v2 =	vimm.f32 $0.0e+00;
	s21 =	simm.s32 $0x0  }
.LBB2_5:
0x3a: {  	s22 =	sshll.u32 s21, $0x7  }
0x3b: {  	s22 =	sadd.s32 s17, s22  }
0x3c: {  	s22 =	sshrl.u32 s22, $0x3  }
0x3d: {  	s23 =	sadd.s32 s5, s22  }
0x3e: {  	[tilespmem:s20], [sflag:$0x1] =	stream.linear.gather [hbm4b:s23+s20], $0x80, $0x38;
	[tilespmem:$0x6140] =	vst v63  }
0x3f: {  	_ =	swait.ge [sflag:s13], $0x80  }
0x40: {  	[sflag:s13] =	ssyncset.done $0x0  }
0x41: {  	s22 =	sadd.s32 s6, s22;
	[sflag:s13] =	ssyncadd.s32 $0xFFFFFF80  }
0x42: {  	[tilespmem:s14], [sflag:$0x1] =	stream.linear.gather [hbm4b:s22+s20], $0x80, $0x38;
	[tilespmem:$0x6140] =	vst v63  }
0x43: {  	_ =	swait.ge [sflag:s13], $0x80  }
0x44: {  	[sflag:s13] =	ssyncset.done $0x0  }
0x45: {  	[sflag:s13] =	ssyncadd.s32 $0xFFFFFF80  }
0x46: {  	[tilespmem:s15], [sflag:$0x1] =	stream.indirect.gather [hbm4b:s4+s14], $0x20, s20, s14, $0xb8;
	[tilespmem:$0x6140] =	vst v63  }
0x47: {  	_ =	swait.ge [sflag:s13], $0x1000  }
0x48: {  	[sflag:s13] =	ssyncset.done $0x0  }
0x49: {  	s31 =	simm.s32 $0x0;
	[sflag:s13] =	ssyncadd.s32 $0xFFFFF000  }
0x4a: {  	v3 =	vld [tilespmem:s31+$0x80];
	_ =	sdelay $0x4  }
0x4b: {  	(v2sf) =	vpush v3, $0x0;
	_ =	sdelay $0xe  }
0x4c: {  	s24 =	spop (v2sf)  }
0x4d: {  	p1 =	sge.s32 s24, s7;
	p2 =	slt.s32 s24, s8  }
0x4e: {  	p1 =	por !p1, !p2;
	p2 =	slt.s32 s19, $0x0  }
0x4f: {  	p1 =	por !p1, !p1;
	p3 =	seq.s32 @!p2 s24, s19  }
0x50: {  	p3 =	por @!p2 !p1, p3  }
0x51: {  	p3 =	por p3, p2  }
0x52: {  	s22 =	ssub.s32 @!p3 s19, s7  }
0x53: {  	s22 =	sshll.u32 @!p3 s22, $0x7  }
0x54: {  	s25 =	sshra.s32 @!p3 s22, $0x2  }
0x55: {  	s23 =	simm.s32 $0x4;
	[tilespmem:s25+$0x1140] =	vst @!p3 v2  }
0x56: {  	p2 =	sne.s32 s24, s19;
	s19 =	smov.u32 @p1 s24;
	s22 =	simm.s32 $0x150;
	[tilespmem:s25+$0x1150] =	vst @!p3 v1  }
.LBB2_6:
0x57: {  	s24 =	sshra.s32 s23, $0x2;
	v3 =	vld [tilespmem:s22+$0xFFFFFFF0];
	s25 =	smov.u32 s19  }
0x58: {  	s23 =	sadd.s32 $0x4, s23;
	v4 =	vld [tilespmem:s24+$0x80]  }
0x59: {  	p3 =	sne.s32 s23, $0x200;
	v5 =	vld [tilespmem:s22+$0x0];
	_ =	sdelay $0x2  }
0x5a: {  	v6 =	vadd.f32 v3, v2  }
0x5b: {  	(v2sf) =	vpush v4, $0x0  }
0x5c: {  	v3 =	vpsel p2, v3, v6;
	v4 =	vadd.f32 v5, v1  }
0x5d: {  	v2 =	vpsel p1, v3, v2  }
0x5e: {  	v3 =	vpsel p2, v5, v4  }
0x5f: {  	v1 =	vpsel p1, v3, v1;
	_ =	sdelay $0xa  }
0x60: {  	s24 =	spop (v2sf)  }
0x61: {  	p1 =	sge.s32 s24, s7;
	p4 =	slt.s32 s24, s8;
	p2 =	sne.s32 s24, s19  }
0x62: {  	p1 =	por !p1, !p4;
	p4 =	slt.s32 s19, $0x0  }
0x63: {  	p1 =	por !p1, !p1;
	p5 =	seq.s32 @!p4 s24, s19  }
0x64: {  	p5 =	por @!p4 !p1, p5;
	s19 =	smov.u32 @p1 s24  }
0x65: {  	p4 =	por p5, p4  }
.Ltmp4:
0x66: {  	s24 =	ssub.s32 @!p4 s25, s7;
	(pc) =	sbr.rel @p3 .LBB2_6-.Ltmp4, $4  }
0x67: {  	s24 =	sshll.u32 @!p4 s24, $0x7  }
0x68: {  	s24 =	sshra.s32 @!p4 s24, $0x2  }
0x69: {  	[tilespmem:s24+$0x1140] =	vst @!p4 v2  }
0x6a: {  	s22 =	sadd.s32 $0x20, s22;
	[tilespmem:s24+$0x1150] =	vst @!p4 v1  }
0x6b: {  	v3 =	vld [tilespmem:s22+$0xFFFFFFF0]  }
0x6c: {  	v4 =	vld [tilespmem:s22+$0x0];
	_ =	sdelay $0x4  }
0x6d: {  	v5 =	vadd.f32 v3, v2;
	v6 =	vadd.f32 v4, v1  }
0x6e: {  	s21 =	sadd.s32 $0x1, s21  }
0x6f: {  	v3 =	vpsel p2, v3, v5;
	v4 =	vpsel p2, v4, v6;
	p2 =	sne.s32 s21, s18  }
.Ltmp5:
0x70: {  	_ = 	snop;
	(pc) =	sbr.rel @p2 .LBB2_5-.Ltmp5, $2  }
0x71: {  	_ =	sdelay $0x2  }
0x72: {  	v2 =	vpsel p1, v3, v2;
	v1 =	vpsel p1, v4, v1  }
0x73: {  	p1 =	slt.s32 s19, $0x0  }
.Ltmp6:
0x74: {  	s17 =	ssub.s32 @!p1 s19, s7;
	(pc) =	sbr.rel .LBB2_9-.Ltmp6, $4  }
0x75: {  	s17 =	sshll.u32 @!p1 s17, $0x7  }
0x76: {  	s17 =	sshra.s32 @!p1 s17, $0x2  }
0x77: {  	[tilespmem:s17+$0x1140] =	vst @!p1 v2  }
0x78: {  	[tilespmem:s17+$0x1150] =	vst @!p1 v1  }
.LBB2_10:
0x79: {  	_ =	sfence.sel $0x180000  }
0x7a: {  	[bflag:$0x0] =	sbarrier.arrive $0xFFFF  }
0x7b: {  	p0 =	sne.s32 s2, $0x0;
	_ =	strace $0x90000050  }
0x7c: {  	s0 =	sadd.s32 @!p0 $0x100000, s0;
	[bflag:$0x2] =	sbarrier.arrive $0xFFFF  }
0x7d: {  	[sflag:s0] =	ssyncadd.tile.s32 @!p0 $0x1;
	_ =	shalt  }
.Lfunc_end2:
_tile_overlayer_lowered:
.L_overlay_start_2:
0x7e: {  	(tag) =	ssettag $0x2  }
0x7f: {  	s0 =	rddreg [dreg:$0x0];
	s2 =	stileid.u32  }
0x80: {  	s1 =	rddreg [dreg:$0x1];
	p0 =	sne.s32 s2, $0x0  }
0x81: {  	s3 =	rddreg [dreg:$0x2];
	[bflag:$0x3] =	sbarrier.arrive $0xFFFF;
	s2 =	simm.s32 @!p0 $0x1C01  }
0x82: {  	[timem:s3], [sflag:s2] =	dma.local @!p0 [hbm:s0], s1  }
0x83: {  	s0 =	simm.s32 @!p0 $0x1  }
0x84: {  	_ =	swait.ge @!p0 [sflag:s0], s1  }
0x85: {  	s1 =	ssub.s32 @!p0 $0x0, s1;
	[sflag:s0] =	ssyncset.done @!p0 $0x0  }
0x86: {  	[sflag:s0] =	ssyncadd.s32 @!p0 s1  }
0x87: {  	[bflag:$0x3] =	sbarrier.arrive $0xFFFF  }
0x88: {  	_ =	shalt  }

</sc_bundles>
